<compile_context>
chip_gen: v7x
topology: tpu7x:2x2x1
jax: 0.10.2.dev20260603
libtpu: 0.0.44.dev20260713+nightly
codegen_flags: <defaults>
</compile_context>

<pallas_src>
import functools

import jax
import jax.numpy as jnp
from jax import lax
from jax.experimental import pallas as pl
from jax.experimental.pallas import tpu as pltpu
from jax.experimental.pallas import tpu_sc as plsc

N = 10000
E = 320000
C = 64
FW = 128
NSUB = 16
NCORE = 2
K = 128
NCH = E // K
NCF = NCH // NSUB
NEX = NCH - NCF * NSUB
NP = 10240
NPT = NP // NSUB

_mesh = plsc.VectorSubcoreMesh(core_axis_name="c", subcore_axis_name="s")


@functools.partial(
    pl.kernel,
    out_type=(jax.ShapeDtypeStruct((NP, FW), jnp.float32),
              jax.ShapeDtypeStruct((NP, FW), jnp.float32)),
    mesh=_mesh,
    scratch_types=[
        [pltpu.VMEM((2, K), jnp.int32)] * 4,
        pltpu.VMEM((2, K), jnp.int32),
        [pltpu.VMEM((K, FW), jnp.float32)] * 2,
        pltpu.VMEM_SHARED((NP, FW), jnp.float32),
        [pltpu.SemaphoreType.DMA] * 4,
        pltpu.SemaphoreType.DMA,
        [pltpu.SemaphoreType.DMA] * 2,
        [pltpu.SemaphoreType.DMA] * 2,
    ],
)
def _sc_segment_sum(t_hbm, e_hbm, zero_hbm, a0_hbm, a1_hbm,
                    e, et, r, acc, si, sit, sg, ss):
    c = lax.axis_index("c")
    s = lax.axis_index("s")
    cN = c * N

    pltpu.sync_copy(zero_hbm.at[pl.ds(s * NPT, NPT)],
                    acc.at[pl.ds(s * NPT, NPT)])
    plsc.subcore_barrier()

    def idx_start(j, t):
        pltpu.async_copy(e_hbm.at[s * NCF + t], e[j], si[j])

    def idx_wait(j):
        pltpu.make_async_copy(e_hbm.at[0], e[j], si[j]).wait()

    def adjust(j):
        for q in range(K // 16):
            sl = pl.ds(q * 16, 16)
            e[j][0, sl] = e[j][0, sl] + cN

    def gather_start(b, j):
        pltpu.async_copy(t_hbm.at[e[j].at[0]], r[b], sg[b])

    def gather_wait(b, j):
        pltpu.make_async_copy(t_hbm.at[e[j].at[0]], r[b], sg[b]).wait()

    def scat_start(b, j):
        pltpu.async_copy(r[b], acc.at[e[j].at[1]], ss[b], add=True)

    def scat_wait(b, j):
        pltpu.make_async_copy(r[b], acc.at[e[j].at[1]], ss[b]).wait()

    for t in range(3):
        idx_start(t, t)
    idx_wait(0)
    adjust(0)
    gather_start(0, 0)

    def quad(qi, _):
        u0 = 4 * qi
        for j in range(4):
            u = u0 + j
            b = j % 2
            nb = (j + 1) % 2

            @pl.when(u > 0)
            def _():
                scat_wait(nb, (j + 3) % 4)

            idx_start((j + 3) % 4, u + 3)
            idx_wait((j + 1) % 4)
            adjust((j + 1) % 4)
            gather_start(nb, (j + 1) % 4)
            gather_wait(b, j)
            scat_start(b, j)
        return 0

    lax.fori_loop(0, NCF // 4 - 1, quad, 0)

    has_extra = s < NEX

    scat_wait(1, 3)
    idx_start(3, NCF - 1)
    idx_wait(1)
    adjust(1)
    gather_start(1, 1)
    gather_wait(0, 0)
    scat_start(0, 0)
    scat_wait(0, 0)

    @pl.when(has_extra)
    def _():
        pltpu.async_copy(e_hbm.at[NSUB * NCF + s], et, sit)

    idx_wait(2)
    adjust(2)
    gather_start(0, 2)
    gather_wait(1, 1)
    scat_start(1, 1)
    scat_wait(1, 1)
    idx_wait(3)
    adjust(3)
    gather_start(1, 3)
    gather_wait(0, 2)
    scat_start(0, 2)
    scat_wait(0, 2)

    @pl.when(has_extra)
    def _():
        pltpu.make_async_copy(e_hbm.at[0], et, sit).wait()
        for q in range(K // 16):
            sl = pl.ds(q * 16, 16)
            et[0, sl] = et[0, sl] + cN
        pltpu.async_copy(t_hbm.at[et.at[0]], r[0], sg[0])

    gather_wait(1, 3)
    scat_start(1, 3)
    scat_wait(1, 3)

    @pl.when(has_extra)
    def _():
        pltpu.make_async_copy(t_hbm.at[et.at[0]], r[0], sg[0]).wait()
        pltpu.sync_copy(r[0], acc.at[et.at[1]], add=True)

    plsc.subcore_barrier()

    @pl.when(c == 0)
    def _():
        pltpu.sync_copy(acc.at[pl.ds(s * NPT, NPT)],
                        a0_hbm.at[pl.ds(s * NPT, NPT)])

    @pl.when(c == 1)
    def _():
        pltpu.sync_copy(acc.at[pl.ds(s * NPT, NPT)],
                        a1_hbm.at[pl.ds(s * NPT, NPT)])


_BN = 2000


def _pre_body(x_ref, y_ref, w_ref, d_ref, m_ref):
    m_ref[...] = (
        jnp.dot(x_ref[...], w_ref[0:128, :], preferred_element_type=jnp.float32)
        + jnp.dot(y_ref[...], w_ref[128:256, :],
                  preferred_element_type=jnp.float32)
        + d_ref[...])


def _pre(xf, yf, Wn, degrow):
    return pl.pallas_call(
        _pre_body,
        grid=(2, N // _BN),
        in_specs=[
            pl.BlockSpec((_BN, 128), lambda j, i: (i, 0)),
            pl.BlockSpec((_BN, 128), lambda j, i: (i, 0)),
            pl.BlockSpec((256, FW), lambda j, i: (0, j)),
            pl.BlockSpec((1, FW), lambda j, i: (0, j)),
        ],
        out_specs=pl.BlockSpec((_BN, FW), lambda j, i: (j * (N // _BN) + i, 0)),
        out_shape=jax.ShapeDtypeStruct((2 * N, FW), jnp.float32),
    )(xf, yf, Wn, degrow)


def _post_body(x_ref, y_ref, a0_ref, a1_ref, w_ref, b_ref, ox_ref, oy_ref):
    xb = x_ref[...]
    yb = y_ref[...]
    ox_ref[...] = (
        jnp.dot(xb, w_ref[0:128, 0:128], preferred_element_type=jnp.float32)
        + jnp.dot(yb, w_ref[128:256, 0:128],
                  preferred_element_type=jnp.float32)
        + a0_ref[...] + b_ref[:, 0:128])
    oy_ref[...] = (
        jnp.dot(xb, w_ref[0:128, 128:256], preferred_element_type=jnp.float32)
        + jnp.dot(yb, w_ref[128:256, 128:256],
                  preferred_element_type=jnp.float32)
        + a1_ref[...] + b_ref[:, 128:256])


def _post(xf, yf, A0, A1, Ws, bias):
    return pl.pallas_call(
        _post_body,
        grid=(N // _BN,),
        in_specs=[
            pl.BlockSpec((_BN, 128), lambda i: (i, 0)),
            pl.BlockSpec((_BN, 128), lambda i: (i, 0)),
            pl.BlockSpec((_BN, FW), lambda i: (i, 0)),
            pl.BlockSpec((_BN, FW), lambda i: (i, 0)),
            pl.BlockSpec((256, 256), lambda i: (0, 0)),
            pl.BlockSpec((1, 256), lambda i: (0, 0)),
        ],
        out_specs=[
            pl.BlockSpec((_BN, 128), lambda i: (i, 0)),
            pl.BlockSpec((_BN, 128), lambda i: (i, 0)),
        ],
        out_shape=[
            jax.ShapeDtypeStruct((N, 128), jnp.float32),
            jax.ShapeDtypeStruct((N, 128), jnp.float32),
        ],
    )(xf, yf, A0, A1, Ws, bias)


def _combine(coef_W_pairs):
    B = sum(jnp.einsum('ab,kp->akbp', cf, W) for cf, W in coef_W_pairs)
    return B.reshape(2 * C, 2 * C)


def _side(W_self, W_neigh, b_mod, pw, pb, lw, lb, hw, hb, mi):
    m0, m1, m2, m3, m4 = mi
    I2 = jnp.eye(2, dtype=jnp.float32)
    half = jnp.full((2, 2), 0.5, jnp.float32)
    alpha = [(I2, m0), (half, m1)]
    beta = [(0.5 * jnp.ones((2, 1)) * pw, m2), (lw[0], m3), (lw[1], m3 + 1),
            (hw, m4)]
    gammas = [(pb, m2), (lb[0], m3), (lb[1], m3 + 1), (hb, m4)]
    Wa_s = _combine([(cf, W_self[m]) for cf, m in alpha])
    Wb_s = _combine([(cf, W_self[m]) for cf, m in beta])
    Wa_n = _combine([(cf, W_neigh[m]) for cf, m in alpha])
    Wb_n = _combine([(cf, W_neigh[m]) for cf, m in beta])
    const = sum(g[:, None] * W_self[m].sum(axis=0)[None, :] for g, m in gammas)
    const = const + sum(b_mod[m][None, :] for m in (m0, m1, m2, m3, m3 + 1, m4))
    degc = sum(g[:, None] * W_neigh[m].sum(axis=0)[None, :] for g, m in gammas)
    return Wa_s, Wb_s, Wa_n, Wb_n, const.reshape(2 * C), degc.reshape(2 * C)


def kernel(x, y, edge_index, pool2x_w, pool2x_b, pool2y_w, pool2y_b, ls2x_w,
           ls2x_b, ls2y_w, ls2y_b, ls2x_het_w, ls2x_het_b, ls2y_het_w,
           ls2y_het_b, W_self, W_neigh, b_mod):
    Wxx_s, Wxy_s, Wxx_n, Wxy_n, const_x, degc_x = _side(
        W_self, W_neigh, b_mod, pool2x_w, pool2x_b, ls2x_w, ls2x_b,
        ls2x_het_w, ls2x_het_b, (0, 1, 2, 6, 10))
    Wyy_s, Wyx_s, Wyy_n, Wyx_n, const_y, degc_y = _side(
        W_self, W_neigh, b_mod, pool2y_w, pool2y_b, ls2y_w, ls2y_b,
        ls2y_het_w, ls2y_het_b, (3, 4, 5, 8, 11))

    Ws = jnp.block([[Wxx_s, Wyx_s], [Wxy_s, Wyy_s]])
    Wn = jnp.block([[Wxx_n, Wyx_n], [Wxy_n, Wyy_n]])
    degrow = jnp.concatenate([degc_x, degc_y]).reshape(1, 256)
    bias = jnp.concatenate([const_x, const_y]).reshape(1, 256)

    xf = x.reshape(N, 2 * C)
    yf = y.reshape(N, 2 * C)
    T = _pre(xf, yf, Wn, degrow)

    e2 = edge_index.reshape(2, NCH, K).transpose(1, 0, 2)
    zero = jnp.zeros((NP, FW), jnp.float32)
    A0, A1 = _sc_segment_sum(T, e2, zero)

    OX, OY = _post(xf, yf, A0, A1, Ws, bias)
    return OX.reshape(N, 2, C), OY.reshape(N, 2, C)

# --- scband reference (transcript-rebuilt; emitter-appended) ---
"""Pipeline reference for scband-equiv-layer-74620761800925 (READ-ONLY COPY).

The authoritative reference and input builder live on the scoring server;
editing this copy changes nothing except your own understanding.
"""

import jax, jax.numpy as jnp
import numpy as np

N = 10000
E = 320000
D = 2
C_IN = 64
C_OUT = 64

def setup_inputs(seed: int = 0):
    key = jax.random.key(seed)
    ks = jax.random.split(key, 20)
    sc = 1.0 / np.sqrt(C_IN)
    inp = {}
    inp["x"] = jax.random.normal(ks[0], (N, D, C_IN), dtype=jnp.float32)
    inp["y"] = jax.random.normal(ks[1], (N, D, C_IN), dtype=jnp.float32)
    inp["edge_index"] = jax.random.randint(ks[2], (2, E), 0, N, dtype=jnp.int32)
    inp["pool2x_w"] = jax.random.normal(ks[3], (1, D), dtype=jnp.float32)
    inp["pool2x_b"] = jax.random.normal(ks[4], (D,), dtype=jnp.float32)
    inp["pool2y_w"] = jax.random.normal(ks[5], (1, D), dtype=jnp.float32)
    inp["pool2y_b"] = jax.random.normal(ks[6], (D,), dtype=jnp.float32)
    inp["ls2x_w"] = jax.random.normal(ks[7], (2, D, D), dtype=jnp.float32)
    inp["ls2x_b"] = jax.random.normal(ks[8], (2, D), dtype=jnp.float32)
    inp["ls2y_w"] = jax.random.normal(ks[9], (2, D, D), dtype=jnp.float32)
    inp["ls2y_b"] = jax.random.normal(ks[10], (2, D), dtype=jnp.float32)
    inp["ls2x_het_w"] = jax.random.normal(ks[11], (D, D), dtype=jnp.float32)
    inp["ls2x_het_b"] = jax.random.normal(ks[12], (D,), dtype=jnp.float32)
    inp["ls2y_het_w"] = jax.random.normal(ks[13], (D, D), dtype=jnp.float32)
    inp["ls2y_het_b"] = jax.random.normal(ks[14], (D,), dtype=jnp.float32)
    inp["W_self"] = jax.random.normal(ks[15], (12, C_IN, C_OUT), dtype=jnp.float32) * sc
    inp["W_neigh"] = jax.random.normal(ks[16], (12, C_IN, C_OUT), dtype=jnp.float32) * sc
    inp["b_mod"] = jax.random.normal(ks[17], (12, C_OUT), dtype=jnp.float32) * sc
    return inp

def _gnn(h, Ws, Wn, b, src, dst, n):
    # GraphConv-style module: self transform + sum-aggregated neighbor transform
    out = jnp.einsum('ndk,kp->ndp', h, Ws)
    msg = jnp.einsum('edk,kp->edp', h[src], Wn)
    out = out + jax.ops.segment_sum(msg, dst, num_segments=n)
    return out + b

def _single(a, bt, pw, pb, lw, lb, hw, hb, W_self, W_neigh, b_mod, mi, src, dst, n):
    out = _gnn(a, W_self[mi[0]], W_neigh[mi[0]], b_mod[mi[0]], src, dst, n)
    out = out + _gnn(a.mean(axis=1, keepdims=True), W_self[mi[1]], W_neigh[mi[1]], b_mod[mi[1]], src, dst, n)
    pooled = jnp.einsum('ndk,dp->npk', bt.mean(axis=1, keepdims=True), pw) + pb[:, None]
    out = out + _gnn(pooled, W_self[mi[2]], W_neigh[mi[2]], b_mod[mi[2]], src, dst, n)
    for l in range(2):  # ls_num_layers + 1 = 2
        t = jnp.einsum('ndk,dp->npk', bt, lw[l]) + lb[l][:, None]
        out = out + _gnn(t, W_self[mi[3] + l], W_neigh[mi[3] + l], b_mod[mi[3] + l], src, dst, n)
        if l != 0:
            th = jnp.einsum('ndk,dp->npk', bt, hw) + hb[:, None]
            out = out + _gnn(th, W_self[mi[4]], W_neigh[mi[4]], b_mod[mi[4]], src, dst, n)
    return out

def _forward(x, y, pool2x_w, pool2x_b, pool2y_w, pool2y_b, ls2x_w, ls2x_b, ls2y_w, ls2y_b, ls2x_het_w, ls2x_het_b, ls2y_het_w, ls2y_het_b, W_self, W_neigh, b_mod, src, dst):
    n = x.shape[0]
    out_x = _single(x, y, pool2x_w, pool2x_b, ls2x_w, ls2x_b, ls2x_het_w, ls2x_het_b, W_self, W_neigh, b_mod, (0, 1, 2, 6, 10), src, dst, n)
    out_y = _single(y, x, pool2y_w, pool2y_b, ls2y_w, ls2y_b, ls2y_het_w, ls2y_het_b, W_self, W_neigh, b_mod, (3, 4, 5, 8, 11), src, dst, n)
    return out_x, out_y

def reference(x, y, edge_index, pool2x_w, pool2x_b, pool2y_w, pool2y_b, ls2x_w, ls2x_b, ls2y_w, ls2y_b, ls2x_het_w, ls2x_het_b, ls2y_het_w, ls2y_het_b, W_self, W_neigh, b_mod):
    src = edge_index[0]
    dst = edge_index[1]
    return _forward(x, y, pool2x_w, pool2x_b, pool2y_w, pool2y_b, ls2x_w, ls2x_b, ls2y_w, ls2y_b, ls2x_het_w, ls2x_het_b, ls2y_het_w, ls2y_het_b, W_self, W_neigh, b_mod, src, dst)

if __name__ == "__main__":
    import jax
    _d = setup_inputs()
    print(jax.jit(kernel)(*tuple(_d.values())))

</pallas_src>

<mosaic_0001>
#map = affine_map<(d0, d1) -> (0, 0)>
#map1 = affine_map<(d0, d1) -> (0, 0, 0)>
module attributes {stable_mosaic.version = 14 : i64} {
  func.func @_sc_segment_sum(%arg0: i32, %arg1: i32, %arg2: memref<20000x128xf32, #tpu.memory_space<hbm>>, %arg3: memref<2500x2x128xi32, #tpu.memory_space<hbm>>, %arg4: memref<10240x128xf32, #tpu.memory_space<hbm>>, %arg5: memref<10240x128xf32, #tpu.memory_space<hbm>>, %arg6: memref<10240x128xf32, #tpu.memory_space<hbm>>, %arg7: memref<2x128xi32, #tpu.memory_space<vmem>>, %arg8: memref<2x128xi32, #tpu.memory_space<vmem>>, %arg9: memref<2x128xi32, #tpu.memory_space<vmem>>, %arg10: memref<2x128xi32, #tpu.memory_space<vmem>>, %arg11: memref<2x128xi32, #tpu.memory_space<vmem>>, %arg12: memref<128x128xf32, #tpu.memory_space<vmem>>, %arg13: memref<128x128xf32, #tpu.memory_space<vmem>>, %arg14: memref<10240x128xf32, #tpu.memory_space<vmem_shared>>, %arg15: memref<!tpu.dma_semaphore, #tpu.memory_space<semaphore_mem>>, %arg16: memref<!tpu.dma_semaphore, #tpu.memory_space<semaphore_mem>>, %arg17: memref<!tpu.dma_semaphore, #tpu.memory_space<semaphore_mem>>, %arg18: memref<!tpu.dma_semaphore, #tpu.memory_space<semaphore_mem>>, %arg19: memref<!tpu.dma_semaphore, #tpu.memory_space<semaphore_mem>>, %arg20: memref<!tpu.dma_semaphore, #tpu.memory_space<semaphore_mem>>, %arg21: memref<!tpu.dma_semaphore, #tpu.memory_space<semaphore_mem>>, %arg22: memref<!tpu.dma_semaphore, #tpu.memory_space<semaphore_mem>>, %arg23: memref<!tpu.dma_semaphore, #tpu.memory_space<semaphore_mem>>) attributes {dimension_semantics = [#tpu.dimension_semantics<core_parallel>, #tpu.dimension_semantics<subcore_parallel>], iteration_bounds = array<i64: 2, 16>, scalar_prefetch = 0 : i64, scratch_operands = 17 : i64, tpu.core_type = #tpu.core_type<sc_vector_subcore>, window_params = [{transform_indices = #map}, {transform_indices = #map1}, {transform_indices = #map}, {transform_indices = #map}, {transform_indices = #map}]} {
    %mul3A = arith.constant 10000 : i32
    %mul3A_0 = arith.muli %arg0, %mul3A : i32
    %mul3A_1 = arith.constant 640 : i32
    %mul3A_2 = arith.muli %arg1, %mul3A_1 : i32
    %mul3A_3 = arith.constant 640 : i32
    %mul3A_4 = arith.muli %arg1, %mul3A_3 : i32
    "tpu.region"() ({
      %run_scoped3A = tpu.sem_alloc : memref<!tpu.dma_semaphore, #tpu.memory_space<semaphore_mem>>
      %dma_start3A_643 = arith.constant 0 : i32
      %dma_start3A_644 = tpu.memref_slice %arg14[%mul3A_4, %dma_start3A_643] : memref<10240x128xf32, #tpu.memory_space<vmem_shared>> -> memref<640x128xf32, #tpu.memory_space<vmem_shared>>
      %dma_start3A_645 = arith.constant 0 : i32
      %dma_start3A_646 = tpu.memref_slice %arg4[%mul3A_2, %dma_start3A_645] : memref<10240x128xf32, #tpu.memory_space<hbm>> -> memref<640x128xf32, #tpu.memory_space<hbm>>
      tpu.enqueue_dma source(%dma_start3A_646 : memref<640x128xf32, #tpu.memory_space<hbm>>) target(%dma_start3A_644 : memref<640x128xf32, #tpu.memory_space<vmem_shared>>) target_semaphore(%run_scoped3A : memref<!tpu.dma_semaphore, #tpu.memory_space<semaphore_mem>>)
      %dma_wait3A_647 = arith.constant 0 : i32
      %dma_wait3A_648 = tpu.memref_slice %arg14[%mul3A_4, %dma_wait3A_647] : memref<10240x128xf32, #tpu.memory_space<vmem_shared>> -> memref<640x128xf32, #tpu.memory_space<vmem_shared>>
      %dma_wait3A_649 = arith.constant 0 : i32
      %dma_wait3A_650 = tpu.memref_slice %arg4[%mul3A_2, %dma_wait3A_649] : memref<10240x128xf32, #tpu.memory_space<hbm>> -> memref<640x128xf32, #tpu.memory_space<hbm>>
      tpu.wait_dma2 semaphore(%run_scoped3A : memref<!tpu.dma_semaphore, #tpu.memory_space<semaphore_mem>>) src(%dma_wait3A_650 : memref<640x128xf32, #tpu.memory_space<hbm>>) dst(%dma_wait3A_648 : memref<640x128xf32, #tpu.memory_space<vmem_shared>>)
      tpu.yield
    }) : () -> ()
    %barrier3A = arith.constant 0 : index
    tpu.barrier barrier_id(%barrier3A)
    %mul3A_5 = arith.constant 156 : i32
    %mul3A_6 = arith.muli %arg1, %mul3A_5 : i32
    %add3A = arith.constant 0 : i32
    %add3A_7 = arith.addi %mul3A_6, %add3A : i32
    %dma_start3A = arith.constant 0 : i32
    %dma_start3A_8 = arith.constant 0 : i32
    %dma_start3A_9 = tpu.memref_slice %arg3[%add3A_7, %dma_start3A, %dma_start3A_8] : memref<2500x2x128xi32, #tpu.memory_space<hbm>> -> memref<1x2x128xi32, #tpu.memory_space<hbm>>
    %dma_start3A_10 = tpu.memref_squeeze %dma_start3A_9 : memref<1x2x128xi32, #tpu.memory_space<hbm>> -> memref<2x128xi32, #tpu.memory_space<hbm>>
    %dma_start3A_11 = arith.constant 0 : i32
    %dma_start3A_12 = arith.constant 0 : i32
    %dma_start3A_13 = tpu.memref_slice %arg3[%add3A_7, %dma_start3A_11, %dma_start3A_12] : memref<2500x2x128xi32, #tpu.memory_space<hbm>> -> memref<1x2x128xi32, #tpu.memory_space<hbm>>
    %dma_start3A_14 = tpu.memref_squeeze %dma_start3A_13 : memref<1x2x128xi32, #tpu.memory_space<hbm>> -> memref<2x128xi32, #tpu.memory_space<hbm>>
    tpu.enqueue_dma source(%dma_start3A_14 : memref<2x128xi32, #tpu.memory_space<hbm>>) target(%arg7 : memref<2x128xi32, #tpu.memory_space<vmem>>) target_semaphore(%arg15 : memref<!tpu.dma_semaphore, #tpu.memory_space<semaphore_mem>>)
    %mul3A_15 = arith.constant 156 : i32
    %mul3A_16 = arith.muli %arg1, %mul3A_15 : i32
    %add3A_17 = arith.constant 1 : i32
    %add3A_18 = arith.addi %mul3A_16, %add3A_17 : i32
    %dma_start3A_19 = arith.constant 0 : i32
    %dma_start3A_20 = arith.constant 0 : i32
    %dma_start3A_21 = tpu.memref_slice %arg3[%add3A_18, %dma_start3A_19, %dma_start3A_20] : memref<2500x2x128xi32, #tpu.memory_space<hbm>> -> memref<1x2x128xi32, #tpu.memory_space<hbm>>
    %dma_start3A_22 = tpu.memref_squeeze %dma_start3A_21 : memref<1x2x128xi32, #tpu.memory_space<hbm>> -> memref<2x128xi32, #tpu.memory_space<hbm>>
    %dma_start3A_23 = arith.constant 0 : i32
    %dma_start3A_24 = arith.constant 0 : i32
    %dma_start3A_25 = tpu.memref_slice %arg3[%add3A_18, %dma_start3A_23, %dma_start3A_24] : memref<2500x2x128xi32, #tpu.memory_space<hbm>> -> memref<1x2x128xi32, #tpu.memory_space<hbm>>
    %dma_start3A_26 = tpu.memref_squeeze %dma_start3A_25 : memref<1x2x128xi32, #tpu.memory_space<hbm>> -> memref<2x128xi32, #tpu.memory_space<hbm>>
    tpu.enqueue_dma source(%dma_start3A_26 : memref<2x128xi32, #tpu.memory_space<hbm>>) target(%arg8 : memref<2x128xi32, #tpu.memory_space<vmem>>) target_semaphore(%arg16 : memref<!tpu.dma_semaphore, #tpu.memory_space<semaphore_mem>>)
    %mul3A_27 = arith.constant 156 : i32
    %mul3A_28 = arith.muli %arg1, %mul3A_27 : i32
    %add3A_29 = arith.constant 2 : i32
    %add3A_30 = arith.addi %mul3A_28, %add3A_29 : i32
    %dma_start3A_31 = arith.constant 0 : i32
    %dma_start3A_32 = arith.constant 0 : i32
    %dma_start3A_33 = tpu.memref_slice %arg3[%add3A_30, %dma_start3A_31, %dma_start3A_32] : memref<2500x2x128xi32, #tpu.memory_space<hbm>> -> memref<1x2x128xi32, #tpu.memory_space<hbm>>
    %dma_start3A_34 = tpu.memref_squeeze %dma_start3A_33 : memref<1x2x128xi32, #tpu.memory_space<hbm>> -> memref<2x128xi32, #tpu.memory_space<hbm>>
    %dma_start3A_35 = arith.constant 0 : i32
    %dma_start3A_36 = arith.constant 0 : i32
    %dma_start3A_37 = tpu.memref_slice %arg3[%add3A_30, %dma_start3A_35, %dma_start3A_36] : memref<2500x2x128xi32, #tpu.memory_space<hbm>> -> memref<1x2x128xi32, #tpu.memory_space<hbm>>
    %dma_start3A_38 = tpu.memref_squeeze %dma_start3A_37 : memref<1x2x128xi32, #tpu.memory_space<hbm>> -> memref<2x128xi32, #tpu.memory_space<hbm>>
    tpu.enqueue_dma source(%dma_start3A_38 : memref<2x128xi32, #tpu.memory_space<hbm>>) target(%arg9 : memref<2x128xi32, #tpu.memory_space<vmem>>) target_semaphore(%arg17 : memref<!tpu.dma_semaphore, #tpu.memory_space<semaphore_mem>>)
    %dma_wait3A = arith.constant 0 : i32
    %dma_wait3A_39 = arith.constant 0 : i32
    %dma_wait3A_40 = arith.constant 0 : i32
    %dma_wait3A_41 = tpu.memref_slice %arg3[%dma_wait3A, %dma_wait3A_39, %dma_wait3A_40] : memref<2500x2x128xi32, #tpu.memory_space<hbm>> -> memref<1x2x128xi32, #tpu.memory_space<hbm>>
    %dma_wait3A_42 = tpu.memref_squeeze %dma_wait3A_41 : memref<1x2x128xi32, #tpu.memory_space<hbm>> -> memref<2x128xi32, #tpu.memory_space<hbm>>
    %dma_wait3A_43 = arith.constant 0 : i32
    %dma_wait3A_44 = arith.constant 0 : i32
    %dma_wait3A_45 = tpu.memref_slice %arg3[%dma_wait3A, %dma_wait3A_43, %dma_wait3A_44] : memref<2500x2x128xi32, #tpu.memory_space<hbm>> -> memref<1x2x128xi32, #tpu.memory_space<hbm>>
    %dma_wait3A_46 = tpu.memref_squeeze %dma_wait3A_45 : memref<1x2x128xi32, #tpu.memory_space<hbm>> -> memref<2x128xi32, #tpu.memory_space<hbm>>
    tpu.wait_dma2 semaphore(%arg15 : memref<!tpu.dma_semaphore, #tpu.memory_space<semaphore_mem>>) src(%dma_wait3A_46 : memref<2x128xi32, #tpu.memory_space<hbm>>) dst(%arg7 : memref<2x128xi32, #tpu.memory_space<vmem>>)
    %get3A = arith.constant 0 : i32
    %get3A_47 = arith.index_cast %get3A : i32 to index
    %get3A_48 = arith.constant 0 : index
    %get3A_49 = tpu.vector_load %arg7[%get3A_47, %get3A_48] {strides = array<i32>} : memref<2x128xi32, #tpu.memory_space<vmem>>, vector<1x16xi32>,
    %get3A_50 = vector.shape_cast %get3A_49 : vector<1x16xi32> to vector<16xi32>
    %add3A_51 = vector.broadcast %mul3A_0 : i32 to vector<16xi32>
    %add3A_52 = arith.addi %get3A_50, %add3A_51 : vector<16xi32>
    %swap3A = arith.constant 0 : i32
    %swap3A_53 = arith.index_cast %swap3A : i32 to index
    %swap3A_54 = arith.constant 0 : index
    %swap3A_55 = tpu.vector_load %arg7[%swap3A_53, %swap3A_54] {strides = array<i32>} : memref<2x128xi32, #tpu.memory_space<vmem>>, vector<1x16xi32>,
    %swap3A_56 = vector.shape_cast %swap3A_55 : vector<1x16xi32> to vector<16xi32>
    %swap3A_57 = vector.shape_cast %add3A_52 : vector<16xi32> to vector<1x16xi32>
    tpu.vector_store %arg7[%swap3A_53, %swap3A_54], %swap3A_57 {strides = array<i32>} : memref<2x128xi32, #tpu.memory_space<vmem>>, vector<1x16xi32>,
    %get3A_58 = arith.constant 0 : i32
    %get3A_59 = arith.index_cast %get3A_58 : i32 to index
    %get3A_60 = arith.constant 16 : index
    %get3A_61 = tpu.vector_load %arg7[%get3A_59, %get3A_60] {strides = array<i32>} : memref<2x128xi32, #tpu.memory_space<vmem>>, vector<1x16xi32>,
    %get3A_62 = vector.shape_cast %get3A_61 : vector<1x16xi32> to vector<16xi32>
    %add3A_63 = vector.broadcast %mul3A_0 : i32 to vector<16xi32>
    %add3A_64 = arith.addi %get3A_62, %add3A_63 : vector<16xi32>
    %swap3A_65 = arith.constant 0 : i32
    %swap3A_66 = arith.index_cast %swap3A_65 : i32 to index
    %swap3A_67 = arith.constant 16 : index
    %swap3A_68 = tpu.vector_load %arg7[%swap3A_66, %swap3A_67] {strides = array<i32>} : memref<2x128xi32, #tpu.memory_space<vmem>>, vector<1x16xi32>,
    %swap3A_69 = vector.shape_cast %swap3A_68 : vector<1x16xi32> to vector<16xi32>
    %swap3A_70 = vector.shape_cast %add3A_64 : vector<16xi32> to vector<1x16xi32>
    tpu.vector_store %arg7[%swap3A_66, %swap3A_67], %swap3A_70 {strides = array<i32>} : memref<2x128xi32, #tpu.memory_space<vmem>>, vector<1x16xi32>,
    %get3A_71 = arith.constant 0 : i32
    %get3A_72 = arith.index_cast %get3A_71 : i32 to index
    %get3A_73 = arith.constant 32 : index
    %get3A_74 = tpu.vector_load %arg7[%get3A_72, %get3A_73] {strides = array<i32>} : memref<2x128xi32, #tpu.memory_space<vmem>>, vector<1x16xi32>,
    %get3A_75 = vector.shape_cast %get3A_74 : vector<1x16xi32> to vector<16xi32>
    %add3A_76 = vector.broadcast %mul3A_0 : i32 to vector<16xi32>
    %add3A_77 = arith.addi %get3A_75, %add3A_76 : vector<16xi32>
    %swap3A_78 = arith.constant 0 : i32
    %swap3A_79 = arith.index_cast %swap3A_78 : i32 to index
    %swap3A_80 = arith.constant 32 : index
    %swap3A_81 = tpu.vector_load %arg7[%swap3A_79, %swap3A_80] {strides = array<i32>} : memref<2x128xi32, #tpu.memory_space<vmem>>, vector<1x16xi32>,
    %swap3A_82 = vector.shape_cast %swap3A_81 : vector<1x16xi32> to vector<16xi32>
    %swap3A_83 = vector.shape_cast %add3A_77 : vector<16xi32> to vector<1x16xi32>
    tpu.vector_store %arg7[%swap3A_79, %swap3A_80], %swap3A_83 {strides = array<i32>} : memref<2x128xi32, #tpu.memory_space<vmem>>, vector<1x16xi32>,
    %get3A_84 = arith.constant 0 : i32
    %get3A_85 = arith.index_cast %get3A_84 : i32 to index
    %get3A_86 = arith.constant 48 : index
    %get3A_87 = tpu.vector_load %arg7[%get3A_85, %get3A_86] {strides = array<i32>} : memref<2x128xi32, #tpu.memory_space<vmem>>, vector<1x16xi32>,
    %get3A_88 = vector.shape_cast %get3A_87 : vector<1x16xi32> to vector<16xi32>
    %add3A_89 = vector.broadcast %mul3A_0 : i32 to vector<16xi32>
    %add3A_90 = arith.addi %get3A_88, %add3A_89 : vector<16xi32>
    %swap3A_91 = arith.constant 0 : i32
    %swap3A_92 = arith.index_cast %swap3A_91 : i32 to index
    %swap3A_93 = arith.constant 48 : index
    %swap3A_94 = tpu.vector_load %arg7[%swap3A_92, %swap3A_93] {strides = array<i32>} : memref<2x128xi32, #tpu.memory_space<vmem>>, vector<1x16xi32>,
    %swap3A_95 = vector.shape_cast %swap3A_94 : vector<1x16xi32> to vector<16xi32>
    %swap3A_96 = vector.shape_cast %add3A_90 : vector<16xi32> to vector<1x16xi32>
    tpu.vector_store %arg7[%swap3A_92, %swap3A_93], %swap3A_96 {strides = array<i32>} : memref<2x128xi32, #tpu.memory_space<vmem>>, vector<1x16xi32>,
    %get3A_97 = arith.constant 0 : i32
    %get3A_98 = arith.index_cast %get3A_97 : i32 to index
    %get3A_99 = arith.constant 64 : index
    %get3A_100 = tpu.vector_load %arg7[%get3A_98, %get3A_99] {strides = array<i32>} : memref<2x128xi32, #tpu.memory_space<vmem>>, vector<1x16xi32>,
    %get3A_101 = vector.shape_cast %get3A_100 : vector<1x16xi32> to vector<16xi32>
    %add3A_102 = vector.broadcast %mul3A_0 : i32 to vector<16xi32>
    %add3A_103 = arith.addi %get3A_101, %add3A_102 : vector<16xi32>
    %swap3A_104 = arith.constant 0 : i32
    %swap3A_105 = arith.index_cast %swap3A_104 : i32 to index
    %swap3A_106 = arith.constant 64 : index
    %swap3A_107 = tpu.vector_load %arg7[%swap3A_105, %swap3A_106] {strides = array<i32>} : memref<2x128xi32, #tpu.memory_space<vmem>>, vector<1x16xi32>,
    %swap3A_108 = vector.shape_cast %swap3A_107 : vector<1x16xi32> to vector<16xi32>
    %swap3A_109 = vector.shape_cast %add3A_103 : vector<16xi32> to vector<1x16xi32>
    tpu.vector_store %arg7[%swap3A_105, %swap3A_106], %swap3A_109 {strides = array<i32>} : memref<2x128xi32, #tpu.memory_space<vmem>>, vector<1x16xi32>,
    %get3A_110 = arith.constant 0 : i32
    %get3A_111 = arith.index_cast %get3A_110 : i32 to index
    %get3A_112 = arith.constant 80 : index
    %get3A_113 = tpu.vector_load %arg7[%get3A_111, %get3A_112] {strides = array<i32>} : memref<2x128xi32, #tpu.memory_space<vmem>>, vector<1x16xi32>,
    %get3A_114 = vector.shape_cast %get3A_113 : vector<1x16xi32> to vector<16xi32>
    %add3A_115 = vector.broadcast %mul3A_0 : i32 to vector<16xi32>
    %add3A_116 = arith.addi %get3A_114, %add3A_115 : vector<16xi32>
    %swap3A_117 = arith.constant 0 : i32
    %swap3A_118 = arith.index_cast %swap3A_117 : i32 to index
    %swap3A_119 = arith.constant 80 : index
    %swap3A_120 = tpu.vector_load %arg7[%swap3A_118, %swap3A_119] {strides = array<i32>} : memref<2x128xi32, #tpu.memory_space<vmem>>, vector<1x16xi32>,
    %swap3A_121 = vector.shape_cast %swap3A_120 : vector<1x16xi32> to vector<16xi32>
    %swap3A_122 = vector.shape_cast %add3A_116 : vector<16xi32> to vector<1x16xi32>
    tpu.vector_store %arg7[%swap3A_118, %swap3A_119], %swap3A_122 {strides = array<i32>} : memref<2x128xi32, #tpu.memory_space<vmem>>, vector<1x16xi32>,
    %get3A_123 = arith.constant 0 : i32
    %get3A_124 = arith.index_cast %get3A_123 : i32 to index
    %get3A_125 = arith.constant 96 : index
    %get3A_126 = tpu.vector_load %arg7[%get3A_124, %get3A_125] {strides = array<i32>} : memref<2x128xi32, #tpu.memory_space<vmem>>, vector<1x16xi32>,
    %get3A_127 = vector.shape_cast %get3A_126 : vector<1x16xi32> to vector<16xi32>
    %add3A_128 = vector.broadcast %mul3A_0 : i32 to vector<16xi32>
    %add3A_129 = arith.addi %get3A_127, %add3A_128 : vector<16xi32>
    %swap3A_130 = arith.constant 0 : i32
    %swap3A_131 = arith.index_cast %swap3A_130 : i32 to index
    %swap3A_132 = arith.constant 96 : index
    %swap3A_133 = tpu.vector_load %arg7[%swap3A_131, %swap3A_132] {strides = array<i32>} : memref<2x128xi32, #tpu.memory_space<vmem>>, vector<1x16xi32>,
    %swap3A_134 = vector.shape_cast %swap3A_133 : vector<1x16xi32> to vector<16xi32>
    %swap3A_135 = vector.shape_cast %add3A_129 : vector<16xi32> to vector<1x16xi32>
    tpu.vector_store %arg7[%swap3A_131, %swap3A_132], %swap3A_135 {strides = array<i32>} : memref<2x128xi32, #tpu.memory_space<vmem>>, vector<1x16xi32>,
    %get3A_136 = arith.constant 0 : i32
    %get3A_137 = arith.index_cast %get3A_136 : i32 to index
    %get3A_138 = arith.constant 112 : index
    %get3A_139 = tpu.vector_load %arg7[%get3A_137, %get3A_138] {strides = array<i32>} : memref<2x128xi32, #tpu.memory_space<vmem>>, vector<1x16xi32>,
    %get3A_140 = vector.shape_cast %get3A_139 : vector<1x16xi32> to vector<16xi32>
    %add3A_141 = vector.broadcast %mul3A_0 : i32 to vector<16xi32>
    %add3A_142 = arith.addi %get3A_140, %add3A_141 : vector<16xi32>
    %swap3A_143 = arith.constant 0 : i32
    %swap3A_144 = arith.index_cast %swap3A_143 : i32 to index
    %swap3A_145 = arith.constant 112 : index
    %swap3A_146 = tpu.vector_load %arg7[%swap3A_144, %swap3A_145] {strides = array<i32>} : memref<2x128xi32, #tpu.memory_space<vmem>>, vector<1x16xi32>,
    %swap3A_147 = vector.shape_cast %swap3A_146 : vector<1x16xi32> to vector<16xi32>
    %swap3A_148 = vector.shape_cast %add3A_142 : vector<16xi32> to vector<1x16xi32>
    tpu.vector_store %arg7[%swap3A_144, %swap3A_145], %swap3A_148 {strides = array<i32>} : memref<2x128xi32, #tpu.memory_space<vmem>>, vector<1x16xi32>,
    %dma_start3A_149 = arith.constant 0 : i32
    %dma_start3A_150 = arith.constant 0 : i32
    %dma_start3A_151 = tpu.memref_slice %arg7[%dma_start3A_149, %dma_start3A_150] : memref<2x128xi32, #tpu.memory_space<vmem>> -> memref<1x128xi32, #tpu.memory_space<vmem>>
    %dma_start3A_152 = tpu.memref_squeeze %dma_start3A_151 : memref<1x128xi32, #tpu.memory_space<vmem>> -> memref<128xi32, #tpu.memory_space<vmem>>
    %dma_start3A_153 = arith.constant 0 : i32
    %dma_start3A_154 = arith.constant 0 : i32
    %dma_start3A_155 = tpu.memref_slice %arg2[%dma_start3A_153, %dma_start3A_154] : memref<20000x128xf32, #tpu.memory_space<hbm>> -> memref<20000x128xf32, #tpu.memory_space<hbm>>
    tpu.enqueue_indirect_dma source(%dma_start3A_155 : memref<20000x128xf32, #tpu.memory_space<hbm>>) target(%arg12 : memref<128x128xf32, #tpu.memory_space<vmem>>) offsets(%dma_start3A_152 : memref<128xi32, #tpu.memory_space<vmem>>) semaphore(%arg20 : memref<!tpu.dma_semaphore, #tpu.memory_space<semaphore_mem>>)
    %scan3A = arith.constant 0 : i32
    %scan3A_156 = arith.constant 0 : i32
    %scan3A_157 = arith.constant 38 : i32
    %scan3A_158 = arith.addi %scan3A_156, %scan3A_157 : i32
    %scan3A_159 = arith.constant 1 : i32
    %scan3A_160 = scf.for %scan3A_643 = %scan3A_156 to %scan3A_158 step %scan3A_159 iter_args(%scan3A_644 = %scan3A) -> (i32)  : i32 {
      %mul3A_645 = arith.constant 4 : i32
      %mul3A_646 = arith.muli %mul3A_645, %scan3A_643 : i32
      %add3A_647 = arith.constant 0 : i32
      %add3A_648 = arith.addi %mul3A_646, %add3A_647 : i32
      %gt3A = arith.constant 0 : i32
      %gt3A_649 = arith.cmpi sgt, %add3A_648, %gt3A : i32
      %convert_element_type3A_650 = arith.extui %gt3A_649 : i1 to i32
      %cond3A_651 = arith.constant 0 : i32
      %cond3A_652 = arith.cmpi ne, %convert_element_type3A_650, %cond3A_651 : i32
      scf.if %cond3A_652 {
        %dma_wait3A_1263 = arith.constant 1 : i32
        %dma_wait3A_1264 = arith.constant 0 : i32
        %dma_wait3A_1265 = tpu.memref_slice %arg10[%dma_wait3A_1263, %dma_wait3A_1264] : memref<2x128xi32, #tpu.memory_space<vmem>> -> memref<1x128xi32, #tpu.memory_space<vmem>>
        %dma_wait3A_1266 = tpu.memref_squeeze %dma_wait3A_1265 : memref<1x128xi32, #tpu.memory_space<vmem>> -> memref<128xi32, #tpu.memory_space<vmem>>
        %dma_wait3A_1267 = arith.constant 0 : i32
        %dma_wait3A_1268 = arith.constant 0 : i32
        %dma_wait3A_1269 = tpu.memref_slice %arg14[%dma_wait3A_1267, %dma_wait3A_1268] : memref<10240x128xf32, #tpu.memory_space<vmem_shared>> -> memref<10240x128xf32, #tpu.memory_space<vmem_shared>>
        tpu.wait_indirect_dma semaphore(%arg23 : memref<!tpu.dma_semaphore, #tpu.memory_space<semaphore_mem>>) src(%arg13 : memref<128x128xf32, #tpu.memory_space<vmem>>) dst(%dma_wait3A_1269 : memref<10240x128xf32, #tpu.memory_space<vmem_shared>>)
      } else {
      }
      %add3A_653 = arith.constant 3 : i32
      %add3A_654 = arith.addi %add3A_648, %add3A_653 : i32
      %mul3A_655 = arith.constant 156 : i32
      %mul3A_656 = arith.muli %arg1, %mul3A_655 : i32
      %add3A_657 = arith.addi %mul3A_656, %add3A_654 : i32
      %dma_start3A_658 = arith.constant 0 : i32
      %dma_start3A_659 = arith.constant 0 : i32
      %dma_start3A_660 = tpu.memref_slice %arg3[%add3A_657, %dma_start3A_658, %dma_start3A_659] : memref<2500x2x128xi32, #tpu.memory_space<hbm>> -> memref<1x2x128xi32, #tpu.memory_space<hbm>>
      %dma_start3A_661 = tpu.memref_squeeze %dma_start3A_660 : memref<1x2x128xi32, #tpu.memory_space<hbm>> -> memref<2x128xi32, #tpu.memory_space<hbm>>
      %dma_start3A_662 = arith.constant 0 : i32
      %dma_start3A_663 = arith.constant 0 : i32
      %dma_start3A_664 = tpu.memref_slice %arg3[%add3A_657, %dma_start3A_662, %dma_start3A_663] : memref<2500x2x128xi32, #tpu.memory_space<hbm>> -> memref<1x2x128xi32, #tpu.memory_space<hbm>>
      %dma_start3A_665 = tpu.memref_squeeze %dma_start3A_664 : memref<1x2x128xi32, #tpu.memory_space<hbm>> -> memref<2x128xi32, #tpu.memory_space<hbm>>
      tpu.enqueue_dma source(%dma_start3A_665 : memref<2x128xi32, #tpu.memory_space<hbm>>) target(%arg10 : memref<2x128xi32, #tpu.memory_space<vmem>>) target_semaphore(%arg18 : memref<!tpu.dma_semaphore, #tpu.memory_space<semaphore_mem>>)
      %dma_wait3A_666 = arith.constant 0 : i32
      %dma_wait3A_667 = arith.constant 0 : i32
      %dma_wait3A_668 = arith.constant 0 : i32
      %dma_wait3A_669 = tpu.memref_slice %arg3[%dma_wait3A_666, %dma_wait3A_667, %dma_wait3A_668] : memref<2500x2x128xi32, #tpu.memory_space<hbm>> -> memref<1x2x128xi32, #tpu.memory_space<hbm>>
      %dma_wait3A_670 = tpu.memref_squeeze %dma_wait3A_669 : memref<1x2x128xi32, #tpu.memory_space<hbm>> -> memref<2x128xi32, #tpu.memory_space<hbm>>
      %dma_wait3A_671 = arith.constant 0 : i32
      %dma_wait3A_672 = arith.constant 0 : i32
      %dma_wait3A_673 = tpu.memref_slice %arg3[%dma_wait3A_666, %dma_wait3A_671, %dma_wait3A_672] : memref<2500x2x128xi32, #tpu.memory_space<hbm>> -> memref<1x2x128xi32, #tpu.memory_space<hbm>>
      %dma_wait3A_674 = tpu.memref_squeeze %dma_wait3A_673 : memref<1x2x128xi32, #tpu.memory_space<hbm>> -> memref<2x128xi32, #tpu.memory_space<hbm>>
      tpu.wait_dma2 semaphore(%arg16 : memref<!tpu.dma_semaphore, #tpu.memory_space<semaphore_mem>>) src(%dma_wait3A_674 : memref<2x128xi32, #tpu.memory_space<hbm>>) dst(%arg8 : memref<2x128xi32, #tpu.memory_space<vmem>>)
      %get3A_675 = arith.constant 0 : i32
      %get3A_676 = arith.index_cast %get3A_675 : i32 to index
      %get3A_677 = arith.constant 0 : index
      %get3A_678 = tpu.vector_load %arg8[%get3A_676, %get3A_677] {strides = array<i32>} : memref<2x128xi32, #tpu.memory_space<vmem>>, vector<1x16xi32>,
      %get3A_679 = vector.shape_cast %get3A_678 : vector<1x16xi32> to vector<16xi32>
      %add3A_680 = vector.broadcast %mul3A_0 : i32 to vector<16xi32>
      %add3A_681 = arith.addi %get3A_679, %add3A_680 : vector<16xi32>
      %swap3A_682 = arith.constant 0 : i32
      %swap3A_683 = arith.index_cast %swap3A_682 : i32 to index
      %swap3A_684 = arith.constant 0 : index
      %swap3A_685 = tpu.vector_load %arg8[%swap3A_683, %swap3A_684] {strides = array<i32>} : memref<2x128xi32, #tpu.memory_space<vmem>>, vector<1x16xi32>,
      %swap3A_686 = vector.shape_cast %swap3A_685 : vector<1x16xi32> to vector<16xi32>
      %swap3A_687 = vector.shape_cast %add3A_681 : vector<16xi32> to vector<1x16xi32>
      tpu.vector_store %arg8[%swap3A_683, %swap3A_684], %swap3A_687 {strides = array<i32>} : memref<2x128xi32, #tpu.memory_space<vmem>>, vector<1x16xi32>,
      %get3A_688 = arith.constant 0 : i32
      %get3A_689 = arith.index_cast %get3A_688 : i32 to index
      %get3A_690 = arith.constant 16 : index
      %get3A_691 = tpu.vector_load %arg8[%get3A_689, %get3A_690] {strides = array<i32>} : memref<2x128xi32, #tpu.memory_space<vmem>>, vector<1x16xi32>,
      %get3A_692 = vector.shape_cast %get3A_691 : vector<1x16xi32> to vector<16xi32>
      %add3A_693 = vector.broadcast %mul3A_0 : i32 to vector<16xi32>
      %add3A_694 = arith.addi %get3A_692, %add3A_693 : vector<16xi32>
      %swap3A_695 = arith.constant 0 : i32
      %swap3A_696 = arith.index_cast %swap3A_695 : i32 to index
      %swap3A_697 = arith.constant 16 : index
      %swap3A_698 = tpu.vector_load %arg8[%swap3A_696, %swap3A_697] {strides = array<i32>} : memref<2x128xi32, #tpu.memory_space<vmem>>, vector<1x16xi32>,
      %swap3A_699 = vector.shape_cast %swap3A_698 : vector<1x16xi32> to vector<16xi32>
      %swap3A_700 = vector.shape_cast %add3A_694 : vector<16xi32> to vector<1x16xi32>
      tpu.vector_store %arg8[%swap3A_696, %swap3A_697], %swap3A_700 {strides = array<i32>} : memref<2x128xi32, #tpu.memory_space<vmem>>, vector<1x16xi32>,
      %get3A_701 = arith.constant 0 : i32
      %get3A_702 = arith.index_cast %get3A_701 : i32 to index
      %get3A_703 = arith.constant 32 : index
      %get3A_704 = tpu.vector_load %arg8[%get3A_702, %get3A_703] {strides = array<i32>} : memref<2x128xi32, #tpu.memory_space<vmem>>, vector<1x16xi32>,
      %get3A_705 = vector.shape_cast %get3A_704 : vector<1x16xi32> to vector<16xi32>
      %add3A_706 = vector.broadcast %mul3A_0 : i32 to vector<16xi32>
      %add3A_707 = arith.addi %get3A_705, %add3A_706 : vector<16xi32>
      %swap3A_708 = arith.constant 0 : i32
      %swap3A_709 = arith.index_cast %swap3A_708 : i32 to index
      %swap3A_710 = arith.constant 32 : index
      %swap3A_711 = tpu.vector_load %arg8[%swap3A_709, %swap3A_710] {strides = array<i32>} : memref<2x128xi32, #tpu.memory_space<vmem>>, vector<1x16xi32>,
      %swap3A_712 = vector.shape_cast %swap3A_711 : vector<1x16xi32> to vector<16xi32>
      %swap3A_713 = vector.shape_cast %add3A_707 : vector<16xi32> to vector<1x16xi32>
      tpu.vector_store %arg8[%swap3A_709, %swap3A_710], %swap3A_713 {strides = array<i32>} : memref<2x128xi32, #tpu.memory_space<vmem>>, vector<1x16xi32>,
      %get3A_714 = arith.constant 0 : i32
      %get3A_715 = arith.index_cast %get3A_714 : i32 to index
      %get3A_716 = arith.constant 48 : index
      %get3A_717 = tpu.vector_load %arg8[%get3A_715, %get3A_716] {strides = array<i32>} : memref<2x128xi32, #tpu.memory_space<vmem>>, vector<1x16xi32>,
      %get3A_718 = vector.shape_cast %get3A_717 : vector<1x16xi32> to vector<16xi32>
      %add3A_719 = vector.broadcast %mul3A_0 : i32 to vector<16xi32>
      %add3A_720 = arith.addi %get3A_718, %add3A_719 : vector<16xi32>
      %swap3A_721 = arith.constant 0 : i32
      %swap3A_722 = arith.index_cast %swap3A_721 : i32 to index
      %swap3A_723 = arith.constant 48 : index
      %swap3A_724 = tpu.vector_load %arg8[%swap3A_722, %swap3A_723] {strides = array<i32>} : memref<2x128xi32, #tpu.memory_space<vmem>>, vector<1x16xi32>,
      %swap3A_725 = vector.shape_cast %swap3A_724 : vector<1x16xi32> to vector<16xi32>
      %swap3A_726 = vector.shape_cast %add3A_720 : vector<16xi32> to vector<1x16xi32>
      tpu.vector_store %arg8[%swap3A_722, %swap3A_723], %swap3A_726 {strides = array<i32>} : memref<2x128xi32, #tpu.memory_space<vmem>>, vector<1x16xi32>,
      %get3A_727 = arith.constant 0 : i32
      %get3A_728 = arith.index_cast %get3A_727 : i32 to index
      %get3A_729 = arith.constant 64 : index
      %get3A_730 = tpu.vector_load %arg8[%get3A_728, %get3A_729] {strides = array<i32>} : memref<2x128xi32, #tpu.memory_space<vmem>>, vector<1x16xi32>,
      %get3A_731 = vector.shape_cast %get3A_730 : vector<1x16xi32> to vector<16xi32>
      %add3A_732 = vector.broadcast %mul3A_0 : i32 to vector<16xi32>
      %add3A_733 = arith.addi %get3A_731, %add3A_732 : vector<16xi32>
      %swap3A_734 = arith.constant 0 : i32
      %swap3A_735 = arith.index_cast %swap3A_734 : i32 to index
      %swap3A_736 = arith.constant 64 : index
      %swap3A_737 = tpu.vector_load %arg8[%swap3A_735, %swap3A_736] {strides = array<i32>} : memref<2x128xi32, #tpu.memory_space<vmem>>, vector<1x16xi32>,
      %swap3A_738 = vector.shape_cast %swap3A_737 : vector<1x16xi32> to vector<16xi32>
      %swap3A_739 = vector.shape_cast %add3A_733 : vector<16xi32> to vector<1x16xi32>
      tpu.vector_store %arg8[%swap3A_735, %swap3A_736], %swap3A_739 {strides = array<i32>} : memref<2x128xi32, #tpu.memory_space<vmem>>, vector<1x16xi32>,
      %get3A_740 = arith.constant 0 : i32
      %get3A_741 = arith.index_cast %get3A_740 : i32 to index
      %get3A_742 = arith.constant 80 : index
      %get3A_743 = tpu.vector_load %arg8[%get3A_741, %get3A_742] {strides = array<i32>} : memref<2x128xi32, #tpu.memory_space<vmem>>, vector<1x16xi32>,
      %get3A_744 = vector.shape_cast %get3A_743 : vector<1x16xi32> to vector<16xi32>
      %add3A_745 = vector.broadcast %mul3A_0 : i32 to vector<16xi32>
      %add3A_746 = arith.addi %get3A_744, %add3A_745 : vector<16xi32>
      %swap3A_747 = arith.constant 0 : i32
      %swap3A_748 = arith.index_cast %swap3A_747 : i32 to index
      %swap3A_749 = arith.constant 80 : index
      %swap3A_750 = tpu.vector_load %arg8[%swap3A_748, %swap3A_749] {strides = array<i32>} : memref<2x128xi32, #tpu.memory_space<vmem>>, vector<1x16xi32>,
      %swap3A_751 = vector.shape_cast %swap3A_750 : vector<1x16xi32> to vector<16xi32>
      %swap3A_752 = vector.shape_cast %add3A_746 : vector<16xi32> to vector<1x16xi32>
      tpu.vector_store %arg8[%swap3A_748, %swap3A_749], %swap3A_752 {strides = array<i32>} : memref<2x128xi32, #tpu.memory_space<vmem>>, vector<1x16xi32>,
      %get3A_753 = arith.constant 0 : i32
      %get3A_754 = arith.index_cast %get3A_753 : i32 to index
      %get3A_755 = arith.constant 96 : index
      %get3A_756 = tpu.vector_load %arg8[%get3A_754, %get3A_755] {strides = array<i32>} : memref<2x128xi32, #tpu.memory_space<vmem>>, vector<1x16xi32>,
      %get3A_757 = vector.shape_cast %get3A_756 : vector<1x16xi32> to vector<16xi32>
      %add3A_758 = vector.broadcast %mul3A_0 : i32 to vector<16xi32>
      %add3A_759 = arith.addi %get3A_757, %add3A_758 : vector<16xi32>
      %swap3A_760 = arith.constant 0 : i32
      %swap3A_761 = arith.index_cast %swap3A_760 : i32 to index
      %swap3A_762 = arith.constant 96 : index
      %swap3A_763 = tpu.vector_load %arg8[%swap3A_761, %swap3A_762] {strides = array<i32>} : memref<2x128xi32, #tpu.memory_space<vmem>>, vector<1x16xi32>,
      %swap3A_764 = vector.shape_cast %swap3A_763 : vector<1x16xi32> to vector<16xi32>
      %swap3A_765 = vector.shape_cast %add3A_759 : vector<16xi32> to vector<1x16xi32>
      tpu.vector_store %arg8[%swap3A_761, %swap3A_762], %swap3A_765 {strides = array<i32>} : memref<2x128xi32, #tpu.memory_space<vmem>>, vector<1x16xi32>,
      %get3A_766 = arith.constant 0 : i32
      %get3A_767 = arith.index_cast %get3A_766 : i32 to index
      %get3A_768 = arith.constant 112 : index
      %get3A_769 = tpu.vector_load %arg8[%get3A_767, %get3A_768] {strides = array<i32>} : memref<2x128xi32, #tpu.memory_space<vmem>>, vector<1x16xi32>,
      %get3A_770 = vector.shape_cast %get3A_769 : vector<1x16xi32> to vector<16xi32>
      %add3A_771 = vector.broadcast %mul3A_0 : i32 to vector<16xi32>
      %add3A_772 = arith.addi %get3A_770, %add3A_771 : vector<16xi32>
      %swap3A_773 = arith.constant 0 : i32
      %swap3A_774 = arith.index_cast %swap3A_773 : i32 to index
      %swap3A_775 = arith.constant 112 : index
      %swap3A_776 = tpu.vector_load %arg8[%swap3A_774, %swap3A_775] {strides = array<i32>} : memref<2x128xi32, #tpu.memory_space<vmem>>, vector<1x16xi32>,
      %swap3A_777 = vector.shape_cast %swap3A_776 : vector<1x16xi32> to vector<16xi32>
      %swap3A_778 = vector.shape_cast %add3A_772 : vector<16xi32> to vector<1x16xi32>
      tpu.vector_store %arg8[%swap3A_774, %swap3A_775], %swap3A_778 {strides = array<i32>} : memref<2x128xi32, #tpu.memory_space<vmem>>, vector<1x16xi32>,
      %dma_start3A_779 = arith.constant 0 : i32
      %dma_start3A_780 = arith.constant 0 : i32
      %dma_start3A_781 = tpu.memref_slice %arg8[%dma_start3A_779, %dma_start3A_780] : memref<2x128xi32, #tpu.memory_space<vmem>> -> memref<1x128xi32, #tpu.memory_space<vmem>>
      %dma_start3A_782 = tpu.memref_squeeze %dma_start3A_781 : memref<1x128xi32, #tpu.memory_space<vmem>> -> memref<128xi32, #tpu.memory_space<vmem>>
      %dma_start3A_783 = arith.constant 0 : i32
      %dma_start3A_784 = arith.constant 0 : i32
      %dma_start3A_785 = tpu.memref_slice %arg2[%dma_start3A_783, %dma_start3A_784] : memref<20000x128xf32, #tpu.memory_space<hbm>> -> memref<20000x128xf32, #tpu.memory_space<hbm>>
      tpu.enqueue_indirect_dma source(%dma_start3A_785 : memref<20000x128xf32, #tpu.memory_space<hbm>>) target(%arg13 : memref<128x128xf32, #tpu.memory_space<vmem>>) offsets(%dma_start3A_782 : memref<128xi32, #tpu.memory_space<vmem>>) semaphore(%arg21 : memref<!tpu.dma_semaphore, #tpu.memory_space<semaphore_mem>>)
      %dma_wait3A_786 = arith.constant 0 : i32
      %dma_wait3A_787 = arith.constant 0 : i32
      %dma_wait3A_788 = tpu.memref_slice %arg7[%dma_wait3A_786, %dma_wait3A_787] : memref<2x128xi32, #tpu.memory_space<vmem>> -> memref<1x128xi32, #tpu.memory_space<vmem>>
      %dma_wait3A_789 = tpu.memref_squeeze %dma_wait3A_788 : memref<1x128xi32, #tpu.memory_space<vmem>> -> memref<128xi32, #tpu.memory_space<vmem>>
      %dma_wait3A_790 = arith.constant 0 : i32
      %dma_wait3A_791 = arith.constant 0 : i32
      %dma_wait3A_792 = tpu.memref_slice %arg2[%dma_wait3A_790, %dma_wait3A_791] : memref<20000x128xf32, #tpu.memory_space<hbm>> -> memref<20000x128xf32, #tpu.memory_space<hbm>>
      tpu.wait_indirect_dma semaphore(%arg20 : memref<!tpu.dma_semaphore, #tpu.memory_space<semaphore_mem>>) src(%dma_wait3A_792 : memref<20000x128xf32, #tpu.memory_space<hbm>>) dst(%arg12 : memref<128x128xf32, #tpu.memory_space<vmem>>)
      %dma_start3A_793 = arith.constant 1 : i32
      %dma_start3A_794 = arith.constant 0 : i32
      %dma_start3A_795 = tpu.memref_slice %arg7[%dma_start3A_793, %dma_start3A_794] : memref<2x128xi32, #tpu.memory_space<vmem>> -> memref<1x128xi32, #tpu.memory_space<vmem>>
      %dma_start3A_796 = tpu.memref_squeeze %dma_start3A_795 : memref<1x128xi32, #tpu.memory_space<vmem>> -> memref<128xi32, #tpu.memory_space<vmem>>
      %dma_start3A_797 = arith.constant 0 : i32
      %dma_start3A_798 = arith.constant 0 : i32
      %dma_start3A_799 = tpu.memref_slice %arg14[%dma_start3A_797, %dma_start3A_798] : memref<10240x128xf32, #tpu.memory_space<vmem_shared>> -> memref<10240x128xf32, #tpu.memory_space<vmem_shared>>
      tpu.enqueue_indirect_dma source(%arg12 : memref<128x128xf32, #tpu.memory_space<vmem>>) target(%dma_start3A_799 : memref<10240x128xf32, #tpu.memory_space<vmem_shared>>) offsets(%dma_start3A_796 : memref<128xi32, #tpu.memory_space<vmem>>) semaphore(%arg22 : memref<!tpu.dma_semaphore, #tpu.memory_space<semaphore_mem>>) {add = true}
      %add3A_800 = arith.constant 1 : i32
      %add3A_801 = arith.addi %mul3A_646, %add3A_800 : i32
      %gt3A_802 = arith.constant 0 : i32
      %gt3A_803 = arith.cmpi sgt, %add3A_801, %gt3A_802 : i32
      %convert_element_type3A_804 = arith.extui %gt3A_803 : i1 to i32
      %cond3A_805 = arith.constant 0 : i32
      %cond3A_806 = arith.cmpi ne, %convert_element_type3A_804, %cond3A_805 : i32
      scf.if %cond3A_806 {
        %dma_wait3A_1263 = arith.constant 1 : i32
        %dma_wait3A_1264 = arith.constant 0 : i32
        %dma_wait3A_1265 = tpu.memref_slice %arg7[%dma_wait3A_1263, %dma_wait3A_1264] : memref<2x128xi32, #tpu.memory_space<vmem>> -> memref<1x128xi32, #tpu.memory_space<vmem>>
        %dma_wait3A_1266 = tpu.memref_squeeze %dma_wait3A_1265 : memref<1x128xi32, #tpu.memory_space<vmem>> -> memref<128xi32, #tpu.memory_space<vmem>>
        %dma_wait3A_1267 = arith.constant 0 : i32
        %dma_wait3A_1268 = arith.constant 0 : i32
        %dma_wait3A_1269 = tpu.memref_slice %arg14[%dma_wait3A_1267, %dma_wait3A_1268] : memref<10240x128xf32, #tpu.memory_space<vmem_shared>> -> memref<10240x128xf32, #tpu.memory_space<vmem_shared>>
        tpu.wait_indirect_dma semaphore(%arg22 : memref<!tpu.dma_semaphore, #tpu.memory_space<semaphore_mem>>) src(%arg12 : memref<128x128xf32, #tpu.memory_space<vmem>>) dst(%dma_wait3A_1269 : memref<10240x128xf32, #tpu.memory_space<vmem_shared>>)
      } else {
      }
      %add3A_807 = arith.constant 3 : i32
      %add3A_808 = arith.addi %add3A_801, %add3A_807 : i32
      %mul3A_809 = arith.constant 156 : i32
      %mul3A_810 = arith.muli %arg1, %mul3A_809 : i32
      %add3A_811 = arith.addi %mul3A_810, %add3A_808 : i32
      %dma_start3A_812 = arith.constant 0 : i32
      %dma_start3A_813 = arith.constant 0 : i32
      %dma_start3A_814 = tpu.memref_slice %arg3[%add3A_811, %dma_start3A_812, %dma_start3A_813] : memref<2500x2x128xi32, #tpu.memory_space<hbm>> -> memref<1x2x128xi32, #tpu.memory_space<hbm>>
      %dma_start3A_815 = tpu.memref_squeeze %dma_start3A_814 : memref<1x2x128xi32, #tpu.memory_space<hbm>> -> memref<2x128xi32, #tpu.memory_space<hbm>>
      %dma_start3A_816 = arith.constant 0 : i32
      %dma_start3A_817 = arith.constant 0 : i32
      %dma_start3A_818 = tpu.memref_slice %arg3[%add3A_811, %dma_start3A_816, %dma_start3A_817] : memref<2500x2x128xi32, #tpu.memory_space<hbm>> -> memref<1x2x128xi32, #tpu.memory_space<hbm>>
      %dma_start3A_819 = tpu.memref_squeeze %dma_start3A_818 : memref<1x2x128xi32, #tpu.memory_space<hbm>> -> memref<2x128xi32, #tpu.memory_space<hbm>>
      tpu.enqueue_dma source(%dma_start3A_819 : memref<2x128xi32, #tpu.memory_space<hbm>>) target(%arg7 : memref<2x128xi32, #tpu.memory_space<vmem>>) target_semaphore(%arg15 : memref<!tpu.dma_semaphore, #tpu.memory_space<semaphore_mem>>)
      %dma_wait3A_820 = arith.constant 0 : i32
      %dma_wait3A_821 = arith.constant 0 : i32
      %dma_wait3A_822 = arith.constant 0 : i32
      %dma_wait3A_823 = tpu.memref_slice %arg3[%dma_wait3A_820, %dma_wait3A_821, %dma_wait3A_822] : memref<2500x2x128xi32, #tpu.memory_space<hbm>> -> memref<1x2x128xi32, #tpu.memory_space<hbm>>
      %dma_wait3A_824 = tpu.memref_squeeze %dma_wait3A_823 : memref<1x2x128xi32, #tpu.memory_space<hbm>> -> memref<2x128xi32, #tpu.memory_space<hbm>>
      %dma_wait3A_825 = arith.constant 0 : i32
      %dma_wait3A_826 = arith.constant 0 : i32
      %dma_wait3A_827 = tpu.memref_slice %arg3[%dma_wait3A_820, %dma_wait3A_825, %dma_wait3A_826] : memref<2500x2x128xi32, #tpu.memory_space<hbm>> -> memref<1x2x128xi32, #tpu.memory_space<hbm>>
      %dma_wait3A_828 = tpu.memref_squeeze %dma_wait3A_827 : memref<1x2x128xi32, #tpu.memory_space<hbm>> -> memref<2x128xi32, #tpu.memory_space<hbm>>
      tpu.wait_dma2 semaphore(%arg17 : memref<!tpu.dma_semaphore, #tpu.memory_space<semaphore_mem>>) src(%dma_wait3A_828 : memref<2x128xi32, #tpu.memory_space<hbm>>) dst(%arg9 : memref<2x128xi32, #tpu.memory_space<vmem>>)
      %get3A_829 = arith.constant 0 : i32
      %get3A_830 = arith.index_cast %get3A_829 : i32 to index
      %get3A_831 = arith.constant 0 : index
      %get3A_832 = tpu.vector_load %arg9[%get3A_830, %get3A_831] {strides = array<i32>} : memref<2x128xi32, #tpu.memory_space<vmem>>, vector<1x16xi32>,
      %get3A_833 = vector.shape_cast %get3A_832 : vector<1x16xi32> to vector<16xi32>
      %add3A_834 = vector.broadcast %mul3A_0 : i32 to vector<16xi32>
      %add3A_835 = arith.addi %get3A_833, %add3A_834 : vector<16xi32>
      %swap3A_836 = arith.constant 0 : i32
      %swap3A_837 = arith.index_cast %swap3A_836 : i32 to index
      %swap3A_838 = arith.constant 0 : index
      %swap3A_839 = tpu.vector_load %arg9[%swap3A_837, %swap3A_838] {strides = array<i32>} : memref<2x128xi32, #tpu.memory_space<vmem>>, vector<1x16xi32>,
      %swap3A_840 = vector.shape_cast %swap3A_839 : vector<1x16xi32> to vector<16xi32>
      %swap3A_841 = vector.shape_cast %add3A_835 : vector<16xi32> to vector<1x16xi32>
      tpu.vector_store %arg9[%swap3A_837, %swap3A_838], %swap3A_841 {strides = array<i32>} : memref<2x128xi32, #tpu.memory_space<vmem>>, vector<1x16xi32>,
      %get3A_842 = arith.constant 0 : i32
      %get3A_843 = arith.index_cast %get3A_842 : i32 to index
      %get3A_844 = arith.constant 16 : index
      %get3A_845 = tpu.vector_load %arg9[%get3A_843, %get3A_844] {strides = array<i32>} : memref<2x128xi32, #tpu.memory_space<vmem>>, vector<1x16xi32>,
      %get3A_846 = vector.shape_cast %get3A_845 : vector<1x16xi32> to vector<16xi32>
      %add3A_847 = vector.broadcast %mul3A_0 : i32 to vector<16xi32>
      %add3A_848 = arith.addi %get3A_846, %add3A_847 : vector<16xi32>
      %swap3A_849 = arith.constant 0 : i32
      %swap3A_850 = arith.index_cast %swap3A_849 : i32 to index
      %swap3A_851 = arith.constant 16 : index
      %swap3A_852 = tpu.vector_load %arg9[%swap3A_850, %swap3A_851] {strides = array<i32>} : memref<2x128xi32, #tpu.memory_space<vmem>>, vector<1x16xi32>,
      %swap3A_853 = vector.shape_cast %swap3A_852 : vector<1x16xi32> to vector<16xi32>
      %swap3A_854 = vector.shape_cast %add3A_848 : vector<16xi32> to vector<1x16xi32>
      tpu.vector_store %arg9[%swap3A_850, %swap3A_851], %swap3A_854 {strides = array<i32>} : memref<2x128xi32, #tpu.memory_space<vmem>>, vector<1x16xi32>,
      %get3A_855 = arith.constant 0 : i32
      %get3A_856 = arith.index_cast %get3A_855 : i32 to index
      %get3A_857 = arith.constant 32 : index
      %get3A_858 = tpu.vector_load %arg9[%get3A_856, %get3A_857] {strides = array<i32>} : memref<2x128xi32, #tpu.memory_space<vmem>>, vector<1x16xi32>,
      %get3A_859 = vector.shape_cast %get3A_858 : vector<1x16xi32> to vector<16xi32>
      %add3A_860 = vector.broadcast %mul3A_0 : i32 to vector<16xi32>
      %add3A_861 = arith.addi %get3A_859, %add3A_860 : vector<16xi32>
      %swap3A_862 = arith.constant 0 : i32
      %swap3A_863 = arith.index_cast %swap3A_862 : i32 to index
      %swap3A_864 = arith.constant 32 : index
      %swap3A_865 = tpu.vector_load %arg9[%swap3A_863, %swap3A_864] {strides = array<i32>} : memref<2x128xi32, #tpu.memory_space<vmem>>, vector<1x16xi32>,
      %swap3A_866 = vector.shape_cast %swap3A_865 : vector<1x16xi32> to vector<16xi32>
      %swap3A_867 = vector.shape_cast %add3A_861 : vector<16xi32> to vector<1x16xi32>
      tpu.vector_store %arg9[%swap3A_863, %swap3A_864], %swap3A_867 {strides = array<i32>} : memref<2x128xi32, #tpu.memory_space<vmem>>, vector<1x16xi32>,
      %get3A_868 = arith.constant 0 : i32
      %get3A_869 = arith.index_cast %get3A_868 : i32 to index
      %get3A_870 = arith.constant 48 : index
      %get3A_871 = tpu.vector_load %arg9[%get3A_869, %get3A_870] {strides = array<i32>} : memref<2x128xi32, #tpu.memory_space<vmem>>, vector<1x16xi32>,
      %get3A_872 = vector.shape_cast %get3A_871 : vector<1x16xi32> to vector<16xi32>
      %add3A_873 = vector.broadcast %mul3A_0 : i32 to vector<16xi32>
      %add3A_874 = arith.addi %get3A_872, %add3A_873 : vector<16xi32>
      %swap3A_875 = arith.constant 0 : i32
      %swap3A_876 = arith.index_cast %swap3A_875 : i32 to index
      %swap3A_877 = arith.constant 48 : index
      %swap3A_878 = tpu.vector_load %arg9[%swap3A_876, %swap3A_877] {strides = array<i32>} : memref<2x128xi32, #tpu.memory_space<vmem>>, vector<1x16xi32>,
      %swap3A_879 = vector.shape_cast %swap3A_878 : vector<1x16xi32> to vector<16xi32>
      %swap3A_880 = vector.shape_cast %add3A_874 : vector<16xi32> to vector<1x16xi32>
      tpu.vector_store %arg9[%swap3A_876, %swap3A_877], %swap3A_880 {strides = array<i32>} : memref<2x128xi32, #tpu.memory_space<vmem>>, vector<1x16xi32>,
      %get3A_881 = arith.constant 0 : i32
      %get3A_882 = arith.index_cast %get3A_881 : i32 to index
      %get3A_883 = arith.constant 64 : index
      %get3A_884 = tpu.vector_load %arg9[%get3A_882, %get3A_883] {strides = array<i32>} : memref<2x128xi32, #tpu.memory_space<vmem>>, vector<1x16xi32>,
      %get3A_885 = vector.shape_cast %get3A_884 : vector<1x16xi32> to vector<16xi32>
      %add3A_886 = vector.broadcast %mul3A_0 : i32 to vector<16xi32>
      %add3A_887 = arith.addi %get3A_885, %add3A_886 : vector<16xi32>
      %swap3A_888 = arith.constant 0 : i32
      %swap3A_889 = arith.index_cast %swap3A_888 : i32 to index
      %swap3A_890 = arith.constant 64 : index
      %swap3A_891 = tpu.vector_load %arg9[%swap3A_889, %swap3A_890] {strides = array<i32>} : memref<2x128xi32, #tpu.memory_space<vmem>>, vector<1x16xi32>,
      %swap3A_892 = vector.shape_cast %swap3A_891 : vector<1x16xi32> to vector<16xi32>
      %swap3A_893 = vector.shape_cast %add3A_887 : vector<16xi32> to vector<1x16xi32>
      tpu.vector_store %arg9[%swap3A_889, %swap3A_890], %swap3A_893 {strides = array<i32>} : memref<2x128xi32, #tpu.memory_space<vmem>>, vector<1x16xi32>,
      %get3A_894 = arith.constant 0 : i32
      %get3A_895 = arith.index_cast %get3A_894 : i32 to index
      %get3A_896 = arith.constant 80 : index
      %get3A_897 = tpu.vector_load %arg9[%get3A_895, %get3A_896] {strides = array<i32>} : memref<2x128xi32, #tpu.memory_space<vmem>>, vector<1x16xi32>,
      %get3A_898 = vector.shape_cast %get3A_897 : vector<1x16xi32> to vector<16xi32>
      %add3A_899 = vector.broadcast %mul3A_0 : i32 to vector<16xi32>
      %add3A_900 = arith.addi %get3A_898, %add3A_899 : vector<16xi32>
      %swap3A_901 = arith.constant 0 : i32
      %swap3A_902 = arith.index_cast %swap3A_901 : i32 to index
      %swap3A_903 = arith.constant 80 : index
      %swap3A_904 = tpu.vector_load %arg9[%swap3A_902, %swap3A_903] {strides = array<i32>} : memref<2x128xi32, #tpu.memory_space<vmem>>, vector<1x16xi32>,
      %swap3A_905 = vector.shape_cast %swap3A_904 : vector<1x16xi32> to vector<16xi32>
      %swap3A_906 = vector.shape_cast %add3A_900 : vector<16xi32> to vector<1x16xi32>
      tpu.vector_store %arg9[%swap3A_902, %swap3A_903], %swap3A_906 {strides = array<i32>} : memref<2x128xi32, #tpu.memory_space<vmem>>, vector<1x16xi32>,
      %get3A_907 = arith.constant 0 : i32
      %get3A_908 = arith.index_cast %get3A_907 : i32 to index
      %get3A_909 = arith.constant 96 : index
      %get3A_910 = tpu.vector_load %arg9[%get3A_908, %get3A_909] {strides = array<i32>} : memref<2x128xi32, #tpu.memory_space<vmem>>, vector<1x16xi32>,
      %get3A_911 = vector.shape_cast %get3A_910 : vector<1x16xi32> to vector<16xi32>
      %add3A_912 = vector.broadcast %mul3A_0 : i32 to vector<16xi32>
      %add3A_913 = arith.addi %get3A_911, %add3A_912 : vector<16xi32>
      %swap3A_914 = arith.constant 0 : i32
      %swap3A_915 = arith.index_cast %swap3A_914 : i32 to index
      %swap3A_916 = arith.constant 96 : index
      %swap3A_917 = tpu.vector_load %arg9[%swap3A_915, %swap3A_916] {strides = array<i32>} : memref<2x128xi32, #tpu.memory_space<vmem>>, vector<1x16xi32>,
      %swap3A_918 = vector.shape_cast %swap3A_917 : vector<1x16xi32> to vector<16xi32>
      %swap3A_919 = vector.shape_cast %add3A_913 : vector<16xi32> to vector<1x16xi32>
      tpu.vector_store %arg9[%swap3A_915, %swap3A_916], %swap3A_919 {strides = array<i32>} : memref<2x128xi32, #tpu.memory_space<vmem>>, vector<1x16xi32>,
      %get3A_920 = arith.constant 0 : i32
      %get3A_921 = arith.index_cast %get3A_920 : i32 to index
      %get3A_922 = arith.constant 112 : index
      %get3A_923 = tpu.vector_load %arg9[%get3A_921, %get3A_922] {strides = array<i32>} : memref<2x128xi32, #tpu.memory_space<vmem>>, vector<1x16xi32>,
      %get3A_924 = vector.shape_cast %get3A_923 : vector<1x16xi32> to vector<16xi32>
      %add3A_925 = vector.broadcast %mul3A_0 : i32 to vector<16xi32>
      %add3A_926 = arith.addi %get3A_924, %add3A_925 : vector<16xi32>
      %swap3A_927 = arith.constant 0 : i32
      %swap3A_928 = arith.index_cast %swap3A_927 : i32 to index
      %swap3A_929 = arith.constant 112 : index
      %swap3A_930 = tpu.vector_load %arg9[%swap3A_928, %swap3A_929] {strides = array<i32>} : memref<2x128xi32, #tpu.memory_space<vmem>>, vector<1x16xi32>,
      %swap3A_931 = vector.shape_cast %swap3A_930 : vector<1x16xi32> to vector<16xi32>
      %swap3A_932 = vector.shape_cast %add3A_926 : vector<16xi32> to vector<1x16xi32>
      tpu.vector_store %arg9[%swap3A_928, %swap3A_929], %swap3A_932 {strides = array<i32>} : memref<2x128xi32, #tpu.memory_space<vmem>>, vector<1x16xi32>,
      %dma_start3A_933 = arith.constant 0 : i32
      %dma_start3A_934 = arith.constant 0 : i32
      %dma_start3A_935 = tpu.memref_slice %arg9[%dma_start3A_933, %dma_start3A_934] : memref<2x128xi32, #tpu.memory_space<vmem>> -> memref<1x128xi32, #tpu.memory_space<vmem>>
      %dma_start3A_936 = tpu.memref_squeeze %dma_start3A_935 : memref<1x128xi32, #tpu.memory_space<vmem>> -> memref<128xi32, #tpu.memory_space<vmem>>
      %dma_start3A_937 = arith.constant 0 : i32
      %dma_start3A_938 = arith.constant 0 : i32
      %dma_start3A_939 = tpu.memref_slice %arg2[%dma_start3A_937, %dma_start3A_938] : memref<20000x128xf32, #tpu.memory_space<hbm>> -> memref<20000x128xf32, #tpu.memory_space<hbm>>
      tpu.enqueue_indirect_dma source(%dma_start3A_939 : memref<20000x128xf32, #tpu.memory_space<hbm>>) target(%arg12 : memref<128x128xf32, #tpu.memory_space<vmem>>) offsets(%dma_start3A_936 : memref<128xi32, #tpu.memory_space<vmem>>) semaphore(%arg20 : memref<!tpu.dma_semaphore, #tpu.memory_space<semaphore_mem>>)
      %dma_wait3A_940 = arith.constant 0 : i32
      %dma_wait3A_941 = arith.constant 0 : i32
      %dma_wait3A_942 = tpu.memref_slice %arg8[%dma_wait3A_940, %dma_wait3A_941] : memref<2x128xi32, #tpu.memory_space<vmem>> -> memref<1x128xi32, #tpu.memory_space<vmem>>
      %dma_wait3A_943 = tpu.memref_squeeze %dma_wait3A_942 : memref<1x128xi32, #tpu.memory_space<vmem>> -> memref<128xi32, #tpu.memory_space<vmem>>
      %dma_wait3A_944 = arith.constant 0 : i32
      %dma_wait3A_945 = arith.constant 0 : i32
      %dma_wait3A_946 = tpu.memref_slice %arg2[%dma_wait3A_944, %dma_wait3A_945] : memref<20000x128xf32, #tpu.memory_space<hbm>> -> memref<20000x128xf32, #tpu.memory_space<hbm>>
      tpu.wait_indirect_dma semaphore(%arg21 : memref<!tpu.dma_semaphore, #tpu.memory_space<semaphore_mem>>) src(%dma_wait3A_946 : memref<20000x128xf32, #tpu.memory_space<hbm>>) dst(%arg13 : memref<128x128xf32, #tpu.memory_space<vmem>>)
      %dma_start3A_947 = arith.constant 1 : i32
      %dma_start3A_948 = arith.constant 0 : i32
      %dma_start3A_949 = tpu.memref_slice %arg8[%dma_start3A_947, %dma_start3A_948] : memref<2x128xi32, #tpu.memory_space<vmem>> -> memref<1x128xi32, #tpu.memory_space<vmem>>
      %dma_start3A_950 = tpu.memref_squeeze %dma_start3A_949 : memref<1x128xi32, #tpu.memory_space<vmem>> -> memref<128xi32, #tpu.memory_space<vmem>>
      %dma_start3A_951 = arith.constant 0 : i32
      %dma_start3A_952 = arith.constant 0 : i32
      %dma_start3A_953 = tpu.memref_slice %arg14[%dma_start3A_951, %dma_start3A_952] : memref<10240x128xf32, #tpu.memory_space<vmem_shared>> -> memref<10240x128xf32, #tpu.memory_space<vmem_shared>>
      tpu.enqueue_indirect_dma source(%arg13 : memref<128x128xf32, #tpu.memory_space<vmem>>) target(%dma_start3A_953 : memref<10240x128xf32, #tpu.memory_space<vmem_shared>>) offsets(%dma_start3A_950 : memref<128xi32, #tpu.memory_space<vmem>>) semaphore(%arg23 : memref<!tpu.dma_semaphore, #tpu.memory_space<semaphore_mem>>) {add = true}
      %add3A_954 = arith.constant 2 : i32
      %add3A_955 = arith.addi %mul3A_646, %add3A_954 : i32
      %gt3A_956 = arith.constant 0 : i32
      %gt3A_957 = arith.cmpi sgt, %add3A_955, %gt3A_956 : i32
      %convert_element_type3A_958 = arith.extui %gt3A_957 : i1 to i32
      %cond3A_959 = arith.constant 0 : i32
      %cond3A_960 = arith.cmpi ne, %convert_element_type3A_958, %cond3A_959 : i32
      scf.if %cond3A_960 {
        %dma_wait3A_1263 = arith.constant 1 : i32
        %dma_wait3A_1264 = arith.constant 0 : i32
        %dma_wait3A_1265 = tpu.memref_slice %arg8[%dma_wait3A_1263, %dma_wait3A_1264] : memref<2x128xi32, #tpu.memory_space<vmem>> -> memref<1x128xi32, #tpu.memory_space<vmem>>
        %dma_wait3A_1266 = tpu.memref_squeeze %dma_wait3A_1265 : memref<1x128xi32, #tpu.memory_space<vmem>> -> memref<128xi32, #tpu.memory_space<vmem>>
        %dma_wait3A_1267 = arith.constant 0 : i32
        %dma_wait3A_1268 = arith.constant 0 : i32
        %dma_wait3A_1269 = tpu.memref_slice %arg14[%dma_wait3A_1267, %dma_wait3A_1268] : memref<10240x128xf32, #tpu.memory_space<vmem_shared>> -> memref<10240x128xf32, #tpu.memory_space<vmem_shared>>
        tpu.wait_indirect_dma semaphore(%arg23 : memref<!tpu.dma_semaphore, #tpu.memory_space<semaphore_mem>>) src(%arg13 : memref<128x128xf32, #tpu.memory_space<vmem>>) dst(%dma_wait3A_1269 : memref<10240x128xf32, #tpu.memory_space<vmem_shared>>)
      } else {
      }
      %add3A_961 = arith.constant 3 : i32
      %add3A_962 = arith.addi %add3A_955, %add3A_961 : i32
      %mul3A_963 = arith.constant 156 : i32
      %mul3A_964 = arith.muli %arg1, %mul3A_963 : i32
      %add3A_965 = arith.addi %mul3A_964, %add3A_962 : i32
      %dma_start3A_966 = arith.constant 0 : i32
      %dma_start3A_967 = arith.constant 0 : i32
      %dma_start3A_968 = tpu.memref_slice %arg3[%add3A_965, %dma_start3A_966, %dma_start3A_967] : memref<2500x2x128xi32, #tpu.memory_space<hbm>> -> memref<1x2x128xi32, #tpu.memory_space<hbm>>
      %dma_start3A_969 = tpu.memref_squeeze %dma_start3A_968 : memref<1x2x128xi32, #tpu.memory_space<hbm>> -> memref<2x128xi32, #tpu.memory_space<hbm>>
      %dma_start3A_970 = arith.constant 0 : i32
      %dma_start3A_971 = arith.constant 0 : i32
      %dma_start3A_972 = tpu.memref_slice %arg3[%add3A_965, %dma_start3A_970, %dma_start3A_971] : memref<2500x2x128xi32, #tpu.memory_space<hbm>> -> memref<1x2x128xi32, #tpu.memory_space<hbm>>
      %dma_start3A_973 = tpu.memref_squeeze %dma_start3A_972 : memref<1x2x128xi32, #tpu.memory_space<hbm>> -> memref<2x128xi32, #tpu.memory_space<hbm>>
      tpu.enqueue_dma source(%dma_start3A_973 : memref<2x128xi32, #tpu.memory_space<hbm>>) target(%arg8 : memref<2x128xi32, #tpu.memory_space<vmem>>) target_semaphore(%arg16 : memref<!tpu.dma_semaphore, #tpu.memory_space<semaphore_mem>>)
      %dma_wait3A_974 = arith.constant 0 : i32
      %dma_wait3A_975 = arith.constant 0 : i32
      %dma_wait3A_976 = arith.constant 0 : i32
      %dma_wait3A_977 = tpu.memref_slice %arg3[%dma_wait3A_974, %dma_wait3A_975, %dma_wait3A_976] : memref<2500x2x128xi32, #tpu.memory_space<hbm>> -> memref<1x2x128xi32, #tpu.memory_space<hbm>>
      %dma_wait3A_978 = tpu.memref_squeeze %dma_wait3A_977 : memref<1x2x128xi32, #tpu.memory_space<hbm>> -> memref<2x128xi32, #tpu.memory_space<hbm>>
      %dma_wait3A_979 = arith.constant 0 : i32
      %dma_wait3A_980 = arith.constant 0 : i32
      %dma_wait3A_981 = tpu.memref_slice %arg3[%dma_wait3A_974, %dma_wait3A_979, %dma_wait3A_980] : memref<2500x2x128xi32, #tpu.memory_space<hbm>> -> memref<1x2x128xi32, #tpu.memory_space<hbm>>
      %dma_wait3A_982 = tpu.memref_squeeze %dma_wait3A_981 : memref<1x2x128xi32, #tpu.memory_space<hbm>> -> memref<2x128xi32, #tpu.memory_space<hbm>>
      tpu.wait_dma2 semaphore(%arg18 : memref<!tpu.dma_semaphore, #tpu.memory_space<semaphore_mem>>) src(%dma_wait3A_982 : memref<2x128xi32, #tpu.memory_space<hbm>>) dst(%arg10 : memref<2x128xi32, #tpu.memory_space<vmem>>)
      %get3A_983 = arith.constant 0 : i32
      %get3A_984 = arith.index_cast %get3A_983 : i32 to index
      %get3A_985 = arith.constant 0 : index
      %get3A_986 = tpu.vector_load %arg10[%get3A_984, %get3A_985] {strides = array<i32>} : memref<2x128xi32, #tpu.memory_space<vmem>>, vector<1x16xi32>,
      %get3A_987 = vector.shape_cast %get3A_986 : vector<1x16xi32> to vector<16xi32>
      %add3A_988 = vector.broadcast %mul3A_0 : i32 to vector<16xi32>
      %add3A_989 = arith.addi %get3A_987, %add3A_988 : vector<16xi32>
      %swap3A_990 = arith.constant 0 : i32
      %swap3A_991 = arith.index_cast %swap3A_990 : i32 to index
      %swap3A_992 = arith.constant 0 : index
      %swap3A_993 = tpu.vector_load %arg10[%swap3A_991, %swap3A_992] {strides = array<i32>} : memref<2x128xi32, #tpu.memory_space<vmem>>, vector<1x16xi32>,
      %swap3A_994 = vector.shape_cast %swap3A_993 : vector<1x16xi32> to vector<16xi32>
      %swap3A_995 = vector.shape_cast %add3A_989 : vector<16xi32> to vector<1x16xi32>
      tpu.vector_store %arg10[%swap3A_991, %swap3A_992], %swap3A_995 {strides = array<i32>} : memref<2x128xi32, #tpu.memory_space<vmem>>, vector<1x16xi32>,
      %get3A_996 = arith.constant 0 : i32
      %get3A_997 = arith.index_cast %get3A_996 : i32 to index
      %get3A_998 = arith.constant 16 : index
      %get3A_999 = tpu.vector_load %arg10[%get3A_997, %get3A_998] {strides = array<i32>} : memref<2x128xi32, #tpu.memory_space<vmem>>, vector<1x16xi32>,
      %get3A_1000 = vector.shape_cast %get3A_999 : vector<1x16xi32> to vector<16xi32>
      %add3A_1001 = vector.broadcast %mul3A_0 : i32 to vector<16xi32>
      %add3A_1002 = arith.addi %get3A_1000, %add3A_1001 : vector<16xi32>
      %swap3A_1003 = arith.constant 0 : i32
      %swap3A_1004 = arith.index_cast %swap3A_1003 : i32 to index
      %swap3A_1005 = arith.constant 16 : index
      %swap3A_1006 = tpu.vector_load %arg10[%swap3A_1004, %swap3A_1005] {strides = array<i32>} : memref<2x128xi32, #tpu.memory_space<vmem>>, vector<1x16xi32>,
      %swap3A_1007 = vector.shape_cast %swap3A_1006 : vector<1x16xi32> to vector<16xi32>
      %swap3A_1008 = vector.shape_cast %add3A_1002 : vector<16xi32> to vector<1x16xi32>
      tpu.vector_store %arg10[%swap3A_1004, %swap3A_1005], %swap3A_1008 {strides = array<i32>} : memref<2x128xi32, #tpu.memory_space<vmem>>, vector<1x16xi32>,
      %get3A_1009 = arith.constant 0 : i32
      %get3A_1010 = arith.index_cast %get3A_1009 : i32 to index
      %get3A_1011 = arith.constant 32 : index
      %get3A_1012 = tpu.vector_load %arg10[%get3A_1010, %get3A_1011] {strides = array<i32>} : memref<2x128xi32, #tpu.memory_space<vmem>>, vector<1x16xi32>,
      %get3A_1013 = vector.shape_cast %get3A_1012 : vector<1x16xi32> to vector<16xi32>
      %add3A_1014 = vector.broadcast %mul3A_0 : i32 to vector<16xi32>
      %add3A_1015 = arith.addi %get3A_1013, %add3A_1014 : vector<16xi32>
      %swap3A_1016 = arith.constant 0 : i32
      %swap3A_1017 = arith.index_cast %swap3A_1016 : i32 to index
      %swap3A_1018 = arith.constant 32 : index
      %swap3A_1019 = tpu.vector_load %arg10[%swap3A_1017, %swap3A_1018] {strides = array<i32>} : memref<2x128xi32, #tpu.memory_space<vmem>>, vector<1x16xi32>,
      %swap3A_1020 = vector.shape_cast %swap3A_1019 : vector<1x16xi32> to vector<16xi32>
      %swap3A_1021 = vector.shape_cast %add3A_1015 : vector<16xi32> to vector<1x16xi32>
      tpu.vector_store %arg10[%swap3A_1017, %swap3A_1018], %swap3A_1021 {strides = array<i32>} : memref<2x128xi32, #tpu.memory_space<vmem>>, vector<1x16xi32>,
      %get3A_1022 = arith.constant 0 : i32
      %get3A_1023 = arith.index_cast %get3A_1022 : i32 to index
      %get3A_1024 = arith.constant 48 : index
      %get3A_1025 = tpu.vector_load %arg10[%get3A_1023, %get3A_1024] {strides = array<i32>} : memref<2x128xi32, #tpu.memory_space<vmem>>, vector<1x16xi32>,
      %get3A_1026 = vector.shape_cast %get3A_1025 : vector<1x16xi32> to vector<16xi32>
      %add3A_1027 = vector.broadcast %mul3A_0 : i32 to vector<16xi32>
      %add3A_1028 = arith.addi %get3A_1026, %add3A_1027 : vector<16xi32>
      %swap3A_1029 = arith.constant 0 : i32
      %swap3A_1030 = arith.index_cast %swap3A_1029 : i32 to index
      %swap3A_1031 = arith.constant 48 : index
      %swap3A_1032 = tpu.vector_load %arg10[%swap3A_1030, %swap3A_1031] {strides = array<i32>} : memref<2x128xi32, #tpu.memory_space<vmem>>, vector<1x16xi32>,
      %swap3A_1033 = vector.shape_cast %swap3A_1032 : vector<1x16xi32> to vector<16xi32>
      %swap3A_1034 = vector.shape_cast %add3A_1028 : vector<16xi32> to vector<1x16xi32>
      tpu.vector_store %arg10[%swap3A_1030, %swap3A_1031], %swap3A_1034 {strides = array<i32>} : memref<2x128xi32, #tpu.memory_space<vmem>>, vector<1x16xi32>,
      %get3A_1035 = arith.constant 0 : i32
      %get3A_1036 = arith.index_cast %get3A_1035 : i32 to index
      %get3A_1037 = arith.constant 64 : index
      %get3A_1038 = tpu.vector_load %arg10[%get3A_1036, %get3A_1037] {strides = array<i32>} : memref<2x128xi32, #tpu.memory_space<vmem>>, vector<1x16xi32>,
      %get3A_1039 = vector.shape_cast %get3A_1038 : vector<1x16xi32> to vector<16xi32>
      %add3A_1040 = vector.broadcast %mul3A_0 : i32 to vector<16xi32>
      %add3A_1041 = arith.addi %get3A_1039, %add3A_1040 : vector<16xi32>
      %swap3A_1042 = arith.constant 0 : i32
      %swap3A_1043 = arith.index_cast %swap3A_1042 : i32 to index
      %swap3A_1044 = arith.constant 64 : index
      %swap3A_1045 = tpu.vector_load %arg10[%swap3A_1043, %swap3A_1044] {strides = array<i32>} : memref<2x128xi32, #tpu.memory_space<vmem>>, vector<1x16xi32>,
      %swap3A_1046 = vector.shape_cast %swap3A_1045 : vector<1x16xi32> to vector<16xi32>
      %swap3A_1047 = vector.shape_cast %add3A_1041 : vector<16xi32> to vector<1x16xi32>
      tpu.vector_store %arg10[%swap3A_1043, %swap3A_1044], %swap3A_1047 {strides = array<i32>} : memref<2x128xi32, #tpu.memory_space<vmem>>, vector<1x16xi32>,
      %get3A_1048 = arith.constant 0 : i32
      %get3A_1049 = arith.index_cast %get3A_1048 : i32 to index
      %get3A_1050 = arith.constant 80 : index
      %get3A_1051 = tpu.vector_load %arg10[%get3A_1049, %get3A_1050] {strides = array<i32>} : memref<2x128xi32, #tpu.memory_space<vmem>>, vector<1x16xi32>,
      %get3A_1052 = vector.shape_cast %get3A_1051 : vector<1x16xi32> to vector<16xi32>
      %add3A_1053 = vector.broadcast %mul3A_0 : i32 to vector<16xi32>
      %add3A_1054 = arith.addi %get3A_1052, %add3A_1053 : vector<16xi32>
      %swap3A_1055 = arith.constant 0 : i32
      %swap3A_1056 = arith.index_cast %swap3A_1055 : i32 to index
      %swap3A_1057 = arith.constant 80 : index
      %swap3A_1058 = tpu.vector_load %arg10[%swap3A_1056, %swap3A_1057] {strides = array<i32>} : memref<2x128xi32, #tpu.memory_space<vmem>>, vector<1x16xi32>,
      %swap3A_1059 = vector.shape_cast %swap3A_1058 : vector<1x16xi32> to vector<16xi32>
      %swap3A_1060 = vector.shape_cast %add3A_1054 : vector<16xi32> to vector<1x16xi32>
      tpu.vector_store %arg10[%swap3A_1056, %swap3A_1057], %swap3A_1060 {strides = array<i32>} : memref<2x128xi32, #tpu.memory_space<vmem>>, vector<1x16xi32>,
      %get3A_1061 = arith.constant 0 : i32
      %get3A_1062 = arith.index_cast %get3A_1061 : i32 to index
      %get3A_1063 = arith.constant 96 : index
      %get3A_1064 = tpu.vector_load %arg10[%get3A_1062, %get3A_1063] {strides = array<i32>} : memref<2x128xi32, #tpu.memory_space<vmem>>, vector<1x16xi32>,
      %get3A_1065 = vector.shape_cast %get3A_1064 : vector<1x16xi32> to vector<16xi32>
      %add3A_1066 = vector.broadcast %mul3A_0 : i32 to vector<16xi32>
      %add3A_1067 = arith.addi %get3A_1065, %add3A_1066 : vector<16xi32>
      %swap3A_1068 = arith.constant 0 : i32
      %swap3A_1069 = arith.index_cast %swap3A_1068 : i32 to index
      %swap3A_1070 = arith.constant 96 : index
      %swap3A_1071 = tpu.vector_load %arg10[%swap3A_1069, %swap3A_1070] {strides = array<i32>} : memref<2x128xi32, #tpu.memory_space<vmem>>, vector<1x16xi32>,
      %swap3A_1072 = vector.shape_cast %swap3A_1071 : vector<1x16xi32> to vector<16xi32>
      %swap3A_1073 = vector.shape_cast %add3A_1067 : vector<16xi32> to vector<1x16xi32>
      tpu.vector_store %arg10[%swap3A_1069, %swap3A_1070], %swap3A_1073 {strides = array<i32>} : memref<2x128xi32, #tpu.memory_space<vmem>>, vector<1x16xi32>,
      %get3A_1074 = arith.constant 0 : i32
      %get3A_1075 = arith.index_cast %get3A_1074 : i32 to index
      %get3A_1076 = arith.constant 112 : index
      %get3A_1077 = tpu.vector_load %arg10[%get3A_1075, %get3A_1076] {strides = array<i32>} : memref<2x128xi32, #tpu.memory_space<vmem>>, vector<1x16xi32>,
      %get3A_1078 = vector.shape_cast %get3A_1077 : vector<1x16xi32> to vector<16xi32>
      %add3A_1079 = vector.broadcast %mul3A_0 : i32 to vector<16xi32>
      %add3A_1080 = arith.addi %get3A_1078, %add3A_1079 : vector<16xi32>
      %swap3A_1081 = arith.constant 0 : i32
      %swap3A_1082 = arith.index_cast %swap3A_1081 : i32 to index
      %swap3A_1083 = arith.constant 112 : index
      %swap3A_1084 = tpu.vector_load %arg10[%swap3A_1082, %swap3A_1083] {strides = array<i32>} : memref<2x128xi32, #tpu.memory_space<vmem>>, vector<1x16xi32>,
      %swap3A_1085 = vector.shape_cast %swap3A_1084 : vector<1x16xi32> to vector<16xi32>
      %swap3A_1086 = vector.shape_cast %add3A_1080 : vector<16xi32> to vector<1x16xi32>
      tpu.vector_store %arg10[%swap3A_1082, %swap3A_1083], %swap3A_1086 {strides = array<i32>} : memref<2x128xi32, #tpu.memory_space<vmem>>, vector<1x16xi32>,
      %dma_start3A_1087 = arith.constant 0 : i32
      %dma_start3A_1088 = arith.constant 0 : i32
      %dma_start3A_1089 = tpu.memref_slice %arg10[%dma_start3A_1087, %dma_start3A_1088] : memref<2x128xi32, #tpu.memory_space<vmem>> -> memref<1x128xi32, #tpu.memory_space<vmem>>
      %dma_start3A_1090 = tpu.memref_squeeze %dma_start3A_1089 : memref<1x128xi32, #tpu.memory_space<vmem>> -> memref<128xi32, #tpu.memory_space<vmem>>
      %dma_start3A_1091 = arith.constant 0 : i32
      %dma_start3A_1092 = arith.constant 0 : i32
      %dma_start3A_1093 = tpu.memref_slice %arg2[%dma_start3A_1091, %dma_start3A_1092] : memref<20000x128xf32, #tpu.memory_space<hbm>> -> memref<20000x128xf32, #tpu.memory_space<hbm>>
      tpu.enqueue_indirect_dma source(%dma_start3A_1093 : memref<20000x128xf32, #tpu.memory_space<hbm>>) target(%arg13 : memref<128x128xf32, #tpu.memory_space<vmem>>) offsets(%dma_start3A_1090 : memref<128xi32, #tpu.memory_space<vmem>>) semaphore(%arg21 : memref<!tpu.dma_semaphore, #tpu.memory_space<semaphore_mem>>)
      %dma_wait3A_1094 = arith.constant 0 : i32
      %dma_wait3A_1095 = arith.constant 0 : i32
      %dma_wait3A_1096 = tpu.memref_slice %arg9[%dma_wait3A_1094, %dma_wait3A_1095] : memref<2x128xi32, #tpu.memory_space<vmem>> -> memref<1x128xi32, #tpu.memory_space<vmem>>
      %dma_wait3A_1097 = tpu.memref_squeeze %dma_wait3A_1096 : memref<1x128xi32, #tpu.memory_space<vmem>> -> memref<128xi32, #tpu.memory_space<vmem>>
      %dma_wait3A_1098 = arith.constant 0 : i32
      %dma_wait3A_1099 = arith.constant 0 : i32
      %dma_wait3A_1100 = tpu.memref_slice %arg2[%dma_wait3A_1098, %dma_wait3A_1099] : memref<20000x128xf32, #tpu.memory_space<hbm>> -> memref<20000x128xf32, #tpu.memory_space<hbm>>
      tpu.wait_indirect_dma semaphore(%arg20 : memref<!tpu.dma_semaphore, #tpu.memory_space<semaphore_mem>>) src(%dma_wait3A_1100 : memref<20000x128xf32, #tpu.memory_space<hbm>>) dst(%arg12 : memref<128x128xf32, #tpu.memory_space<vmem>>)
      %dma_start3A_1101 = arith.constant 1 : i32
      %dma_start3A_1102 = arith.constant 0 : i32
      %dma_start3A_1103 = tpu.memref_slice %arg9[%dma_start3A_1101, %dma_start3A_1102] : memref<2x128xi32, #tpu.memory_space<vmem>> -> memref<1x128xi32, #tpu.memory_space<vmem>>
      %dma_start3A_1104 = tpu.memref_squeeze %dma_start3A_1103 : memref<1x128xi32, #tpu.memory_space<vmem>> -> memref<128xi32, #tpu.memory_space<vmem>>
      %dma_start3A_1105 = arith.constant 0 : i32
      %dma_start3A_1106 = arith.constant 0 : i32
      %dma_start3A_1107 = tpu.memref_slice %arg14[%dma_start3A_1105, %dma_start3A_1106] : memref<10240x128xf32, #tpu.memory_space<vmem_shared>> -> memref<10240x128xf32, #tpu.memory_space<vmem_shared>>
      tpu.enqueue_indirect_dma source(%arg12 : memref<128x128xf32, #tpu.memory_space<vmem>>) target(%dma_start3A_1107 : memref<10240x128xf32, #tpu.memory_space<vmem_shared>>) offsets(%dma_start3A_1104 : memref<128xi32, #tpu.memory_space<vmem>>) semaphore(%arg22 : memref<!tpu.dma_semaphore, #tpu.memory_space<semaphore_mem>>) {add = true}
      %add3A_1108 = arith.constant 3 : i32
      %add3A_1109 = arith.addi %mul3A_646, %add3A_1108 : i32
      %gt3A_1110 = arith.constant 0 : i32
      %gt3A_1111 = arith.cmpi sgt, %add3A_1109, %gt3A_1110 : i32
      %convert_element_type3A_1112 = arith.extui %gt3A_1111 : i1 to i32
      %cond3A_1113 = arith.constant 0 : i32
      %cond3A_1114 = arith.cmpi ne, %convert_element_type3A_1112, %cond3A_1113 : i32
      scf.if %cond3A_1114 {
        %dma_wait3A_1263 = arith.constant 1 : i32
        %dma_wait3A_1264 = arith.constant 0 : i32
        %dma_wait3A_1265 = tpu.memref_slice %arg9[%dma_wait3A_1263, %dma_wait3A_1264] : memref<2x128xi32, #tpu.memory_space<vmem>> -> memref<1x128xi32, #tpu.memory_space<vmem>>
        %dma_wait3A_1266 = tpu.memref_squeeze %dma_wait3A_1265 : memref<1x128xi32, #tpu.memory_space<vmem>> -> memref<128xi32, #tpu.memory_space<vmem>>
        %dma_wait3A_1267 = arith.constant 0 : i32
        %dma_wait3A_1268 = arith.constant 0 : i32
        %dma_wait3A_1269 = tpu.memref_slice %arg14[%dma_wait3A_1267, %dma_wait3A_1268] : memref<10240x128xf32, #tpu.memory_space<vmem_shared>> -> memref<10240x128xf32, #tpu.memory_space<vmem_shared>>
        tpu.wait_indirect_dma semaphore(%arg22 : memref<!tpu.dma_semaphore, #tpu.memory_space<semaphore_mem>>) src(%arg12 : memref<128x128xf32, #tpu.memory_space<vmem>>) dst(%dma_wait3A_1269 : memref<10240x128xf32, #tpu.memory_space<vmem_shared>>)
      } else {
      }
      %add3A_1115 = arith.constant 3 : i32
      %add3A_1116 = arith.addi %add3A_1109, %add3A_1115 : i32
      %mul3A_1117 = arith.constant 156 : i32
      %mul3A_1118 = arith.muli %arg1, %mul3A_1117 : i32
      %add3A_1119 = arith.addi %mul3A_1118, %add3A_1116 : i32
      %dma_start3A_1120 = arith.constant 0 : i32
      %dma_start3A_1121 = arith.constant 0 : i32
      %dma_start3A_1122 = tpu.memref_slice %arg3[%add3A_1119, %dma_start3A_1120, %dma_start3A_1121] : memref<2500x2x128xi32, #tpu.memory_space<hbm>> -> memref<1x2x128xi32, #tpu.memory_space<hbm>>
      %dma_start3A_1123 = tpu.memref_squeeze %dma_start3A_1122 : memref<1x2x128xi32, #tpu.memory_space<hbm>> -> memref<2x128xi32, #tpu.memory_space<hbm>>
      %dma_start3A_1124 = arith.constant 0 : i32
      %dma_start3A_1125 = arith.constant 0 : i32
      %dma_start3A_1126 = tpu.memref_slice %arg3[%add3A_1119, %dma_start3A_1124, %dma_start3A_1125] : memref<2500x2x128xi32, #tpu.memory_space<hbm>> -> memref<1x2x128xi32, #tpu.memory_space<hbm>>
      %dma_start3A_1127 = tpu.memref_squeeze %dma_start3A_1126 : memref<1x2x128xi32, #tpu.memory_space<hbm>> -> memref<2x128xi32, #tpu.memory_space<hbm>>
      tpu.enqueue_dma source(%dma_start3A_1127 : memref<2x128xi32, #tpu.memory_space<hbm>>) target(%arg9 : memref<2x128xi32, #tpu.memory_space<vmem>>) target_semaphore(%arg17 : memref<!tpu.dma_semaphore, #tpu.memory_space<semaphore_mem>>)
      %dma_wait3A_1128 = arith.constant 0 : i32
      %dma_wait3A_1129 = arith.constant 0 : i32
      %dma_wait3A_1130 = arith.constant 0 : i32
      %dma_wait3A_1131 = tpu.memref_slice %arg3[%dma_wait3A_1128, %dma_wait3A_1129, %dma_wait3A_1130] : memref<2500x2x128xi32, #tpu.memory_space<hbm>> -> memref<1x2x128xi32, #tpu.memory_space<hbm>>
      %dma_wait3A_1132 = tpu.memref_squeeze %dma_wait3A_1131 : memref<1x2x128xi32, #tpu.memory_space<hbm>> -> memref<2x128xi32, #tpu.memory_space<hbm>>
      %dma_wait3A_1133 = arith.constant 0 : i32
      %dma_wait3A_1134 = arith.constant 0 : i32
      %dma_wait3A_1135 = tpu.memref_slice %arg3[%dma_wait3A_1128, %dma_wait3A_1133, %dma_wait3A_1134] : memref<2500x2x128xi32, #tpu.memory_space<hbm>> -> memref<1x2x128xi32, #tpu.memory_space<hbm>>
      %dma_wait3A_1136 = tpu.memref_squeeze %dma_wait3A_1135 : memref<1x2x128xi32, #tpu.memory_space<hbm>> -> memref<2x128xi32, #tpu.memory_space<hbm>>
      tpu.wait_dma2 semaphore(%arg15 : memref<!tpu.dma_semaphore, #tpu.memory_space<semaphore_mem>>) src(%dma_wait3A_1136 : memref<2x128xi32, #tpu.memory_space<hbm>>) dst(%arg7 : memref<2x128xi32, #tpu.memory_space<vmem>>)
      %get3A_1137 = arith.constant 0 : i32
      %get3A_1138 = arith.index_cast %get3A_1137 : i32 to index
      %get3A_1139 = arith.constant 0 : index
      %get3A_1140 = tpu.vector_load %arg7[%get3A_1138, %get3A_1139] {strides = array<i32>} : memref<2x128xi32, #tpu.memory_space<vmem>>, vector<1x16xi32>,
      %get3A_1141 = vector.shape_cast %get3A_1140 : vector<1x16xi32> to vector<16xi32>
      %add3A_1142 = vector.broadcast %mul3A_0 : i32 to vector<16xi32>
      %add3A_1143 = arith.addi %get3A_1141, %add3A_1142 : vector<16xi32>
      %swap3A_1144 = arith.constant 0 : i32
      %swap3A_1145 = arith.index_cast %swap3A_1144 : i32 to index
      %swap3A_1146 = arith.constant 0 : index
      %swap3A_1147 = tpu.vector_load %arg7[%swap3A_1145, %swap3A_1146] {strides = array<i32>} : memref<2x128xi32, #tpu.memory_space<vmem>>, vector<1x16xi32>,
      %swap3A_1148 = vector.shape_cast %swap3A_1147 : vector<1x16xi32> to vector<16xi32>
      %swap3A_1149 = vector.shape_cast %add3A_1143 : vector<16xi32> to vector<1x16xi32>
      tpu.vector_store %arg7[%swap3A_1145, %swap3A_1146], %swap3A_1149 {strides = array<i32>} : memref<2x128xi32, #tpu.memory_space<vmem>>, vector<1x16xi32>,
      %get3A_1150 = arith.constant 0 : i32
      %get3A_1151 = arith.index_cast %get3A_1150 : i32 to index
      %get3A_1152 = arith.constant 16 : index
      %get3A_1153 = tpu.vector_load %arg7[%get3A_1151, %get3A_1152] {strides = array<i32>} : memref<2x128xi32, #tpu.memory_space<vmem>>, vector<1x16xi32>,
      %get3A_1154 = vector.shape_cast %get3A_1153 : vector<1x16xi32> to vector<16xi32>
      %add3A_1155 = vector.broadcast %mul3A_0 : i32 to vector<16xi32>
      %add3A_1156 = arith.addi %get3A_1154, %add3A_1155 : vector<16xi32>
      %swap3A_1157 = arith.constant 0 : i32
      %swap3A_1158 = arith.index_cast %swap3A_1157 : i32 to index
      %swap3A_1159 = arith.constant 16 : index
      %swap3A_1160 = tpu.vector_load %arg7[%swap3A_1158, %swap3A_1159] {strides = array<i32>} : memref<2x128xi32, #tpu.memory_space<vmem>>, vector<1x16xi32>,
      %swap3A_1161 = vector.shape_cast %swap3A_1160 : vector<1x16xi32> to vector<16xi32>
      %swap3A_1162 = vector.shape_cast %add3A_1156 : vector<16xi32> to vector<1x16xi32>
      tpu.vector_store %arg7[%swap3A_1158, %swap3A_1159], %swap3A_1162 {strides = array<i32>} : memref<2x128xi32, #tpu.memory_space<vmem>>, vector<1x16xi32>,
      %get3A_1163 = arith.constant 0 : i32
      %get3A_1164 = arith.index_cast %get3A_1163 : i32 to index
      %get3A_1165 = arith.constant 32 : index
      %get3A_1166 = tpu.vector_load %arg7[%get3A_1164, %get3A_1165] {strides = array<i32>} : memref<2x128xi32, #tpu.memory_space<vmem>>, vector<1x16xi32>,
      %get3A_1167 = vector.shape_cast %get3A_1166 : vector<1x16xi32> to vector<16xi32>
      %add3A_1168 = vector.broadcast %mul3A_0 : i32 to vector<16xi32>
      %add3A_1169 = arith.addi %get3A_1167, %add3A_1168 : vector<16xi32>
      %swap3A_1170 = arith.constant 0 : i32
      %swap3A_1171 = arith.index_cast %swap3A_1170 : i32 to index
      %swap3A_1172 = arith.constant 32 : index
      %swap3A_1173 = tpu.vector_load %arg7[%swap3A_1171, %swap3A_1172] {strides = array<i32>} : memref<2x128xi32, #tpu.memory_space<vmem>>, vector<1x16xi32>,
      %swap3A_1174 = vector.shape_cast %swap3A_1173 : vector<1x16xi32> to vector<16xi32>
      %swap3A_1175 = vector.shape_cast %add3A_1169 : vector<16xi32> to vector<1x16xi32>
      tpu.vector_store %arg7[%swap3A_1171, %swap3A_1172], %swap3A_1175 {strides = array<i32>} : memref<2x128xi32, #tpu.memory_space<vmem>>, vector<1x16xi32>,
      %get3A_1176 = arith.constant 0 : i32
      %get3A_1177 = arith.index_cast %get3A_1176 : i32 to index
      %get3A_1178 = arith.constant 48 : index
      %get3A_1179 = tpu.vector_load %arg7[%get3A_1177, %get3A_1178] {strides = array<i32>} : memref<2x128xi32, #tpu.memory_space<vmem>>, vector<1x16xi32>,
      %get3A_1180 = vector.shape_cast %get3A_1179 : vector<1x16xi32> to vector<16xi32>
      %add3A_1181 = vector.broadcast %mul3A_0 : i32 to vector<16xi32>
      %add3A_1182 = arith.addi %get3A_1180, %add3A_1181 : vector<16xi32>
      %swap3A_1183 = arith.constant 0 : i32
      %swap3A_1184 = arith.index_cast %swap3A_1183 : i32 to index
      %swap3A_1185 = arith.constant 48 : index
      %swap3A_1186 = tpu.vector_load %arg7[%swap3A_1184, %swap3A_1185] {strides = array<i32>} : memref<2x128xi32, #tpu.memory_space<vmem>>, vector<1x16xi32>,
      %swap3A_1187 = vector.shape_cast %swap3A_1186 : vector<1x16xi32> to vector<16xi32>
      %swap3A_1188 = vector.shape_cast %add3A_1182 : vector<16xi32> to vector<1x16xi32>
      tpu.vector_store %arg7[%swap3A_1184, %swap3A_1185], %swap3A_1188 {strides = array<i32>} : memref<2x128xi32, #tpu.memory_space<vmem>>, vector<1x16xi32>,
      %get3A_1189 = arith.constant 0 : i32
      %get3A_1190 = arith.index_cast %get3A_1189 : i32 to index
      %get3A_1191 = arith.constant 64 : index
      %get3A_1192 = tpu.vector_load %arg7[%get3A_1190, %get3A_1191] {strides = array<i32>} : memref<2x128xi32, #tpu.memory_space<vmem>>, vector<1x16xi32>,
      %get3A_1193 = vector.shape_cast %get3A_1192 : vector<1x16xi32> to vector<16xi32>
      %add3A_1194 = vector.broadcast %mul3A_0 : i32 to vector<16xi32>
      %add3A_1195 = arith.addi %get3A_1193, %add3A_1194 : vector<16xi32>
      %swap3A_1196 = arith.constant 0 : i32
      %swap3A_1197 = arith.index_cast %swap3A_1196 : i32 to index
      %swap3A_1198 = arith.constant 64 : index
      %swap3A_1199 = tpu.vector_load %arg7[%swap3A_1197, %swap3A_1198] {strides = array<i32>} : memref<2x128xi32, #tpu.memory_space<vmem>>, vector<1x16xi32>,
      %swap3A_1200 = vector.shape_cast %swap3A_1199 : vector<1x16xi32> to vector<16xi32>
      %swap3A_1201 = vector.shape_cast %add3A_1195 : vector<16xi32> to vector<1x16xi32>
      tpu.vector_store %arg7[%swap3A_1197, %swap3A_1198], %swap3A_1201 {strides = array<i32>} : memref<2x128xi32, #tpu.memory_space<vmem>>, vector<1x16xi32>,
      %get3A_1202 = arith.constant 0 : i32
      %get3A_1203 = arith.index_cast %get3A_1202 : i32 to index
      %get3A_1204 = arith.constant 80 : index
      %get3A_1205 = tpu.vector_load %arg7[%get3A_1203, %get3A_1204] {strides = array<i32>} : memref<2x128xi32, #tpu.memory_space<vmem>>, vector<1x16xi32>,
      %get3A_1206 = vector.shape_cast %get3A_1205 : vector<1x16xi32> to vector<16xi32>
      %add3A_1207 = vector.broadcast %mul3A_0 : i32 to vector<16xi32>
      %add3A_1208 = arith.addi %get3A_1206, %add3A_1207 : vector<16xi32>
      %swap3A_1209 = arith.constant 0 : i32
      %swap3A_1210 = arith.index_cast %swap3A_1209 : i32 to index
      %swap3A_1211 = arith.constant 80 : index
      %swap3A_1212 = tpu.vector_load %arg7[%swap3A_1210, %swap3A_1211] {strides = array<i32>} : memref<2x128xi32, #tpu.memory_space<vmem>>, vector<1x16xi32>,
      %swap3A_1213 = vector.shape_cast %swap3A_1212 : vector<1x16xi32> to vector<16xi32>
      %swap3A_1214 = vector.shape_cast %add3A_1208 : vector<16xi32> to vector<1x16xi32>
      tpu.vector_store %arg7[%swap3A_1210, %swap3A_1211], %swap3A_1214 {strides = array<i32>} : memref<2x128xi32, #tpu.memory_space<vmem>>, vector<1x16xi32>,
      %get3A_1215 = arith.constant 0 : i32
      %get3A_1216 = arith.index_cast %get3A_1215 : i32 to index
      %get3A_1217 = arith.constant 96 : index
      %get3A_1218 = tpu.vector_load %arg7[%get3A_1216, %get3A_1217] {strides = array<i32>} : memref<2x128xi32, #tpu.memory_space<vmem>>, vector<1x16xi32>,
      %get3A_1219 = vector.shape_cast %get3A_1218 : vector<1x16xi32> to vector<16xi32>
      %add3A_1220 = vector.broadcast %mul3A_0 : i32 to vector<16xi32>
      %add3A_1221 = arith.addi %get3A_1219, %add3A_1220 : vector<16xi32>
      %swap3A_1222 = arith.constant 0 : i32
      %swap3A_1223 = arith.index_cast %swap3A_1222 : i32 to index
      %swap3A_1224 = arith.constant 96 : index
      %swap3A_1225 = tpu.vector_load %arg7[%swap3A_1223, %swap3A_1224] {strides = array<i32>} : memref<2x128xi32, #tpu.memory_space<vmem>>, vector<1x16xi32>,
      %swap3A_1226 = vector.shape_cast %swap3A_1225 : vector<1x16xi32> to vector<16xi32>
      %swap3A_1227 = vector.shape_cast %add3A_1221 : vector<16xi32> to vector<1x16xi32>
      tpu.vector_store %arg7[%swap3A_1223, %swap3A_1224], %swap3A_1227 {strides = array<i32>} : memref<2x128xi32, #tpu.memory_space<vmem>>, vector<1x16xi32>,
      %get3A_1228 = arith.constant 0 : i32
      %get3A_1229 = arith.index_cast %get3A_1228 : i32 to index
      %get3A_1230 = arith.constant 112 : index
      %get3A_1231 = tpu.vector_load %arg7[%get3A_1229, %get3A_1230] {strides = array<i32>} : memref<2x128xi32, #tpu.memory_space<vmem>>, vector<1x16xi32>,
      %get3A_1232 = vector.shape_cast %get3A_1231 : vector<1x16xi32> to vector<16xi32>
      %add3A_1233 = vector.broadcast %mul3A_0 : i32 to vector<16xi32>
      %add3A_1234 = arith.addi %get3A_1232, %add3A_1233 : vector<16xi32>
      %swap3A_1235 = arith.constant 0 : i32
      %swap3A_1236 = arith.index_cast %swap3A_1235 : i32 to index
      %swap3A_1237 = arith.constant 112 : index
      %swap3A_1238 = tpu.vector_load %arg7[%swap3A_1236, %swap3A_1237] {strides = array<i32>} : memref<2x128xi32, #tpu.memory_space<vmem>>, vector<1x16xi32>,
      %swap3A_1239 = vector.shape_cast %swap3A_1238 : vector<1x16xi32> to vector<16xi32>
      %swap3A_1240 = vector.shape_cast %add3A_1234 : vector<16xi32> to vector<1x16xi32>
      tpu.vector_store %arg7[%swap3A_1236, %swap3A_1237], %swap3A_1240 {strides = array<i32>} : memref<2x128xi32, #tpu.memory_space<vmem>>, vector<1x16xi32>,
      %dma_start3A_1241 = arith.constant 0 : i32
      %dma_start3A_1242 = arith.constant 0 : i32
      %dma_start3A_1243 = tpu.memref_slice %arg7[%dma_start3A_1241, %dma_start3A_1242] : memref<2x128xi32, #tpu.memory_space<vmem>> -> memref<1x128xi32, #tpu.memory_space<vmem>>
      %dma_start3A_1244 = tpu.memref_squeeze %dma_start3A_1243 : memref<1x128xi32, #tpu.memory_space<vmem>> -> memref<128xi32, #tpu.memory_space<vmem>>
      %dma_start3A_1245 = arith.constant 0 : i32
      %dma_start3A_1246 = arith.constant 0 : i32
      %dma_start3A_1247 = tpu.memref_slice %arg2[%dma_start3A_1245, %dma_start3A_1246] : memref<20000x128xf32, #tpu.memory_space<hbm>> -> memref<20000x128xf32, #tpu.memory_space<hbm>>
      tpu.enqueue_indirect_dma source(%dma_start3A_1247 : memref<20000x128xf32, #tpu.memory_space<hbm>>) target(%arg12 : memref<128x128xf32, #tpu.memory_space<vmem>>) offsets(%dma_start3A_1244 : memref<128xi32, #tpu.memory_space<vmem>>) semaphore(%arg20 : memref<!tpu.dma_semaphore, #tpu.memory_space<semaphore_mem>>)
      %dma_wait3A_1248 = arith.constant 0 : i32
      %dma_wait3A_1249 = arith.constant 0 : i32
      %dma_wait3A_1250 = tpu.memref_slice %arg10[%dma_wait3A_1248, %dma_wait3A_1249] : memref<2x128xi32, #tpu.memory_space<vmem>> -> memref<1x128xi32, #tpu.memory_space<vmem>>
      %dma_wait3A_1251 = tpu.memref_squeeze %dma_wait3A_1250 : memref<1x128xi32, #tpu.memory_space<vmem>> -> memref<128xi32, #tpu.memory_space<vmem>>
      %dma_wait3A_1252 = arith.constant 0 : i32
      %dma_wait3A_1253 = arith.constant 0 : i32
      %dma_wait3A_1254 = tpu.memref_slice %arg2[%dma_wait3A_1252, %dma_wait3A_1253] : memref<20000x128xf32, #tpu.memory_space<hbm>> -> memref<20000x128xf32, #tpu.memory_space<hbm>>
      tpu.wait_indirect_dma semaphore(%arg21 : memref<!tpu.dma_semaphore, #tpu.memory_space<semaphore_mem>>) src(%dma_wait3A_1254 : memref<20000x128xf32, #tpu.memory_space<hbm>>) dst(%arg13 : memref<128x128xf32, #tpu.memory_space<vmem>>)
      %dma_start3A_1255 = arith.constant 1 : i32
      %dma_start3A_1256 = arith.constant 0 : i32
      %dma_start3A_1257 = tpu.memref_slice %arg10[%dma_start3A_1255, %dma_start3A_1256] : memref<2x128xi32, #tpu.memory_space<vmem>> -> memref<1x128xi32, #tpu.memory_space<vmem>>
      %dma_start3A_1258 = tpu.memref_squeeze %dma_start3A_1257 : memref<1x128xi32, #tpu.memory_space<vmem>> -> memref<128xi32, #tpu.memory_space<vmem>>
      %dma_start3A_1259 = arith.constant 0 : i32
      %dma_start3A_1260 = arith.constant 0 : i32
      %dma_start3A_1261 = tpu.memref_slice %arg14[%dma_start3A_1259, %dma_start3A_1260] : memref<10240x128xf32, #tpu.memory_space<vmem_shared>> -> memref<10240x128xf32, #tpu.memory_space<vmem_shared>>
      tpu.enqueue_indirect_dma source(%arg13 : memref<128x128xf32, #tpu.memory_space<vmem>>) target(%dma_start3A_1261 : memref<10240x128xf32, #tpu.memory_space<vmem_shared>>) offsets(%dma_start3A_1258 : memref<128xi32, #tpu.memory_space<vmem>>) semaphore(%arg23 : memref<!tpu.dma_semaphore, #tpu.memory_space<semaphore_mem>>) {add = true}
      %scan3A_1262 = arith.constant 0 : i32
      scf.yield %scan3A_1262 : i32
    }
    %scan3A_161 = arith.constant 38 : i32
    %lt3A = arith.constant 4 : i32
    %lt3A_162 = arith.cmpi slt, %arg1, %lt3A : i32
    %dma_wait3A_163 = arith.constant 1 : i32
    %dma_wait3A_164 = arith.constant 0 : i32
    %dma_wait3A_165 = tpu.memref_slice %arg10[%dma_wait3A_163, %dma_wait3A_164] : memref<2x128xi32, #tpu.memory_space<vmem>> -> memref<1x128xi32, #tpu.memory_space<vmem>>
    %dma_wait3A_166 = tpu.memref_squeeze %dma_wait3A_165 : memref<1x128xi32, #tpu.memory_space<vmem>> -> memref<128xi32, #tpu.memory_space<vmem>>
    %dma_wait3A_167 = arith.constant 0 : i32
    %dma_wait3A_168 = arith.constant 0 : i32
    %dma_wait3A_169 = tpu.memref_slice %arg14[%dma_wait3A_167, %dma_wait3A_168] : memref<10240x128xf32, #tpu.memory_space<vmem_shared>> -> memref<10240x128xf32, #tpu.memory_space<vmem_shared>>
    tpu.wait_indirect_dma semaphore(%arg23 : memref<!tpu.dma_semaphore, #tpu.memory_space<semaphore_mem>>) src(%arg13 : memref<128x128xf32, #tpu.memory_space<vmem>>) dst(%dma_wait3A_169 : memref<10240x128xf32, #tpu.memory_space<vmem_shared>>)
    %mul3A_170 = arith.constant 156 : i32
    %mul3A_171 = arith.muli %arg1, %mul3A_170 : i32
    %add3A_172 = arith.constant 155 : i32
    %add3A_173 = arith.addi %mul3A_171, %add3A_172 : i32
    %dma_start3A_174 = arith.constant 0 : i32
    %dma_start3A_175 = arith.constant 0 : i32
    %dma_start3A_176 = tpu.memref_slice %arg3[%add3A_173, %dma_start3A_174, %dma_start3A_175] : memref<2500x2x128xi32, #tpu.memory_space<hbm>> -> memref<1x2x128xi32, #tpu.memory_space<hbm>>
    %dma_start3A_177 = tpu.memref_squeeze %dma_start3A_176 : memref<1x2x128xi32, #tpu.memory_space<hbm>> -> memref<2x128xi32, #tpu.memory_space<hbm>>
    %dma_start3A_178 = arith.constant 0 : i32
    %dma_start3A_179 = arith.constant 0 : i32
    %dma_start3A_180 = tpu.memref_slice %arg3[%add3A_173, %dma_start3A_178, %dma_start3A_179] : memref<2500x2x128xi32, #tpu.memory_space<hbm>> -> memref<1x2x128xi32, #tpu.memory_space<hbm>>
    %dma_start3A_181 = tpu.memref_squeeze %dma_start3A_180 : memref<1x2x128xi32, #tpu.memory_space<hbm>> -> memref<2x128xi32, #tpu.memory_space<hbm>>
    tpu.enqueue_dma source(%dma_start3A_181 : memref<2x128xi32, #tpu.memory_space<hbm>>) target(%arg10 : memref<2x128xi32, #tpu.memory_space<vmem>>) target_semaphore(%arg18 : memref<!tpu.dma_semaphore, #tpu.memory_space<semaphore_mem>>)
    %dma_wait3A_182 = arith.constant 0 : i32
    %dma_wait3A_183 = arith.constant 0 : i32
    %dma_wait3A_184 = arith.constant 0 : i32
    %dma_wait3A_185 = tpu.memref_slice %arg3[%dma_wait3A_182, %dma_wait3A_183, %dma_wait3A_184] : memref<2500x2x128xi32, #tpu.memory_space<hbm>> -> memref<1x2x128xi32, #tpu.memory_space<hbm>>
    %dma_wait3A_186 = tpu.memref_squeeze %dma_wait3A_185 : memref<1x2x128xi32, #tpu.memory_space<hbm>> -> memref<2x128xi32, #tpu.memory_space<hbm>>
    %dma_wait3A_187 = arith.constant 0 : i32
    %dma_wait3A_188 = arith.constant 0 : i32
    %dma_wait3A_189 = tpu.memref_slice %arg3[%dma_wait3A_182, %dma_wait3A_187, %dma_wait3A_188] : memref<2500x2x128xi32, #tpu.memory_space<hbm>> -> memref<1x2x128xi32, #tpu.memory_space<hbm>>
    %dma_wait3A_190 = tpu.memref_squeeze %dma_wait3A_189 : memref<1x2x128xi32, #tpu.memory_space<hbm>> -> memref<2x128xi32, #tpu.memory_space<hbm>>
    tpu.wait_dma2 semaphore(%arg16 : memref<!tpu.dma_semaphore, #tpu.memory_space<semaphore_mem>>) src(%dma_wait3A_190 : memref<2x128xi32, #tpu.memory_space<hbm>>) dst(%arg8 : memref<2x128xi32, #tpu.memory_space<vmem>>)
    %get3A_191 = arith.constant 0 : i32
    %get3A_192 = arith.index_cast %get3A_191 : i32 to index
    %get3A_193 = arith.constant 0 : index
    %get3A_194 = tpu.vector_load %arg8[%get3A_192, %get3A_193] {strides = array<i32>} : memref<2x128xi32, #tpu.memory_space<vmem>>, vector<1x16xi32>,
    %get3A_195 = vector.shape_cast %get3A_194 : vector<1x16xi32> to vector<16xi32>
    %add3A_196 = vector.broadcast %mul3A_0 : i32 to vector<16xi32>
    %add3A_197 = arith.addi %get3A_195, %add3A_196 : vector<16xi32>
    %swap3A_198 = arith.constant 0 : i32
    %swap3A_199 = arith.index_cast %swap3A_198 : i32 to index
    %swap3A_200 = arith.constant 0 : index
    %swap3A_201 = tpu.vector_load %arg8[%swap3A_199, %swap3A_200] {strides = array<i32>} : memref<2x128xi32, #tpu.memory_space<vmem>>, vector<1x16xi32>,
    %swap3A_202 = vector.shape_cast %swap3A_201 : vector<1x16xi32> to vector<16xi32>
    %swap3A_203 = vector.shape_cast %add3A_197 : vector<16xi32> to vector<1x16xi32>
    tpu.vector_store %arg8[%swap3A_199, %swap3A_200], %swap3A_203 {strides = array<i32>} : memref<2x128xi32, #tpu.memory_space<vmem>>, vector<1x16xi32>,
    %get3A_204 = arith.constant 0 : i32
    %get3A_205 = arith.index_cast %get3A_204 : i32 to index
    %get3A_206 = arith.constant 16 : index
    %get3A_207 = tpu.vector_load %arg8[%get3A_205, %get3A_206] {strides = array<i32>} : memref<2x128xi32, #tpu.memory_space<vmem>>, vector<1x16xi32>,
    %get3A_208 = vector.shape_cast %get3A_207 : vector<1x16xi32> to vector<16xi32>
    %add3A_209 = vector.broadcast %mul3A_0 : i32 to vector<16xi32>
    %add3A_210 = arith.addi %get3A_208, %add3A_209 : vector<16xi32>
    %swap3A_211 = arith.constant 0 : i32
    %swap3A_212 = arith.index_cast %swap3A_211 : i32 to index
    %swap3A_213 = arith.constant 16 : index
    %swap3A_214 = tpu.vector_load %arg8[%swap3A_212, %swap3A_213] {strides = array<i32>} : memref<2x128xi32, #tpu.memory_space<vmem>>, vector<1x16xi32>,
    %swap3A_215 = vector.shape_cast %swap3A_214 : vector<1x16xi32> to vector<16xi32>
    %swap3A_216 = vector.shape_cast %add3A_210 : vector<16xi32> to vector<1x16xi32>
    tpu.vector_store %arg8[%swap3A_212, %swap3A_213], %swap3A_216 {strides = array<i32>} : memref<2x128xi32, #tpu.memory_space<vmem>>, vector<1x16xi32>,
    %get3A_217 = arith.constant 0 : i32
    %get3A_218 = arith.index_cast %get3A_217 : i32 to index
    %get3A_219 = arith.constant 32 : index
    %get3A_220 = tpu.vector_load %arg8[%get3A_218, %get3A_219] {strides = array<i32>} : memref<2x128xi32, #tpu.memory_space<vmem>>, vector<1x16xi32>,
    %get3A_221 = vector.shape_cast %get3A_220 : vector<1x16xi32> to vector<16xi32>
    %add3A_222 = vector.broadcast %mul3A_0 : i32 to vector<16xi32>
    %add3A_223 = arith.addi %get3A_221, %add3A_222 : vector<16xi32>
    %swap3A_224 = arith.constant 0 : i32
    %swap3A_225 = arith.index_cast %swap3A_224 : i32 to index
    %swap3A_226 = arith.constant 32 : index
    %swap3A_227 = tpu.vector_load %arg8[%swap3A_225, %swap3A_226] {strides = array<i32>} : memref<2x128xi32, #tpu.memory_space<vmem>>, vector<1x16xi32>,
    %swap3A_228 = vector.shape_cast %swap3A_227 : vector<1x16xi32> to vector<16xi32>
    %swap3A_229 = vector.shape_cast %add3A_223 : vector<16xi32> to vector<1x16xi32>
    tpu.vector_store %arg8[%swap3A_225, %swap3A_226], %swap3A_229 {strides = array<i32>} : memref<2x128xi32, #tpu.memory_space<vmem>>, vector<1x16xi32>,
    %get3A_230 = arith.constant 0 : i32
    %get3A_231 = arith.index_cast %get3A_230 : i32 to index
    %get3A_232 = arith.constant 48 : index
    %get3A_233 = tpu.vector_load %arg8[%get3A_231, %get3A_232] {strides = array<i32>} : memref<2x128xi32, #tpu.memory_space<vmem>>, vector<1x16xi32>,
    %get3A_234 = vector.shape_cast %get3A_233 : vector<1x16xi32> to vector<16xi32>
    %add3A_235 = vector.broadcast %mul3A_0 : i32 to vector<16xi32>
    %add3A_236 = arith.addi %get3A_234, %add3A_235 : vector<16xi32>
    %swap3A_237 = arith.constant 0 : i32
    %swap3A_238 = arith.index_cast %swap3A_237 : i32 to index
    %swap3A_239 = arith.constant 48 : index
    %swap3A_240 = tpu.vector_load %arg8[%swap3A_238, %swap3A_239] {strides = array<i32>} : memref<2x128xi32, #tpu.memory_space<vmem>>, vector<1x16xi32>,
    %swap3A_241 = vector.shape_cast %swap3A_240 : vector<1x16xi32> to vector<16xi32>
    %swap3A_242 = vector.shape_cast %add3A_236 : vector<16xi32> to vector<1x16xi32>
    tpu.vector_store %arg8[%swap3A_238, %swap3A_239], %swap3A_242 {strides = array<i32>} : memref<2x128xi32, #tpu.memory_space<vmem>>, vector<1x16xi32>,
    %get3A_243 = arith.constant 0 : i32
    %get3A_244 = arith.index_cast %get3A_243 : i32 to index
    %get3A_245 = arith.constant 64 : index
    %get3A_246 = tpu.vector_load %arg8[%get3A_244, %get3A_245] {strides = array<i32>} : memref<2x128xi32, #tpu.memory_space<vmem>>, vector<1x16xi32>,
    %get3A_247 = vector.shape_cast %get3A_246 : vector<1x16xi32> to vector<16xi32>
    %add3A_248 = vector.broadcast %mul3A_0 : i32 to vector<16xi32>
    %add3A_249 = arith.addi %get3A_247, %add3A_248 : vector<16xi32>
    %swap3A_250 = arith.constant 0 : i32
    %swap3A_251 = arith.index_cast %swap3A_250 : i32 to index
    %swap3A_252 = arith.constant 64 : index
    %swap3A_253 = tpu.vector_load %arg8[%swap3A_251, %swap3A_252] {strides = array<i32>} : memref<2x128xi32, #tpu.memory_space<vmem>>, vector<1x16xi32>,
    %swap3A_254 = vector.shape_cast %swap3A_253 : vector<1x16xi32> to vector<16xi32>
    %swap3A_255 = vector.shape_cast %add3A_249 : vector<16xi32> to vector<1x16xi32>
    tpu.vector_store %arg8[%swap3A_251, %swap3A_252], %swap3A_255 {strides = array<i32>} : memref<2x128xi32, #tpu.memory_space<vmem>>, vector<1x16xi32>,
    %get3A_256 = arith.constant 0 : i32
    %get3A_257 = arith.index_cast %get3A_256 : i32 to index
    %get3A_258 = arith.constant 80 : index
    %get3A_259 = tpu.vector_load %arg8[%get3A_257, %get3A_258] {strides = array<i32>} : memref<2x128xi32, #tpu.memory_space<vmem>>, vector<1x16xi32>,
    %get3A_260 = vector.shape_cast %get3A_259 : vector<1x16xi32> to vector<16xi32>
    %add3A_261 = vector.broadcast %mul3A_0 : i32 to vector<16xi32>
    %add3A_262 = arith.addi %get3A_260, %add3A_261 : vector<16xi32>
    %swap3A_263 = arith.constant 0 : i32
    %swap3A_264 = arith.index_cast %swap3A_263 : i32 to index
    %swap3A_265 = arith.constant 80 : index
    %swap3A_266 = tpu.vector_load %arg8[%swap3A_264, %swap3A_265] {strides = array<i32>} : memref<2x128xi32, #tpu.memory_space<vmem>>, vector<1x16xi32>,
    %swap3A_267 = vector.shape_cast %swap3A_266 : vector<1x16xi32> to vector<16xi32>
    %swap3A_268 = vector.shape_cast %add3A_262 : vector<16xi32> to vector<1x16xi32>
    tpu.vector_store %arg8[%swap3A_264, %swap3A_265], %swap3A_268 {strides = array<i32>} : memref<2x128xi32, #tpu.memory_space<vmem>>, vector<1x16xi32>,
    %get3A_269 = arith.constant 0 : i32
    %get3A_270 = arith.index_cast %get3A_269 : i32 to index
    %get3A_271 = arith.constant 96 : index
    %get3A_272 = tpu.vector_load %arg8[%get3A_270, %get3A_271] {strides = array<i32>} : memref<2x128xi32, #tpu.memory_space<vmem>>, vector<1x16xi32>,
    %get3A_273 = vector.shape_cast %get3A_272 : vector<1x16xi32> to vector<16xi32>
    %add3A_274 = vector.broadcast %mul3A_0 : i32 to vector<16xi32>
    %add3A_275 = arith.addi %get3A_273, %add3A_274 : vector<16xi32>
    %swap3A_276 = arith.constant 0 : i32
    %swap3A_277 = arith.index_cast %swap3A_276 : i32 to index
    %swap3A_278 = arith.constant 96 : index
    %swap3A_279 = tpu.vector_load %arg8[%swap3A_277, %swap3A_278] {strides = array<i32>} : memref<2x128xi32, #tpu.memory_space<vmem>>, vector<1x16xi32>,
    %swap3A_280 = vector.shape_cast %swap3A_279 : vector<1x16xi32> to vector<16xi32>
    %swap3A_281 = vector.shape_cast %add3A_275 : vector<16xi32> to vector<1x16xi32>
    tpu.vector_store %arg8[%swap3A_277, %swap3A_278], %swap3A_281 {strides = array<i32>} : memref<2x128xi32, #tpu.memory_space<vmem>>, vector<1x16xi32>,
    %get3A_282 = arith.constant 0 : i32
    %get3A_283 = arith.index_cast %get3A_282 : i32 to index
    %get3A_284 = arith.constant 112 : index
    %get3A_285 = tpu.vector_load %arg8[%get3A_283, %get3A_284] {strides = array<i32>} : memref<2x128xi32, #tpu.memory_space<vmem>>, vector<1x16xi32>,
    %get3A_286 = vector.shape_cast %get3A_285 : vector<1x16xi32> to vector<16xi32>
    %add3A_287 = vector.broadcast %mul3A_0 : i32 to vector<16xi32>
    %add3A_288 = arith.addi %get3A_286, %add3A_287 : vector<16xi32>
    %swap3A_289 = arith.constant 0 : i32
    %swap3A_290 = arith.index_cast %swap3A_289 : i32 to index
    %swap3A_291 = arith.constant 112 : index
    %swap3A_292 = tpu.vector_load %arg8[%swap3A_290, %swap3A_291] {strides = array<i32>} : memref<2x128xi32, #tpu.memory_space<vmem>>, vector<1x16xi32>,
    %swap3A_293 = vector.shape_cast %swap3A_292 : vector<1x16xi32> to vector<16xi32>
    %swap3A_294 = vector.shape_cast %add3A_288 : vector<16xi32> to vector<1x16xi32>
    tpu.vector_store %arg8[%swap3A_290, %swap3A_291], %swap3A_294 {strides = array<i32>} : memref<2x128xi32, #tpu.memory_space<vmem>>, vector<1x16xi32>,
    %dma_start3A_295 = arith.constant 0 : i32
    %dma_start3A_296 = arith.constant 0 : i32
    %dma_start3A_297 = tpu.memref_slice %arg8[%dma_start3A_295, %dma_start3A_296] : memref<2x128xi32, #tpu.memory_space<vmem>> -> memref<1x128xi32, #tpu.memory_space<vmem>>
    %dma_start3A_298 = tpu.memref_squeeze %dma_start3A_297 : memref<1x128xi32, #tpu.memory_space<vmem>> -> memref<128xi32, #tpu.memory_space<vmem>>
    %dma_start3A_299 = arith.constant 0 : i32
    %dma_start3A_300 = arith.constant 0 : i32
    %dma_start3A_301 = tpu.memref_slice %arg2[%dma_start3A_299, %dma_start3A_300] : memref<20000x128xf32, #tpu.memory_space<hbm>> -> memref<20000x128xf32, #tpu.memory_space<hbm>>
    tpu.enqueue_indirect_dma source(%dma_start3A_301 : memref<20000x128xf32, #tpu.memory_space<hbm>>) target(%arg13 : memref<128x128xf32, #tpu.memory_space<vmem>>) offsets(%dma_start3A_298 : memref<128xi32, #tpu.memory_space<vmem>>) semaphore(%arg21 : memref<!tpu.dma_semaphore, #tpu.memory_space<semaphore_mem>>)
    %dma_wait3A_302 = arith.constant 0 : i32
    %dma_wait3A_303 = arith.constant 0 : i32
    %dma_wait3A_304 = tpu.memref_slice %arg7[%dma_wait3A_302, %dma_wait3A_303] : memref<2x128xi32, #tpu.memory_space<vmem>> -> memref<1x128xi32, #tpu.memory_space<vmem>>
    %dma_wait3A_305 = tpu.memref_squeeze %dma_wait3A_304 : memref<1x128xi32, #tpu.memory_space<vmem>> -> memref<128xi32, #tpu.memory_space<vmem>>
    %dma_wait3A_306 = arith.constant 0 : i32
    %dma_wait3A_307 = arith.constant 0 : i32
    %dma_wait3A_308 = tpu.memref_slice %arg2[%dma_wait3A_306, %dma_wait3A_307] : memref<20000x128xf32, #tpu.memory_space<hbm>> -> memref<20000x128xf32, #tpu.memory_space<hbm>>
    tpu.wait_indirect_dma semaphore(%arg20 : memref<!tpu.dma_semaphore, #tpu.memory_space<semaphore_mem>>) src(%dma_wait3A_308 : memref<20000x128xf32, #tpu.memory_space<hbm>>) dst(%arg12 : memref<128x128xf32, #tpu.memory_space<vmem>>)
    %dma_start3A_309 = arith.constant 1 : i32
    %dma_start3A_310 = arith.constant 0 : i32
    %dma_start3A_311 = tpu.memref_slice %arg7[%dma_start3A_309, %dma_start3A_310] : memref<2x128xi32, #tpu.memory_space<vmem>> -> memref<1x128xi32, #tpu.memory_space<vmem>>
    %dma_start3A_312 = tpu.memref_squeeze %dma_start3A_311 : memref<1x128xi32, #tpu.memory_space<vmem>> -> memref<128xi32, #tpu.memory_space<vmem>>
    %dma_start3A_313 = arith.constant 0 : i32
    %dma_start3A_314 = arith.constant 0 : i32
    %dma_start3A_315 = tpu.memref_slice %arg14[%dma_start3A_313, %dma_start3A_314] : memref<10240x128xf32, #tpu.memory_space<vmem_shared>> -> memref<10240x128xf32, #tpu.memory_space<vmem_shared>>
    tpu.enqueue_indirect_dma source(%arg12 : memref<128x128xf32, #tpu.memory_space<vmem>>) target(%dma_start3A_315 : memref<10240x128xf32, #tpu.memory_space<vmem_shared>>) offsets(%dma_start3A_312 : memref<128xi32, #tpu.memory_space<vmem>>) semaphore(%arg22 : memref<!tpu.dma_semaphore, #tpu.memory_space<semaphore_mem>>) {add = true}
    %dma_wait3A_316 = arith.constant 1 : i32
    %dma_wait3A_317 = arith.constant 0 : i32
    %dma_wait3A_318 = tpu.memref_slice %arg7[%dma_wait3A_316, %dma_wait3A_317] : memref<2x128xi32, #tpu.memory_space<vmem>> -> memref<1x128xi32, #tpu.memory_space<vmem>>
    %dma_wait3A_319 = tpu.memref_squeeze %dma_wait3A_318 : memref<1x128xi32, #tpu.memory_space<vmem>> -> memref<128xi32, #tpu.memory_space<vmem>>
    %dma_wait3A_320 = arith.constant 0 : i32
    %dma_wait3A_321 = arith.constant 0 : i32
    %dma_wait3A_322 = tpu.memref_slice %arg14[%dma_wait3A_320, %dma_wait3A_321] : memref<10240x128xf32, #tpu.memory_space<vmem_shared>> -> memref<10240x128xf32, #tpu.memory_space<vmem_shared>>
    tpu.wait_indirect_dma semaphore(%arg22 : memref<!tpu.dma_semaphore, #tpu.memory_space<semaphore_mem>>) src(%arg12 : memref<128x128xf32, #tpu.memory_space<vmem>>) dst(%dma_wait3A_322 : memref<10240x128xf32, #tpu.memory_space<vmem_shared>>)
    %convert_element_type3A = arith.extui %lt3A_162 : i1 to i32
    %cond3A = arith.constant 0 : i32
    %cond3A_323 = arith.cmpi ne, %convert_element_type3A, %cond3A : i32
    scf.if %cond3A_323 {
      %add3A_643 = arith.constant 2496 : i32
      %add3A_644 = arith.addi %add3A_643, %arg1 : i32
      %dma_start3A_645 = arith.constant 0 : i32
      %dma_start3A_646 = arith.constant 0 : i32
      %dma_start3A_647 = tpu.memref_slice %arg3[%add3A_644, %dma_start3A_645, %dma_start3A_646] : memref<2500x2x128xi32, #tpu.memory_space<hbm>> -> memref<1x2x128xi32, #tpu.memory_space<hbm>>
      %dma_start3A_648 = tpu.memref_squeeze %dma_start3A_647 : memref<1x2x128xi32, #tpu.memory_space<hbm>> -> memref<2x128xi32, #tpu.memory_space<hbm>>
      %dma_start3A_649 = arith.constant 0 : i32
      %dma_start3A_650 = arith.constant 0 : i32
      %dma_start3A_651 = tpu.memref_slice %arg3[%add3A_644, %dma_start3A_649, %dma_start3A_650] : memref<2500x2x128xi32, #tpu.memory_space<hbm>> -> memref<1x2x128xi32, #tpu.memory_space<hbm>>
      %dma_start3A_652 = tpu.memref_squeeze %dma_start3A_651 : memref<1x2x128xi32, #tpu.memory_space<hbm>> -> memref<2x128xi32, #tpu.memory_space<hbm>>
      tpu.enqueue_dma source(%dma_start3A_652 : memref<2x128xi32, #tpu.memory_space<hbm>>) target(%arg11 : memref<2x128xi32, #tpu.memory_space<vmem>>) target_semaphore(%arg19 : memref<!tpu.dma_semaphore, #tpu.memory_space<semaphore_mem>>)
    } else {
    }
    %dma_wait3A_324 = arith.constant 0 : i32
    %dma_wait3A_325 = arith.constant 0 : i32
    %dma_wait3A_326 = arith.constant 0 : i32
    %dma_wait3A_327 = tpu.memref_slice %arg3[%dma_wait3A_324, %dma_wait3A_325, %dma_wait3A_326] : memref<2500x2x128xi32, #tpu.memory_space<hbm>> -> memref<1x2x128xi32, #tpu.memory_space<hbm>>
    %dma_wait3A_328 = tpu.memref_squeeze %dma_wait3A_327 : memref<1x2x128xi32, #tpu.memory_space<hbm>> -> memref<2x128xi32, #tpu.memory_space<hbm>>
    %dma_wait3A_329 = arith.constant 0 : i32
    %dma_wait3A_330 = arith.constant 0 : i32
    %dma_wait3A_331 = tpu.memref_slice %arg3[%dma_wait3A_324, %dma_wait3A_329, %dma_wait3A_330] : memref<2500x2x128xi32, #tpu.memory_space<hbm>> -> memref<1x2x128xi32, #tpu.memory_space<hbm>>
    %dma_wait3A_332 = tpu.memref_squeeze %dma_wait3A_331 : memref<1x2x128xi32, #tpu.memory_space<hbm>> -> memref<2x128xi32, #tpu.memory_space<hbm>>
    tpu.wait_dma2 semaphore(%arg17 : memref<!tpu.dma_semaphore, #tpu.memory_space<semaphore_mem>>) src(%dma_wait3A_332 : memref<2x128xi32, #tpu.memory_space<hbm>>) dst(%arg9 : memref<2x128xi32, #tpu.memory_space<vmem>>)
    %get3A_333 = arith.constant 0 : i32
    %get3A_334 = arith.index_cast %get3A_333 : i32 to index
    %get3A_335 = arith.constant 0 : index
    %get3A_336 = tpu.vector_load %arg9[%get3A_334, %get3A_335] {strides = array<i32>} : memref<2x128xi32, #tpu.memory_space<vmem>>, vector<1x16xi32>,
    %get3A_337 = vector.shape_cast %get3A_336 : vector<1x16xi32> to vector<16xi32>
    %add3A_338 = vector.broadcast %mul3A_0 : i32 to vector<16xi32>
    %add3A_339 = arith.addi %get3A_337, %add3A_338 : vector<16xi32>
    %swap3A_340 = arith.constant 0 : i32
    %swap3A_341 = arith.index_cast %swap3A_340 : i32 to index
    %swap3A_342 = arith.constant 0 : index
    %swap3A_343 = tpu.vector_load %arg9[%swap3A_341, %swap3A_342] {strides = array<i32>} : memref<2x128xi32, #tpu.memory_space<vmem>>, vector<1x16xi32>,
    %swap3A_344 = vector.shape_cast %swap3A_343 : vector<1x16xi32> to vector<16xi32>
    %swap3A_345 = vector.shape_cast %add3A_339 : vector<16xi32> to vector<1x16xi32>
    tpu.vector_store %arg9[%swap3A_341, %swap3A_342], %swap3A_345 {strides = array<i32>} : memref<2x128xi32, #tpu.memory_space<vmem>>, vector<1x16xi32>,
    %get3A_346 = arith.constant 0 : i32
    %get3A_347 = arith.index_cast %get3A_346 : i32 to index
    %get3A_348 = arith.constant 16 : index
    %get3A_349 = tpu.vector_load %arg9[%get3A_347, %get3A_348] {strides = array<i32>} : memref<2x128xi32, #tpu.memory_space<vmem>>, vector<1x16xi32>,
    %get3A_350 = vector.shape_cast %get3A_349 : vector<1x16xi32> to vector<16xi32>
    %add3A_351 = vector.broadcast %mul3A_0 : i32 to vector<16xi32>
    %add3A_352 = arith.addi %get3A_350, %add3A_351 : vector<16xi32>
    %swap3A_353 = arith.constant 0 : i32
    %swap3A_354 = arith.index_cast %swap3A_353 : i32 to index
    %swap3A_355 = arith.constant 16 : index
    %swap3A_356 = tpu.vector_load %arg9[%swap3A_354, %swap3A_355] {strides = array<i32>} : memref<2x128xi32, #tpu.memory_space<vmem>>, vector<1x16xi32>,
    %swap3A_357 = vector.shape_cast %swap3A_356 : vector<1x16xi32> to vector<16xi32>
    %swap3A_358 = vector.shape_cast %add3A_352 : vector<16xi32> to vector<1x16xi32>
    tpu.vector_store %arg9[%swap3A_354, %swap3A_355], %swap3A_358 {strides = array<i32>} : memref<2x128xi32, #tpu.memory_space<vmem>>, vector<1x16xi32>,
    %get3A_359 = arith.constant 0 : i32
    %get3A_360 = arith.index_cast %get3A_359 : i32 to index
    %get3A_361 = arith.constant 32 : index
    %get3A_362 = tpu.vector_load %arg9[%get3A_360, %get3A_361] {strides = array<i32>} : memref<2x128xi32, #tpu.memory_space<vmem>>, vector<1x16xi32>,
    %get3A_363 = vector.shape_cast %get3A_362 : vector<1x16xi32> to vector<16xi32>
    %add3A_364 = vector.broadcast %mul3A_0 : i32 to vector<16xi32>
    %add3A_365 = arith.addi %get3A_363, %add3A_364 : vector<16xi32>
    %swap3A_366 = arith.constant 0 : i32
    %swap3A_367 = arith.index_cast %swap3A_366 : i32 to index
    %swap3A_368 = arith.constant 32 : index
    %swap3A_369 = tpu.vector_load %arg9[%swap3A_367, %swap3A_368] {strides = array<i32>} : memref<2x128xi32, #tpu.memory_space<vmem>>, vector<1x16xi32>,
    %swap3A_370 = vector.shape_cast %swap3A_369 : vector<1x16xi32> to vector<16xi32>
    %swap3A_371 = vector.shape_cast %add3A_365 : vector<16xi32> to vector<1x16xi32>
    tpu.vector_store %arg9[%swap3A_367, %swap3A_368], %swap3A_371 {strides = array<i32>} : memref<2x128xi32, #tpu.memory_space<vmem>>, vector<1x16xi32>,
    %get3A_372 = arith.constant 0 : i32
    %get3A_373 = arith.index_cast %get3A_372 : i32 to index
    %get3A_374 = arith.constant 48 : index
    %get3A_375 = tpu.vector_load %arg9[%get3A_373, %get3A_374] {strides = array<i32>} : memref<2x128xi32, #tpu.memory_space<vmem>>, vector<1x16xi32>,
    %get3A_376 = vector.shape_cast %get3A_375 : vector<1x16xi32> to vector<16xi32>
    %add3A_377 = vector.broadcast %mul3A_0 : i32 to vector<16xi32>
    %add3A_378 = arith.addi %get3A_376, %add3A_377 : vector<16xi32>
    %swap3A_379 = arith.constant 0 : i32
    %swap3A_380 = arith.index_cast %swap3A_379 : i32 to index
    %swap3A_381 = arith.constant 48 : index
    %swap3A_382 = tpu.vector_load %arg9[%swap3A_380, %swap3A_381] {strides = array<i32>} : memref<2x128xi32, #tpu.memory_space<vmem>>, vector<1x16xi32>,
    %swap3A_383 = vector.shape_cast %swap3A_382 : vector<1x16xi32> to vector<16xi32>
    %swap3A_384 = vector.shape_cast %add3A_378 : vector<16xi32> to vector<1x16xi32>
    tpu.vector_store %arg9[%swap3A_380, %swap3A_381], %swap3A_384 {strides = array<i32>} : memref<2x128xi32, #tpu.memory_space<vmem>>, vector<1x16xi32>,
    %get3A_385 = arith.constant 0 : i32
    %get3A_386 = arith.index_cast %get3A_385 : i32 to index
    %get3A_387 = arith.constant 64 : index
    %get3A_388 = tpu.vector_load %arg9[%get3A_386, %get3A_387] {strides = array<i32>} : memref<2x128xi32, #tpu.memory_space<vmem>>, vector<1x16xi32>,
    %get3A_389 = vector.shape_cast %get3A_388 : vector<1x16xi32> to vector<16xi32>
    %add3A_390 = vector.broadcast %mul3A_0 : i32 to vector<16xi32>
    %add3A_391 = arith.addi %get3A_389, %add3A_390 : vector<16xi32>
    %swap3A_392 = arith.constant 0 : i32
    %swap3A_393 = arith.index_cast %swap3A_392 : i32 to index
    %swap3A_394 = arith.constant 64 : index
    %swap3A_395 = tpu.vector_load %arg9[%swap3A_393, %swap3A_394] {strides = array<i32>} : memref<2x128xi32, #tpu.memory_space<vmem>>, vector<1x16xi32>,
    %swap3A_396 = vector.shape_cast %swap3A_395 : vector<1x16xi32> to vector<16xi32>
    %swap3A_397 = vector.shape_cast %add3A_391 : vector<16xi32> to vector<1x16xi32>
    tpu.vector_store %arg9[%swap3A_393, %swap3A_394], %swap3A_397 {strides = array<i32>} : memref<2x128xi32, #tpu.memory_space<vmem>>, vector<1x16xi32>,
    %get3A_398 = arith.constant 0 : i32
    %get3A_399 = arith.index_cast %get3A_398 : i32 to index
    %get3A_400 = arith.constant 80 : index
    %get3A_401 = tpu.vector_load %arg9[%get3A_399, %get3A_400] {strides = array<i32>} : memref<2x128xi32, #tpu.memory_space<vmem>>, vector<1x16xi32>,
    %get3A_402 = vector.shape_cast %get3A_401 : vector<1x16xi32> to vector<16xi32>
    %add3A_403 = vector.broadcast %mul3A_0 : i32 to vector<16xi32>
    %add3A_404 = arith.addi %get3A_402, %add3A_403 : vector<16xi32>
    %swap3A_405 = arith.constant 0 : i32
    %swap3A_406 = arith.index_cast %swap3A_405 : i32 to index
    %swap3A_407 = arith.constant 80 : index
    %swap3A_408 = tpu.vector_load %arg9[%swap3A_406, %swap3A_407] {strides = array<i32>} : memref<2x128xi32, #tpu.memory_space<vmem>>, vector<1x16xi32>,
    %swap3A_409 = vector.shape_cast %swap3A_408 : vector<1x16xi32> to vector<16xi32>
    %swap3A_410 = vector.shape_cast %add3A_404 : vector<16xi32> to vector<1x16xi32>
    tpu.vector_store %arg9[%swap3A_406, %swap3A_407], %swap3A_410 {strides = array<i32>} : memref<2x128xi32, #tpu.memory_space<vmem>>, vector<1x16xi32>,
    %get3A_411 = arith.constant 0 : i32
    %get3A_412 = arith.index_cast %get3A_411 : i32 to index
    %get3A_413 = arith.constant 96 : index
    %get3A_414 = tpu.vector_load %arg9[%get3A_412, %get3A_413] {strides = array<i32>} : memref<2x128xi32, #tpu.memory_space<vmem>>, vector<1x16xi32>,
    %get3A_415 = vector.shape_cast %get3A_414 : vector<1x16xi32> to vector<16xi32>
    %add3A_416 = vector.broadcast %mul3A_0 : i32 to vector<16xi32>
    %add3A_417 = arith.addi %get3A_415, %add3A_416 : vector<16xi32>
    %swap3A_418 = arith.constant 0 : i32
    %swap3A_419 = arith.index_cast %swap3A_418 : i32 to index
    %swap3A_420 = arith.constant 96 : index
    %swap3A_421 = tpu.vector_load %arg9[%swap3A_419, %swap3A_420] {strides = array<i32>} : memref<2x128xi32, #tpu.memory_space<vmem>>, vector<1x16xi32>,
    %swap3A_422 = vector.shape_cast %swap3A_421 : vector<1x16xi32> to vector<16xi32>
    %swap3A_423 = vector.shape_cast %add3A_417 : vector<16xi32> to vector<1x16xi32>
    tpu.vector_store %arg9[%swap3A_419, %swap3A_420], %swap3A_423 {strides = array<i32>} : memref<2x128xi32, #tpu.memory_space<vmem>>, vector<1x16xi32>,
    %get3A_424 = arith.constant 0 : i32
    %get3A_425 = arith.index_cast %get3A_424 : i32 to index
    %get3A_426 = arith.constant 112 : index
    %get3A_427 = tpu.vector_load %arg9[%get3A_425, %get3A_426] {strides = array<i32>} : memref<2x128xi32, #tpu.memory_space<vmem>>, vector<1x16xi32>,
    %get3A_428 = vector.shape_cast %get3A_427 : vector<1x16xi32> to vector<16xi32>
    %add3A_429 = vector.broadcast %mul3A_0 : i32 to vector<16xi32>
    %add3A_430 = arith.addi %get3A_428, %add3A_429 : vector<16xi32>
    %swap3A_431 = arith.constant 0 : i32
    %swap3A_432 = arith.index_cast %swap3A_431 : i32 to index
    %swap3A_433 = arith.constant 112 : index
    %swap3A_434 = tpu.vector_load %arg9[%swap3A_432, %swap3A_433] {strides = array<i32>} : memref<2x128xi32, #tpu.memory_space<vmem>>, vector<1x16xi32>,
    %swap3A_435 = vector.shape_cast %swap3A_434 : vector<1x16xi32> to vector<16xi32>
    %swap3A_436 = vector.shape_cast %add3A_430 : vector<16xi32> to vector<1x16xi32>
    tpu.vector_store %arg9[%swap3A_432, %swap3A_433], %swap3A_436 {strides = array<i32>} : memref<2x128xi32, #tpu.memory_space<vmem>>, vector<1x16xi32>,
    %dma_start3A_437 = arith.constant 0 : i32
    %dma_start3A_438 = arith.constant 0 : i32
    %dma_start3A_439 = tpu.memref_slice %arg9[%dma_start3A_437, %dma_start3A_438] : memref<2x128xi32, #tpu.memory_space<vmem>> -> memref<1x128xi32, #tpu.memory_space<vmem>>
    %dma_start3A_440 = tpu.memref_squeeze %dma_start3A_439 : memref<1x128xi32, #tpu.memory_space<vmem>> -> memref<128xi32, #tpu.memory_space<vmem>>
    %dma_start3A_441 = arith.constant 0 : i32
    %dma_start3A_442 = arith.constant 0 : i32
    %dma_start3A_443 = tpu.memref_slice %arg2[%dma_start3A_441, %dma_start3A_442] : memref<20000x128xf32, #tpu.memory_space<hbm>> -> memref<20000x128xf32, #tpu.memory_space<hbm>>
    tpu.enqueue_indirect_dma source(%dma_start3A_443 : memref<20000x128xf32, #tpu.memory_space<hbm>>) target(%arg12 : memref<128x128xf32, #tpu.memory_space<vmem>>) offsets(%dma_start3A_440 : memref<128xi32, #tpu.memory_space<vmem>>) semaphore(%arg20 : memref<!tpu.dma_semaphore, #tpu.memory_space<semaphore_mem>>)
    %dma_wait3A_444 = arith.constant 0 : i32
    %dma_wait3A_445 = arith.constant 0 : i32
    %dma_wait3A_446 = tpu.memref_slice %arg8[%dma_wait3A_444, %dma_wait3A_445] : memref<2x128xi32, #tpu.memory_space<vmem>> -> memref<1x128xi32, #tpu.memory_space<vmem>>
    %dma_wait3A_447 = tpu.memref_squeeze %dma_wait3A_446 : memref<1x128xi32, #tpu.memory_space<vmem>> -> memref<128xi32, #tpu.memory_space<vmem>>
    %dma_wait3A_448 = arith.constant 0 : i32
    %dma_wait3A_449 = arith.constant 0 : i32
    %dma_wait3A_450 = tpu.memref_slice %arg2[%dma_wait3A_448, %dma_wait3A_449] : memref<20000x128xf32, #tpu.memory_space<hbm>> -> memref<20000x128xf32, #tpu.memory_space<hbm>>
    tpu.wait_indirect_dma semaphore(%arg21 : memref<!tpu.dma_semaphore, #tpu.memory_space<semaphore_mem>>) src(%dma_wait3A_450 : memref<20000x128xf32, #tpu.memory_space<hbm>>) dst(%arg13 : memref<128x128xf32, #tpu.memory_space<vmem>>)
    %dma_start3A_451 = arith.constant 1 : i32
    %dma_start3A_452 = arith.constant 0 : i32
    %dma_start3A_453 = tpu.memref_slice %arg8[%dma_start3A_451, %dma_start3A_452] : memref<2x128xi32, #tpu.memory_space<vmem>> -> memref<1x128xi32, #tpu.memory_space<vmem>>
    %dma_start3A_454 = tpu.memref_squeeze %dma_start3A_453 : memref<1x128xi32, #tpu.memory_space<vmem>> -> memref<128xi32, #tpu.memory_space<vmem>>
    %dma_start3A_455 = arith.constant 0 : i32
    %dma_start3A_456 = arith.constant 0 : i32
    %dma_start3A_457 = tpu.memref_slice %arg14[%dma_start3A_455, %dma_start3A_456] : memref<10240x128xf32, #tpu.memory_space<vmem_shared>> -> memref<10240x128xf32, #tpu.memory_space<vmem_shared>>
    tpu.enqueue_indirect_dma source(%arg13 : memref<128x128xf32, #tpu.memory_space<vmem>>) target(%dma_start3A_457 : memref<10240x128xf32, #tpu.memory_space<vmem_shared>>) offsets(%dma_start3A_454 : memref<128xi32, #tpu.memory_space<vmem>>) semaphore(%arg23 : memref<!tpu.dma_semaphore, #tpu.memory_space<semaphore_mem>>) {add = true}
    %dma_wait3A_458 = arith.constant 1 : i32
    %dma_wait3A_459 = arith.constant 0 : i32
    %dma_wait3A_460 = tpu.memref_slice %arg8[%dma_wait3A_458, %dma_wait3A_459] : memref<2x128xi32, #tpu.memory_space<vmem>> -> memref<1x128xi32, #tpu.memory_space<vmem>>
    %dma_wait3A_461 = tpu.memref_squeeze %dma_wait3A_460 : memref<1x128xi32, #tpu.memory_space<vmem>> -> memref<128xi32, #tpu.memory_space<vmem>>
    %dma_wait3A_462 = arith.constant 0 : i32
    %dma_wait3A_463 = arith.constant 0 : i32
    %dma_wait3A_464 = tpu.memref_slice %arg14[%dma_wait3A_462, %dma_wait3A_463] : memref<10240x128xf32, #tpu.memory_space<vmem_shared>> -> memref<10240x128xf32, #tpu.memory_space<vmem_shared>>
    tpu.wait_indirect_dma semaphore(%arg23 : memref<!tpu.dma_semaphore, #tpu.memory_space<semaphore_mem>>) src(%arg13 : memref<128x128xf32, #tpu.memory_space<vmem>>) dst(%dma_wait3A_464 : memref<10240x128xf32, #tpu.memory_space<vmem_shared>>)
    %dma_wait3A_465 = arith.constant 0 : i32
    %dma_wait3A_466 = arith.constant 0 : i32
    %dma_wait3A_467 = arith.constant 0 : i32
    %dma_wait3A_468 = tpu.memref_slice %arg3[%dma_wait3A_465, %dma_wait3A_466, %dma_wait3A_467] : memref<2500x2x128xi32, #tpu.memory_space<hbm>> -> memref<1x2x128xi32, #tpu.memory_space<hbm>>
    %dma_wait3A_469 = tpu.memref_squeeze %dma_wait3A_468 : memref<1x2x128xi32, #tpu.memory_space<hbm>> -> memref<2x128xi32, #tpu.memory_space<hbm>>
    %dma_wait3A_470 = arith.constant 0 : i32
    %dma_wait3A_471 = arith.constant 0 : i32
    %dma_wait3A_472 = tpu.memref_slice %arg3[%dma_wait3A_465, %dma_wait3A_470, %dma_wait3A_471] : memref<2500x2x128xi32, #tpu.memory_space<hbm>> -> memref<1x2x128xi32, #tpu.memory_space<hbm>>
    %dma_wait3A_473 = tpu.memref_squeeze %dma_wait3A_472 : memref<1x2x128xi32, #tpu.memory_space<hbm>> -> memref<2x128xi32, #tpu.memory_space<hbm>>
    tpu.wait_dma2 semaphore(%arg18 : memref<!tpu.dma_semaphore, #tpu.memory_space<semaphore_mem>>) src(%dma_wait3A_473 : memref<2x128xi32, #tpu.memory_space<hbm>>) dst(%arg10 : memref<2x128xi32, #tpu.memory_space<vmem>>)
    %get3A_474 = arith.constant 0 : i32
    %get3A_475 = arith.index_cast %get3A_474 : i32 to index
    %get3A_476 = arith.constant 0 : index
    %get3A_477 = tpu.vector_load %arg10[%get3A_475, %get3A_476] {strides = array<i32>} : memref<2x128xi32, #tpu.memory_space<vmem>>, vector<1x16xi32>,
    %get3A_478 = vector.shape_cast %get3A_477 : vector<1x16xi32> to vector<16xi32>
    %add3A_479 = vector.broadcast %mul3A_0 : i32 to vector<16xi32>
    %add3A_480 = arith.addi %get3A_478, %add3A_479 : vector<16xi32>
    %swap3A_481 = arith.constant 0 : i32
    %swap3A_482 = arith.index_cast %swap3A_481 : i32 to index
    %swap3A_483 = arith.constant 0 : index
    %swap3A_484 = tpu.vector_load %arg10[%swap3A_482, %swap3A_483] {strides = array<i32>} : memref<2x128xi32, #tpu.memory_space<vmem>>, vector<1x16xi32>,
    %swap3A_485 = vector.shape_cast %swap3A_484 : vector<1x16xi32> to vector<16xi32>
    %swap3A_486 = vector.shape_cast %add3A_480 : vector<16xi32> to vector<1x16xi32>
    tpu.vector_store %arg10[%swap3A_482, %swap3A_483], %swap3A_486 {strides = array<i32>} : memref<2x128xi32, #tpu.memory_space<vmem>>, vector<1x16xi32>,
    %get3A_487 = arith.constant 0 : i32
    %get3A_488 = arith.index_cast %get3A_487 : i32 to index
    %get3A_489 = arith.constant 16 : index
    %get3A_490 = tpu.vector_load %arg10[%get3A_488, %get3A_489] {strides = array<i32>} : memref<2x128xi32, #tpu.memory_space<vmem>>, vector<1x16xi32>,
    %get3A_491 = vector.shape_cast %get3A_490 : vector<1x16xi32> to vector<16xi32>
    %add3A_492 = vector.broadcast %mul3A_0 : i32 to vector<16xi32>
    %add3A_493 = arith.addi %get3A_491, %add3A_492 : vector<16xi32>
    %swap3A_494 = arith.constant 0 : i32
    %swap3A_495 = arith.index_cast %swap3A_494 : i32 to index
    %swap3A_496 = arith.constant 16 : index
    %swap3A_497 = tpu.vector_load %arg10[%swap3A_495, %swap3A_496] {strides = array<i32>} : memref<2x128xi32, #tpu.memory_space<vmem>>, vector<1x16xi32>,
    %swap3A_498 = vector.shape_cast %swap3A_497 : vector<1x16xi32> to vector<16xi32>
    %swap3A_499 = vector.shape_cast %add3A_493 : vector<16xi32> to vector<1x16xi32>
    tpu.vector_store %arg10[%swap3A_495, %swap3A_496], %swap3A_499 {strides = array<i32>} : memref<2x128xi32, #tpu.memory_space<vmem>>, vector<1x16xi32>,
    %get3A_500 = arith.constant 0 : i32
    %get3A_501 = arith.index_cast %get3A_500 : i32 to index
    %get3A_502 = arith.constant 32 : index
    %get3A_503 = tpu.vector_load %arg10[%get3A_501, %get3A_502] {strides = array<i32>} : memref<2x128xi32, #tpu.memory_space<vmem>>, vector<1x16xi32>,
    %get3A_504 = vector.shape_cast %get3A_503 : vector<1x16xi32> to vector<16xi32>
    %add3A_505 = vector.broadcast %mul3A_0 : i32 to vector<16xi32>
    %add3A_506 = arith.addi %get3A_504, %add3A_505 : vector<16xi32>
    %swap3A_507 = arith.constant 0 : i32
    %swap3A_508 = arith.index_cast %swap3A_507 : i32 to index
    %swap3A_509 = arith.constant 32 : index
    %swap3A_510 = tpu.vector_load %arg10[%swap3A_508, %swap3A_509] {strides = array<i32>} : memref<2x128xi32, #tpu.memory_space<vmem>>, vector<1x16xi32>,
    %swap3A_511 = vector.shape_cast %swap3A_510 : vector<1x16xi32> to vector<16xi32>
    %swap3A_512 = vector.shape_cast %add3A_506 : vector<16xi32> to vector<1x16xi32>
    tpu.vector_store %arg10[%swap3A_508, %swap3A_509], %swap3A_512 {strides = array<i32>} : memref<2x128xi32, #tpu.memory_space<vmem>>, vector<1x16xi32>,
    %get3A_513 = arith.constant 0 : i32
    %get3A_514 = arith.index_cast %get3A_513 : i32 to index
    %get3A_515 = arith.constant 48 : index
    %get3A_516 = tpu.vector_load %arg10[%get3A_514, %get3A_515] {strides = array<i32>} : memref<2x128xi32, #tpu.memory_space<vmem>>, vector<1x16xi32>,
    %get3A_517 = vector.shape_cast %get3A_516 : vector<1x16xi32> to vector<16xi32>
    %add3A_518 = vector.broadcast %mul3A_0 : i32 to vector<16xi32>
    %add3A_519 = arith.addi %get3A_517, %add3A_518 : vector<16xi32>
    %swap3A_520 = arith.constant 0 : i32
    %swap3A_521 = arith.index_cast %swap3A_520 : i32 to index
    %swap3A_522 = arith.constant 48 : index
    %swap3A_523 = tpu.vector_load %arg10[%swap3A_521, %swap3A_522] {strides = array<i32>} : memref<2x128xi32, #tpu.memory_space<vmem>>, vector<1x16xi32>,
    %swap3A_524 = vector.shape_cast %swap3A_523 : vector<1x16xi32> to vector<16xi32>
    %swap3A_525 = vector.shape_cast %add3A_519 : vector<16xi32> to vector<1x16xi32>
    tpu.vector_store %arg10[%swap3A_521, %swap3A_522], %swap3A_525 {strides = array<i32>} : memref<2x128xi32, #tpu.memory_space<vmem>>, vector<1x16xi32>,
    %get3A_526 = arith.constant 0 : i32
    %get3A_527 = arith.index_cast %get3A_526 : i32 to index
    %get3A_528 = arith.constant 64 : index
    %get3A_529 = tpu.vector_load %arg10[%get3A_527, %get3A_528] {strides = array<i32>} : memref<2x128xi32, #tpu.memory_space<vmem>>, vector<1x16xi32>,
    %get3A_530 = vector.shape_cast %get3A_529 : vector<1x16xi32> to vector<16xi32>
    %add3A_531 = vector.broadcast %mul3A_0 : i32 to vector<16xi32>
    %add3A_532 = arith.addi %get3A_530, %add3A_531 : vector<16xi32>
    %swap3A_533 = arith.constant 0 : i32
    %swap3A_534 = arith.index_cast %swap3A_533 : i32 to index
    %swap3A_535 = arith.constant 64 : index
    %swap3A_536 = tpu.vector_load %arg10[%swap3A_534, %swap3A_535] {strides = array<i32>} : memref<2x128xi32, #tpu.memory_space<vmem>>, vector<1x16xi32>,
    %swap3A_537 = vector.shape_cast %swap3A_536 : vector<1x16xi32> to vector<16xi32>
    %swap3A_538 = vector.shape_cast %add3A_532 : vector<16xi32> to vector<1x16xi32>
    tpu.vector_store %arg10[%swap3A_534, %swap3A_535], %swap3A_538 {strides = array<i32>} : memref<2x128xi32, #tpu.memory_space<vmem>>, vector<1x16xi32>,
    %get3A_539 = arith.constant 0 : i32
    %get3A_540 = arith.index_cast %get3A_539 : i32 to index
    %get3A_541 = arith.constant 80 : index
    %get3A_542 = tpu.vector_load %arg10[%get3A_540, %get3A_541] {strides = array<i32>} : memref<2x128xi32, #tpu.memory_space<vmem>>, vector<1x16xi32>,
    %get3A_543 = vector.shape_cast %get3A_542 : vector<1x16xi32> to vector<16xi32>
    %add3A_544 = vector.broadcast %mul3A_0 : i32 to vector<16xi32>
    %add3A_545 = arith.addi %get3A_543, %add3A_544 : vector<16xi32>
    %swap3A_546 = arith.constant 0 : i32
    %swap3A_547 = arith.index_cast %swap3A_546 : i32 to index
    %swap3A_548 = arith.constant 80 : index
    %swap3A_549 = tpu.vector_load %arg10[%swap3A_547, %swap3A_548] {strides = array<i32>} : memref<2x128xi32, #tpu.memory_space<vmem>>, vector<1x16xi32>,
    %swap3A_550 = vector.shape_cast %swap3A_549 : vector<1x16xi32> to vector<16xi32>
    %swap3A_551 = vector.shape_cast %add3A_545 : vector<16xi32> to vector<1x16xi32>
    tpu.vector_store %arg10[%swap3A_547, %swap3A_548], %swap3A_551 {strides = array<i32>} : memref<2x128xi32, #tpu.memory_space<vmem>>, vector<1x16xi32>,
    %get3A_552 = arith.constant 0 : i32
    %get3A_553 = arith.index_cast %get3A_552 : i32 to index
    %get3A_554 = arith.constant 96 : index
    %get3A_555 = tpu.vector_load %arg10[%get3A_553, %get3A_554] {strides = array<i32>} : memref<2x128xi32, #tpu.memory_space<vmem>>, vector<1x16xi32>,
    %get3A_556 = vector.shape_cast %get3A_555 : vector<1x16xi32> to vector<16xi32>
    %add3A_557 = vector.broadcast %mul3A_0 : i32 to vector<16xi32>
    %add3A_558 = arith.addi %get3A_556, %add3A_557 : vector<16xi32>
    %swap3A_559 = arith.constant 0 : i32
    %swap3A_560 = arith.index_cast %swap3A_559 : i32 to index
    %swap3A_561 = arith.constant 96 : index
    %swap3A_562 = tpu.vector_load %arg10[%swap3A_560, %swap3A_561] {strides = array<i32>} : memref<2x128xi32, #tpu.memory_space<vmem>>, vector<1x16xi32>,
    %swap3A_563 = vector.shape_cast %swap3A_562 : vector<1x16xi32> to vector<16xi32>
    %swap3A_564 = vector.shape_cast %add3A_558 : vector<16xi32> to vector<1x16xi32>
    tpu.vector_store %arg10[%swap3A_560, %swap3A_561], %swap3A_564 {strides = array<i32>} : memref<2x128xi32, #tpu.memory_space<vmem>>, vector<1x16xi32>,
    %get3A_565 = arith.constant 0 : i32
    %get3A_566 = arith.index_cast %get3A_565 : i32 to index
    %get3A_567 = arith.constant 112 : index
    %get3A_568 = tpu.vector_load %arg10[%get3A_566, %get3A_567] {strides = array<i32>} : memref<2x128xi32, #tpu.memory_space<vmem>>, vector<1x16xi32>,
    %get3A_569 = vector.shape_cast %get3A_568 : vector<1x16xi32> to vector<16xi32>
    %add3A_570 = vector.broadcast %mul3A_0 : i32 to vector<16xi32>
    %add3A_571 = arith.addi %get3A_569, %add3A_570 : vector<16xi32>
    %swap3A_572 = arith.constant 0 : i32
    %swap3A_573 = arith.index_cast %swap3A_572 : i32 to index
    %swap3A_574 = arith.constant 112 : index
    %swap3A_575 = tpu.vector_load %arg10[%swap3A_573, %swap3A_574] {strides = array<i32>} : memref<2x128xi32, #tpu.memory_space<vmem>>, vector<1x16xi32>,
    %swap3A_576 = vector.shape_cast %swap3A_575 : vector<1x16xi32> to vector<16xi32>
    %swap3A_577 = vector.shape_cast %add3A_571 : vector<16xi32> to vector<1x16xi32>
    tpu.vector_store %arg10[%swap3A_573, %swap3A_574], %swap3A_577 {strides = array<i32>} : memref<2x128xi32, #tpu.memory_space<vmem>>, vector<1x16xi32>,
    %dma_start3A_578 = arith.constant 0 : i32
    %dma_start3A_579 = arith.constant 0 : i32
    %dma_start3A_580 = tpu.memref_slice %arg10[%dma_start3A_578, %dma_start3A_579] : memref<2x128xi32, #tpu.memory_space<vmem>> -> memref<1x128xi32, #tpu.memory_space<vmem>>
    %dma_start3A_581 = tpu.memref_squeeze %dma_start3A_580 : memref<1x128xi32, #tpu.memory_space<vmem>> -> memref<128xi32, #tpu.memory_space<vmem>>
    %dma_start3A_582 = arith.constant 0 : i32
    %dma_start3A_583 = arith.constant 0 : i32
    %dma_start3A_584 = tpu.memref_slice %arg2[%dma_start3A_582, %dma_start3A_583] : memref<20000x128xf32, #tpu.memory_space<hbm>> -> memref<20000x128xf32, #tpu.memory_space<hbm>>
    tpu.enqueue_indirect_dma source(%dma_start3A_584 : memref<20000x128xf32, #tpu.memory_space<hbm>>) target(%arg13 : memref<128x128xf32, #tpu.memory_space<vmem>>) offsets(%dma_start3A_581 : memref<128xi32, #tpu.memory_space<vmem>>) semaphore(%arg21 : memref<!tpu.dma_semaphore, #tpu.memory_space<semaphore_mem>>)
    %dma_wait3A_585 = arith.constant 0 : i32
    %dma_wait3A_586 = arith.constant 0 : i32
    %dma_wait3A_587 = tpu.memref_slice %arg9[%dma_wait3A_585, %dma_wait3A_586] : memref<2x128xi32, #tpu.memory_space<vmem>> -> memref<1x128xi32, #tpu.memory_space<vmem>>
    %dma_wait3A_588 = tpu.memref_squeeze %dma_wait3A_587 : memref<1x128xi32, #tpu.memory_space<vmem>> -> memref<128xi32, #tpu.memory_space<vmem>>
    %dma_wait3A_589 = arith.constant 0 : i32
    %dma_wait3A_590 = arith.constant 0 : i32
    %dma_wait3A_591 = tpu.memref_slice %arg2[%dma_wait3A_589, %dma_wait3A_590] : memref<20000x128xf32, #tpu.memory_space<hbm>> -> memref<20000x128xf32, #tpu.memory_space<hbm>>
    tpu.wait_indirect_dma semaphore(%arg20 : memref<!tpu.dma_semaphore, #tpu.memory_space<semaphore_mem>>) src(%dma_wait3A_591 : memref<20000x128xf32, #tpu.memory_space<hbm>>) dst(%arg12 : memref<128x128xf32, #tpu.memory_space<vmem>>)
    %dma_start3A_592 = arith.constant 1 : i32
    %dma_start3A_593 = arith.constant 0 : i32
    %dma_start3A_594 = tpu.memref_slice %arg9[%dma_start3A_592, %dma_start3A_593] : memref<2x128xi32, #tpu.memory_space<vmem>> -> memref<1x128xi32, #tpu.memory_space<vmem>>
    %dma_start3A_595 = tpu.memref_squeeze %dma_start3A_594 : memref<1x128xi32, #tpu.memory_space<vmem>> -> memref<128xi32, #tpu.memory_space<vmem>>
    %dma_start3A_596 = arith.constant 0 : i32
    %dma_start3A_597 = arith.constant 0 : i32
    %dma_start3A_598 = tpu.memref_slice %arg14[%dma_start3A_596, %dma_start3A_597] : memref<10240x128xf32, #tpu.memory_space<vmem_shared>> -> memref<10240x128xf32, #tpu.memory_space<vmem_shared>>
    tpu.enqueue_indirect_dma source(%arg12 : memref<128x128xf32, #tpu.memory_space<vmem>>) target(%dma_start3A_598 : memref<10240x128xf32, #tpu.memory_space<vmem_shared>>) offsets(%dma_start3A_595 : memref<128xi32, #tpu.memory_space<vmem>>) semaphore(%arg22 : memref<!tpu.dma_semaphore, #tpu.memory_space<semaphore_mem>>) {add = true}
    %dma_wait3A_599 = arith.constant 1 : i32
    %dma_wait3A_600 = arith.constant 0 : i32
    %dma_wait3A_601 = tpu.memref_slice %arg9[%dma_wait3A_599, %dma_wait3A_600] : memref<2x128xi32, #tpu.memory_space<vmem>> -> memref<1x128xi32, #tpu.memory_space<vmem>>
    %dma_wait3A_602 = tpu.memref_squeeze %dma_wait3A_601 : memref<1x128xi32, #tpu.memory_space<vmem>> -> memref<128xi32, #tpu.memory_space<vmem>>
    %dma_wait3A_603 = arith.constant 0 : i32
    %dma_wait3A_604 = arith.constant 0 : i32
    %dma_wait3A_605 = tpu.memref_slice %arg14[%dma_wait3A_603, %dma_wait3A_604] : memref<10240x128xf32, #tpu.memory_space<vmem_shared>> -> memref<10240x128xf32, #tpu.memory_space<vmem_shared>>
    tpu.wait_indirect_dma semaphore(%arg22 : memref<!tpu.dma_semaphore, #tpu.memory_space<semaphore_mem>>) src(%arg12 : memref<128x128xf32, #tpu.memory_space<vmem>>) dst(%dma_wait3A_605 : memref<10240x128xf32, #tpu.memory_space<vmem_shared>>)
    %convert_element_type3A_606 = arith.extui %lt3A_162 : i1 to i32
    %cond3A_607 = arith.constant 0 : i32
    %cond3A_608 = arith.cmpi ne, %convert_element_type3A_606, %cond3A_607 : i32
    scf.if %cond3A_608 {
      %dma_wait3A_643 = arith.constant 0 : i32
      %dma_wait3A_644 = arith.constant 0 : i32
      %dma_wait3A_645 = arith.constant 0 : i32
      %dma_wait3A_646 = tpu.memref_slice %arg3[%dma_wait3A_643, %dma_wait3A_644, %dma_wait3A_645] : memref<2500x2x128xi32, #tpu.memory_space<hbm>> -> memref<1x2x128xi32, #tpu.memory_space<hbm>>
      %dma_wait3A_647 = tpu.memref_squeeze %dma_wait3A_646 : memref<1x2x128xi32, #tpu.memory_space<hbm>> -> memref<2x128xi32, #tpu.memory_space<hbm>>
      %dma_wait3A_648 = arith.constant 0 : i32
      %dma_wait3A_649 = arith.constant 0 : i32
      %dma_wait3A_650 = tpu.memref_slice %arg3[%dma_wait3A_643, %dma_wait3A_648, %dma_wait3A_649] : memref<2500x2x128xi32, #tpu.memory_space<hbm>> -> memref<1x2x128xi32, #tpu.memory_space<hbm>>
      %dma_wait3A_651 = tpu.memref_squeeze %dma_wait3A_650 : memref<1x2x128xi32, #tpu.memory_space<hbm>> -> memref<2x128xi32, #tpu.memory_space<hbm>>
      tpu.wait_dma2 semaphore(%arg19 : memref<!tpu.dma_semaphore, #tpu.memory_space<semaphore_mem>>) src(%dma_wait3A_651 : memref<2x128xi32, #tpu.memory_space<hbm>>) dst(%arg11 : memref<2x128xi32, #tpu.memory_space<vmem>>)
      %get3A_652 = arith.constant 0 : i32
      %get3A_653 = arith.index_cast %get3A_652 : i32 to index
      %get3A_654 = arith.constant 0 : index
      %get3A_655 = tpu.vector_load %arg11[%get3A_653, %get3A_654] {strides = array<i32>} : memref<2x128xi32, #tpu.memory_space<vmem>>, vector<1x16xi32>,
      %get3A_656 = vector.shape_cast %get3A_655 : vector<1x16xi32> to vector<16xi32>
      %add3A_657 = vector.broadcast %mul3A_0 : i32 to vector<16xi32>
      %add3A_658 = arith.addi %get3A_656, %add3A_657 : vector<16xi32>
      %swap3A_659 = arith.constant 0 : i32
      %swap3A_660 = arith.index_cast %swap3A_659 : i32 to index
      %swap3A_661 = arith.constant 0 : index
      %swap3A_662 = tpu.vector_load %arg11[%swap3A_660, %swap3A_661] {strides = array<i32>} : memref<2x128xi32, #tpu.memory_space<vmem>>, vector<1x16xi32>,
      %swap3A_663 = vector.shape_cast %swap3A_662 : vector<1x16xi32> to vector<16xi32>
      %swap3A_664 = vector.shape_cast %add3A_658 : vector<16xi32> to vector<1x16xi32>
      tpu.vector_store %arg11[%swap3A_660, %swap3A_661], %swap3A_664 {strides = array<i32>} : memref<2x128xi32, #tpu.memory_space<vmem>>, vector<1x16xi32>,
      %get3A_665 = arith.constant 0 : i32
      %get3A_666 = arith.index_cast %get3A_665 : i32 to index
      %get3A_667 = arith.constant 16 : index
      %get3A_668 = tpu.vector_load %arg11[%get3A_666, %get3A_667] {strides = array<i32>} : memref<2x128xi32, #tpu.memory_space<vmem>>, vector<1x16xi32>,
      %get3A_669 = vector.shape_cast %get3A_668 : vector<1x16xi32> to vector<16xi32>
      %add3A_670 = vector.broadcast %mul3A_0 : i32 to vector<16xi32>
      %add3A_671 = arith.addi %get3A_669, %add3A_670 : vector<16xi32>
      %swap3A_672 = arith.constant 0 : i32
      %swap3A_673 = arith.index_cast %swap3A_672 : i32 to index
      %swap3A_674 = arith.constant 16 : index
      %swap3A_675 = tpu.vector_load %arg11[%swap3A_673, %swap3A_674] {strides = array<i32>} : memref<2x128xi32, #tpu.memory_space<vmem>>, vector<1x16xi32>,
      %swap3A_676 = vector.shape_cast %swap3A_675 : vector<1x16xi32> to vector<16xi32>
      %swap3A_677 = vector.shape_cast %add3A_671 : vector<16xi32> to vector<1x16xi32>
      tpu.vector_store %arg11[%swap3A_673, %swap3A_674], %swap3A_677 {strides = array<i32>} : memref<2x128xi32, #tpu.memory_space<vmem>>, vector<1x16xi32>,
      %get3A_678 = arith.constant 0 : i32
      %get3A_679 = arith.index_cast %get3A_678 : i32 to index
      %get3A_680 = arith.constant 32 : index
      %get3A_681 = tpu.vector_load %arg11[%get3A_679, %get3A_680] {strides = array<i32>} : memref<2x128xi32, #tpu.memory_space<vmem>>, vector<1x16xi32>,
      %get3A_682 = vector.shape_cast %get3A_681 : vector<1x16xi32> to vector<16xi32>
      %add3A_683 = vector.broadcast %mul3A_0 : i32 to vector<16xi32>
      %add3A_684 = arith.addi %get3A_682, %add3A_683 : vector<16xi32>
      %swap3A_685 = arith.constant 0 : i32
      %swap3A_686 = arith.index_cast %swap3A_685 : i32 to index
      %swap3A_687 = arith.constant 32 : index
      %swap3A_688 = tpu.vector_load %arg11[%swap3A_686, %swap3A_687] {strides = array<i32>} : memref<2x128xi32, #tpu.memory_space<vmem>>, vector<1x16xi32>,
      %swap3A_689 = vector.shape_cast %swap3A_688 : vector<1x16xi32> to vector<16xi32>
      %swap3A_690 = vector.shape_cast %add3A_684 : vector<16xi32> to vector<1x16xi32>
      tpu.vector_store %arg11[%swap3A_686, %swap3A_687], %swap3A_690 {strides = array<i32>} : memref<2x128xi32, #tpu.memory_space<vmem>>, vector<1x16xi32>,
      %get3A_691 = arith.constant 0 : i32
      %get3A_692 = arith.index_cast %get3A_691 : i32 to index
      %get3A_693 = arith.constant 48 : index
      %get3A_694 = tpu.vector_load %arg11[%get3A_692, %get3A_693] {strides = array<i32>} : memref<2x128xi32, #tpu.memory_space<vmem>>, vector<1x16xi32>,
      %get3A_695 = vector.shape_cast %get3A_694 : vector<1x16xi32> to vector<16xi32>
      %add3A_696 = vector.broadcast %mul3A_0 : i32 to vector<16xi32>
      %add3A_697 = arith.addi %get3A_695, %add3A_696 : vector<16xi32>
      %swap3A_698 = arith.constant 0 : i32
      %swap3A_699 = arith.index_cast %swap3A_698 : i32 to index
      %swap3A_700 = arith.constant 48 : index
      %swap3A_701 = tpu.vector_load %arg11[%swap3A_699, %swap3A_700] {strides = array<i32>} : memref<2x128xi32, #tpu.memory_space<vmem>>, vector<1x16xi32>,
      %swap3A_702 = vector.shape_cast %swap3A_701 : vector<1x16xi32> to vector<16xi32>
      %swap3A_703 = vector.shape_cast %add3A_697 : vector<16xi32> to vector<1x16xi32>
      tpu.vector_store %arg11[%swap3A_699, %swap3A_700], %swap3A_703 {strides = array<i32>} : memref<2x128xi32, #tpu.memory_space<vmem>>, vector<1x16xi32>,
      %get3A_704 = arith.constant 0 : i32
      %get3A_705 = arith.index_cast %get3A_704 : i32 to index
      %get3A_706 = arith.constant 64 : index
      %get3A_707 = tpu.vector_load %arg11[%get3A_705, %get3A_706] {strides = array<i32>} : memref<2x128xi32, #tpu.memory_space<vmem>>, vector<1x16xi32>,
      %get3A_708 = vector.shape_cast %get3A_707 : vector<1x16xi32> to vector<16xi32>
      %add3A_709 = vector.broadcast %mul3A_0 : i32 to vector<16xi32>
      %add3A_710 = arith.addi %get3A_708, %add3A_709 : vector<16xi32>
      %swap3A_711 = arith.constant 0 : i32
      %swap3A_712 = arith.index_cast %swap3A_711 : i32 to index
      %swap3A_713 = arith.constant 64 : index
      %swap3A_714 = tpu.vector_load %arg11[%swap3A_712, %swap3A_713] {strides = array<i32>} : memref<2x128xi32, #tpu.memory_space<vmem>>, vector<1x16xi32>,
      %swap3A_715 = vector.shape_cast %swap3A_714 : vector<1x16xi32> to vector<16xi32>
      %swap3A_716 = vector.shape_cast %add3A_710 : vector<16xi32> to vector<1x16xi32>
      tpu.vector_store %arg11[%swap3A_712, %swap3A_713], %swap3A_716 {strides = array<i32>} : memref<2x128xi32, #tpu.memory_space<vmem>>, vector<1x16xi32>,
      %get3A_717 = arith.constant 0 : i32
      %get3A_718 = arith.index_cast %get3A_717 : i32 to index
      %get3A_719 = arith.constant 80 : index
      %get3A_720 = tpu.vector_load %arg11[%get3A_718, %get3A_719] {strides = array<i32>} : memref<2x128xi32, #tpu.memory_space<vmem>>, vector<1x16xi32>,
      %get3A_721 = vector.shape_cast %get3A_720 : vector<1x16xi32> to vector<16xi32>
      %add3A_722 = vector.broadcast %mul3A_0 : i32 to vector<16xi32>
      %add3A_723 = arith.addi %get3A_721, %add3A_722 : vector<16xi32>
      %swap3A_724 = arith.constant 0 : i32
      %swap3A_725 = arith.index_cast %swap3A_724 : i32 to index
      %swap3A_726 = arith.constant 80 : index
      %swap3A_727 = tpu.vector_load %arg11[%swap3A_725, %swap3A_726] {strides = array<i32>} : memref<2x128xi32, #tpu.memory_space<vmem>>, vector<1x16xi32>,
      %swap3A_728 = vector.shape_cast %swap3A_727 : vector<1x16xi32> to vector<16xi32>
      %swap3A_729 = vector.shape_cast %add3A_723 : vector<16xi32> to vector<1x16xi32>
      tpu.vector_store %arg11[%swap3A_725, %swap3A_726], %swap3A_729 {strides = array<i32>} : memref<2x128xi32, #tpu.memory_space<vmem>>, vector<1x16xi32>,
      %get3A_730 = arith.constant 0 : i32
      %get3A_731 = arith.index_cast %get3A_730 : i32 to index
      %get3A_732 = arith.constant 96 : index
      %get3A_733 = tpu.vector_load %arg11[%get3A_731, %get3A_732] {strides = array<i32>} : memref<2x128xi32, #tpu.memory_space<vmem>>, vector<1x16xi32>,
      %get3A_734 = vector.shape_cast %get3A_733 : vector<1x16xi32> to vector<16xi32>
      %add3A_735 = vector.broadcast %mul3A_0 : i32 to vector<16xi32>
      %add3A_736 = arith.addi %get3A_734, %add3A_735 : vector<16xi32>
      %swap3A_737 = arith.constant 0 : i32
      %swap3A_738 = arith.index_cast %swap3A_737 : i32 to index
      %swap3A_739 = arith.constant 96 : index
      %swap3A_740 = tpu.vector_load %arg11[%swap3A_738, %swap3A_739] {strides = array<i32>} : memref<2x128xi32, #tpu.memory_space<vmem>>, vector<1x16xi32>,
      %swap3A_741 = vector.shape_cast %swap3A_740 : vector<1x16xi32> to vector<16xi32>
      %swap3A_742 = vector.shape_cast %add3A_736 : vector<16xi32> to vector<1x16xi32>
      tpu.vector_store %arg11[%swap3A_738, %swap3A_739], %swap3A_742 {strides = array<i32>} : memref<2x128xi32, #tpu.memory_space<vmem>>, vector<1x16xi32>,
      %get3A_743 = arith.constant 0 : i32
      %get3A_744 = arith.index_cast %get3A_743 : i32 to index
      %get3A_745 = arith.constant 112 : index
      %get3A_746 = tpu.vector_load %arg11[%get3A_744, %get3A_745] {strides = array<i32>} : memref<2x128xi32, #tpu.memory_space<vmem>>, vector<1x16xi32>,
      %get3A_747 = vector.shape_cast %get3A_746 : vector<1x16xi32> to vector<16xi32>
      %add3A_748 = vector.broadcast %mul3A_0 : i32 to vector<16xi32>
      %add3A_749 = arith.addi %get3A_747, %add3A_748 : vector<16xi32>
      %swap3A_750 = arith.constant 0 : i32
      %swap3A_751 = arith.index_cast %swap3A_750 : i32 to index
      %swap3A_752 = arith.constant 112 : index
      %swap3A_753 = tpu.vector_load %arg11[%swap3A_751, %swap3A_752] {strides = array<i32>} : memref<2x128xi32, #tpu.memory_space<vmem>>, vector<1x16xi32>,
      %swap3A_754 = vector.shape_cast %swap3A_753 : vector<1x16xi32> to vector<16xi32>
      %swap3A_755 = vector.shape_cast %add3A_749 : vector<16xi32> to vector<1x16xi32>
      tpu.vector_store %arg11[%swap3A_751, %swap3A_752], %swap3A_755 {strides = array<i32>} : memref<2x128xi32, #tpu.memory_space<vmem>>, vector<1x16xi32>,
      %dma_start3A_756 = arith.constant 0 : i32
      %dma_start3A_757 = arith.constant 0 : i32
      %dma_start3A_758 = tpu.memref_slice %arg11[%dma_start3A_756, %dma_start3A_757] : memref<2x128xi32, #tpu.memory_space<vmem>> -> memref<1x128xi32, #tpu.memory_space<vmem>>
      %dma_start3A_759 = tpu.memref_squeeze %dma_start3A_758 : memref<1x128xi32, #tpu.memory_space<vmem>> -> memref<128xi32, #tpu.memory_space<vmem>>
      %dma_start3A_760 = arith.constant 0 : i32
      %dma_start3A_761 = arith.constant 0 : i32
      %dma_start3A_762 = tpu.memref_slice %arg2[%dma_start3A_760, %dma_start3A_761] : memref<20000x128xf32, #tpu.memory_space<hbm>> -> memref<20000x128xf32, #tpu.memory_space<hbm>>
      tpu.enqueue_indirect_dma source(%dma_start3A_762 : memref<20000x128xf32, #tpu.memory_space<hbm>>) target(%arg12 : memref<128x128xf32, #tpu.memory_space<vmem>>) offsets(%dma_start3A_759 : memref<128xi32, #tpu.memory_space<vmem>>) semaphore(%arg20 : memref<!tpu.dma_semaphore, #tpu.memory_space<semaphore_mem>>)
    } else {
    }
    %dma_wait3A_609 = arith.constant 0 : i32
    %dma_wait3A_610 = arith.constant 0 : i32
    %dma_wait3A_611 = tpu.memref_slice %arg10[%dma_wait3A_609, %dma_wait3A_610] : memref<2x128xi32, #tpu.memory_space<vmem>> -> memref<1x128xi32, #tpu.memory_space<vmem>>
    %dma_wait3A_612 = tpu.memref_squeeze %dma_wait3A_611 : memref<1x128xi32, #tpu.memory_space<vmem>> -> memref<128xi32, #tpu.memory_space<vmem>>
    %dma_wait3A_613 = arith.constant 0 : i32
    %dma_wait3A_614 = arith.constant 0 : i32
    %dma_wait3A_615 = tpu.memref_slice %arg2[%dma_wait3A_613, %dma_wait3A_614] : memref<20000x128xf32, #tpu.memory_space<hbm>> -> memref<20000x128xf32, #tpu.memory_space<hbm>>
    tpu.wait_indirect_dma semaphore(%arg21 : memref<!tpu.dma_semaphore, #tpu.memory_space<semaphore_mem>>) src(%dma_wait3A_615 : memref<20000x128xf32, #tpu.memory_space<hbm>>) dst(%arg13 : memref<128x128xf32, #tpu.memory_space<vmem>>)
    %dma_start3A_616 = arith.constant 1 : i32
    %dma_start3A_617 = arith.constant 0 : i32
    %dma_start3A_618 = tpu.memref_slice %arg10[%dma_start3A_616, %dma_start3A_617] : memref<2x128xi32, #tpu.memory_space<vmem>> -> memref<1x128xi32, #tpu.memory_space<vmem>>
    %dma_start3A_619 = tpu.memref_squeeze %dma_start3A_618 : memref<1x128xi32, #tpu.memory_space<vmem>> -> memref<128xi32, #tpu.memory_space<vmem>>
    %dma_start3A_620 = arith.constant 0 : i32
    %dma_start3A_621 = arith.constant 0 : i32
    %dma_start3A_622 = tpu.memref_slice %arg14[%dma_start3A_620, %dma_start3A_621] : memref<10240x128xf32, #tpu.memory_space<vmem_shared>> -> memref<10240x128xf32, #tpu.memory_space<vmem_shared>>
    tpu.enqueue_indirect_dma source(%arg13 : memref<128x128xf32, #tpu.memory_space<vmem>>) target(%dma_start3A_622 : memref<10240x128xf32, #tpu.memory_space<vmem_shared>>) offsets(%dma_start3A_619 : memref<128xi32, #tpu.memory_space<vmem>>) semaphore(%arg23 : memref<!tpu.dma_semaphore, #tpu.memory_space<semaphore_mem>>) {add = true}
    %dma_wait3A_623 = arith.constant 1 : i32
    %dma_wait3A_624 = arith.constant 0 : i32
    %dma_wait3A_625 = tpu.memref_slice %arg10[%dma_wait3A_623, %dma_wait3A_624] : memref<2x128xi32, #tpu.memory_space<vmem>> -> memref<1x128xi32, #tpu.memory_space<vmem>>
    %dma_wait3A_626 = tpu.memref_squeeze %dma_wait3A_625 : memref<1x128xi32, #tpu.memory_space<vmem>> -> memref<128xi32, #tpu.memory_space<vmem>>
    %dma_wait3A_627 = arith.constant 0 : i32
    %dma_wait3A_628 = arith.constant 0 : i32
    %dma_wait3A_629 = tpu.memref_slice %arg14[%dma_wait3A_627, %dma_wait3A_628] : memref<10240x128xf32, #tpu.memory_space<vmem_shared>> -> memref<10240x128xf32, #tpu.memory_space<vmem_shared>>
    tpu.wait_indirect_dma semaphore(%arg23 : memref<!tpu.dma_semaphore, #tpu.memory_space<semaphore_mem>>) src(%arg13 : memref<128x128xf32, #tpu.memory_space<vmem>>) dst(%dma_wait3A_629 : memref<10240x128xf32, #tpu.memory_space<vmem_shared>>)
    %convert_element_type3A_630 = arith.extui %lt3A_162 : i1 to i32
    %cond3A_631 = arith.constant 0 : i32
    %cond3A_632 = arith.cmpi ne, %convert_element_type3A_630, %cond3A_631 : i32
    scf.if %cond3A_632 {
      %dma_wait3A_643 = arith.constant 0 : i32
      %dma_wait3A_644 = arith.constant 0 : i32
      %dma_wait3A_645 = tpu.memref_slice %arg11[%dma_wait3A_643, %dma_wait3A_644] : memref<2x128xi32, #tpu.memory_space<vmem>> -> memref<1x128xi32, #tpu.memory_space<vmem>>
      %dma_wait3A_646 = tpu.memref_squeeze %dma_wait3A_645 : memref<1x128xi32, #tpu.memory_space<vmem>> -> memref<128xi32, #tpu.memory_space<vmem>>
      %dma_wait3A_647 = arith.constant 0 : i32
      %dma_wait3A_648 = arith.constant 0 : i32
      %dma_wait3A_649 = tpu.memref_slice %arg2[%dma_wait3A_647, %dma_wait3A_648] : memref<20000x128xf32, #tpu.memory_space<hbm>> -> memref<20000x128xf32, #tpu.memory_space<hbm>>
      tpu.wait_indirect_dma semaphore(%arg20 : memref<!tpu.dma_semaphore, #tpu.memory_space<semaphore_mem>>) src(%dma_wait3A_649 : memref<20000x128xf32, #tpu.memory_space<hbm>>) dst(%arg12 : memref<128x128xf32, #tpu.memory_space<vmem>>)
      %run_scoped3A = arith.constant 1 : i32
      "tpu.region"() ({
        %run_scoped3A_650 = tpu.sem_alloc : memref<!tpu.dma_semaphore, #tpu.memory_space<semaphore_mem>>
        %dma_start3A_651 = arith.constant 0 : i32
        %dma_start3A_652 = tpu.memref_slice %arg11[%run_scoped3A, %dma_start3A_651] : memref<2x128xi32, #tpu.memory_space<vmem>> -> memref<1x128xi32, #tpu.memory_space<vmem>>
        %dma_start3A_653 = tpu.memref_squeeze %dma_start3A_652 : memref<1x128xi32, #tpu.memory_space<vmem>> -> memref<128xi32, #tpu.memory_space<vmem>>
        %dma_start3A_654 = arith.constant 0 : i32
        %dma_start3A_655 = arith.constant 0 : i32
        %dma_start3A_656 = tpu.memref_slice %arg14[%dma_start3A_654, %dma_start3A_655] : memref<10240x128xf32, #tpu.memory_space<vmem_shared>> -> memref<10240x128xf32, #tpu.memory_space<vmem_shared>>
        tpu.enqueue_indirect_dma source(%arg12 : memref<128x128xf32, #tpu.memory_space<vmem>>) target(%dma_start3A_656 : memref<10240x128xf32, #tpu.memory_space<vmem_shared>>) offsets(%dma_start3A_653 : memref<128xi32, #tpu.memory_space<vmem>>) semaphore(%run_scoped3A_650 : memref<!tpu.dma_semaphore, #tpu.memory_space<semaphore_mem>>) {add = true}
        %dma_wait3A_657 = arith.constant 0 : i32
        %dma_wait3A_658 = tpu.memref_slice %arg11[%run_scoped3A, %dma_wait3A_657] : memref<2x128xi32, #tpu.memory_space<vmem>> -> memref<1x128xi32, #tpu.memory_space<vmem>>
        %dma_wait3A_659 = tpu.memref_squeeze %dma_wait3A_658 : memref<1x128xi32, #tpu.memory_space<vmem>> -> memref<128xi32, #tpu.memory_space<vmem>>
        %dma_wait3A_660 = arith.constant 0 : i32
        %dma_wait3A_661 = arith.constant 0 : i32
        %dma_wait3A_662 = tpu.memref_slice %arg14[%dma_wait3A_660, %dma_wait3A_661] : memref<10240x128xf32, #tpu.memory_space<vmem_shared>> -> memref<10240x128xf32, #tpu.memory_space<vmem_shared>>
        tpu.wait_indirect_dma semaphore(%run_scoped3A_650 : memref<!tpu.dma_semaphore, #tpu.memory_space<semaphore_mem>>) src(%arg12 : memref<128x128xf32, #tpu.memory_space<vmem>>) dst(%dma_wait3A_662 : memref<10240x128xf32, #tpu.memory_space<vmem_shared>>)
        tpu.yield
      }) : () -> ()
    } else {
    }
    %barrier3A_633 = arith.constant 0 : index
    tpu.barrier barrier_id(%barrier3A_633)
    %eq3A = arith.constant 0 : i32
    %eq3A_634 = arith.cmpi eq, %arg0, %eq3A : i32
    %convert_element_type3A_635 = arith.extui %eq3A_634 : i1 to i32
    %cond3A_636 = arith.constant 0 : i32
    %cond3A_637 = arith.cmpi ne, %convert_element_type3A_635, %cond3A_636 : i32
    scf.if %cond3A_637 {
      %mul3A_643 = arith.constant 640 : i32
      %mul3A_644 = arith.muli %arg1, %mul3A_643 : i32
      %mul3A_645 = arith.constant 640 : i32
      %mul3A_646 = arith.muli %arg1, %mul3A_645 : i32
      "tpu.region"() ({
        %run_scoped3A = tpu.sem_alloc : memref<!tpu.dma_semaphore, #tpu.memory_space<semaphore_mem>>
        %dma_start3A_647 = arith.constant 0 : i32
        %dma_start3A_648 = tpu.memref_slice %arg5[%mul3A_646, %dma_start3A_647] : memref<10240x128xf32, #tpu.memory_space<hbm>> -> memref<640x128xf32, #tpu.memory_space<hbm>>
        %dma_start3A_649 = arith.constant 0 : i32
        %dma_start3A_650 = tpu.memref_slice %arg14[%mul3A_644, %dma_start3A_649] : memref<10240x128xf32, #tpu.memory_space<vmem_shared>> -> memref<640x128xf32, #tpu.memory_space<vmem_shared>>
        tpu.enqueue_dma source(%dma_start3A_650 : memref<640x128xf32, #tpu.memory_space<vmem_shared>>) target(%dma_start3A_648 : memref<640x128xf32, #tpu.memory_space<hbm>>) target_semaphore(%run_scoped3A : memref<!tpu.dma_semaphore, #tpu.memory_space<semaphore_mem>>)
        %dma_wait3A_651 = arith.constant 0 : i32
        %dma_wait3A_652 = tpu.memref_slice %arg5[%mul3A_646, %dma_wait3A_651] : memref<10240x128xf32, #tpu.memory_space<hbm>> -> memref<640x128xf32, #tpu.memory_space<hbm>>
        %dma_wait3A_653 = arith.constant 0 : i32
        %dma_wait3A_654 = tpu.memref_slice %arg14[%mul3A_644, %dma_wait3A_653] : memref<10240x128xf32, #tpu.memory_space<vmem_shared>> -> memref<640x128xf32, #tpu.memory_space<vmem_shared>>
        tpu.wait_dma2 semaphore(%run_scoped3A : memref<!tpu.dma_semaphore, #tpu.memory_space<semaphore_mem>>) src(%dma_wait3A_654 : memref<640x128xf32, #tpu.memory_space<vmem_shared>>) dst(%dma_wait3A_652 : memref<640x128xf32, #tpu.memory_space<hbm>>)
        tpu.yield
      }) : () -> ()
    } else {
    }
    %eq3A_638 = arith.constant 1 : i32
    %eq3A_639 = arith.cmpi eq, %arg0, %eq3A_638 : i32
    %convert_element_type3A_640 = arith.extui %eq3A_639 : i1 to i32
    %cond3A_641 = arith.constant 0 : i32
    %cond3A_642 = arith.cmpi ne, %convert_element_type3A_640, %cond3A_641 : i32
    scf.if %cond3A_642 {
      %mul3A_643 = arith.constant 640 : i32
      %mul3A_644 = arith.muli %arg1, %mul3A_643 : i32
      %mul3A_645 = arith.constant 640 : i32
      %mul3A_646 = arith.muli %arg1, %mul3A_645 : i32
      "tpu.region"() ({
        %run_scoped3A = tpu.sem_alloc : memref<!tpu.dma_semaphore, #tpu.memory_space<semaphore_mem>>
        %dma_start3A_647 = arith.constant 0 : i32
        %dma_start3A_648 = tpu.memref_slice %arg6[%mul3A_646, %dma_start3A_647] : memref<10240x128xf32, #tpu.memory_space<hbm>> -> memref<640x128xf32, #tpu.memory_space<hbm>>
        %dma_start3A_649 = arith.constant 0 : i32
        %dma_start3A_650 = tpu.memref_slice %arg14[%mul3A_644, %dma_start3A_649] : memref<10240x128xf32, #tpu.memory_space<vmem_shared>> -> memref<640x128xf32, #tpu.memory_space<vmem_shared>>
        tpu.enqueue_dma source(%dma_start3A_650 : memref<640x128xf32, #tpu.memory_space<vmem_shared>>) target(%dma_start3A_648 : memref<640x128xf32, #tpu.memory_space<hbm>>) target_semaphore(%run_scoped3A : memref<!tpu.dma_semaphore, #tpu.memory_space<semaphore_mem>>)
        %dma_wait3A_651 = arith.constant 0 : i32
        %dma_wait3A_652 = tpu.memref_slice %arg6[%mul3A_646, %dma_wait3A_651] : memref<10240x128xf32, #tpu.memory_space<hbm>> -> memref<640x128xf32, #tpu.memory_space<hbm>>
        %dma_wait3A_653 = arith.constant 0 : i32
        %dma_wait3A_654 = tpu.memref_slice %arg14[%mul3A_644, %dma_wait3A_653] : memref<10240x128xf32, #tpu.memory_space<vmem_shared>> -> memref<640x128xf32, #tpu.memory_space<vmem_shared>>
        tpu.wait_dma2 semaphore(%run_scoped3A : memref<!tpu.dma_semaphore, #tpu.memory_space<semaphore_mem>>) src(%dma_wait3A_654 : memref<640x128xf32, #tpu.memory_space<vmem_shared>>) dst(%dma_wait3A_652 : memref<640x128xf32, #tpu.memory_space<hbm>>)
        tpu.yield
      }) : () -> ()
    } else {
    }
    return
  }
}

module attributes {stable_mosaic.version = 14 : i64} {
  func.func @_pre_body(%arg0: i32, %arg1: i32, %arg2: memref<2000x128xf32, #tpu.memory_space<vmem>>, %arg3: memref<2000x128xf32, #tpu.memory_space<vmem>>, %arg4: memref<256x128xf32, #tpu.memory_space<vmem>>, %arg5: memref<1x128xf32, #tpu.memory_space<vmem>>, %arg6: memref<2000x128xf32, #tpu.memory_space<vmem>>) attributes {dimension_semantics = [#tpu.dimension_semantics<arbitrary>, #tpu.dimension_semantics<arbitrary>], iteration_bounds = array<i64: 2, 5>, scalar_prefetch = 0 : i64, scratch_operands = 0 : i64, tpu.core_type = #tpu.core_type<tc>, window_params = [{transform_indices = @transform_0, window_bounds = array<i64: 2000, 128>}, {transform_indices = @transform_1, window_bounds = array<i64: 2000, 128>}, {transform_indices = @transform_2, window_bounds = array<i64: 256, 128>}, {transform_indices = @transform_3, window_bounds = array<i64: 1, 128>}, {transform_indices = @transform_4, window_bounds = array<i64: 2000, 128>}]} {
    %get3A = arith.constant 0 : index
    %get3A_0 = arith.constant 0 : index
    %get3A_1 = vector.load %arg2[%get3A, %get3A_0] : memref<2000x128xf32, #tpu.memory_space<vmem>>, vector<2000x128xf32>
    %get3A_2 = arith.constant 0 : index
    %get3A_3 = arith.constant 0 : index
    %get3A_4 = vector.load %arg4[%get3A_2, %get3A_3] : memref<256x128xf32, #tpu.memory_space<vmem>>, vector<128x128xf32>
    %dot_general3A = arith.constant dense<0.000000e+00> : vector<2000x128xf32>
    %dot_general3A_5 = tpu.matmul %get3A_1, %get3A_4, %dot_general3A {dimension_numbers = #tpu.dot_dimension_numbers<[1], [0], [0], [1], [0, 0, 1, 1], [], []>, transpose_lhs_hint = false} : vector<2000x128xf32>, vector<128x128xf32>, vector<2000x128xf32> -> vector<2000x128xf32>
    %get3A_6 = arith.constant 0 : index
    %get3A_7 = arith.constant 0 : index
    %get3A_8 = vector.load %arg3[%get3A_6, %get3A_7] : memref<2000x128xf32, #tpu.memory_space<vmem>>, vector<2000x128xf32>
    %get3A_9 = arith.constant 128 : index
    %get3A_10 = arith.constant 0 : index
    %get3A_11 = vector.load %arg4[%get3A_9, %get3A_10] : memref<256x128xf32, #tpu.memory_space<vmem>>, vector<128x128xf32>
    %dot_general3A_12 = arith.constant dense<0.000000e+00> : vector<2000x128xf32>
    %dot_general3A_13 = tpu.matmul %get3A_8, %get3A_11, %dot_general3A_12 {dimension_numbers = #tpu.dot_dimension_numbers<[1], [0], [0], [1], [0, 0, 1, 1], [], []>, transpose_lhs_hint = false} : vector<2000x128xf32>, vector<128x128xf32>, vector<2000x128xf32> -> vector<2000x128xf32>
    %add3A = arith.addf %dot_general3A_5, %dot_general3A_13 : vector<2000x128xf32>
    %get3A_14 = arith.constant 0 : index
    %get3A_15 = arith.constant 0 : index
    %get3A_16 = vector.load %arg5[%get3A_14, %get3A_15] : memref<1x128xf32, #tpu.memory_space<vmem>>, vector<1x128xf32>
    %add3A_17 = vector.broadcast %get3A_16 : vector<1x128xf32> to vector<2000x128xf32>
    %add3A_18 = arith.addf %add3A, %add3A_17 : vector<2000x128xf32>
    %swap3A = arith.constant 0 : index
    %swap3A_19 = arith.constant 0 : index
    %swap3A_20 = vector.load %arg6[%swap3A, %swap3A_19] : memref<2000x128xf32, #tpu.memory_space<vmem>>, vector<2000x128xf32>
    tpu.vector_store %arg6[%swap3A, %swap3A_19], %add3A_18 {strides = array<i32>} : memref<2000x128xf32, #tpu.memory_space<vmem>>, vector<2000x128xf32>,
    return
  }
  func.func @transform_0(%arg0: i32, %arg1: i32) -> (i32, i32) {
    %c0_i32 = arith.constant 0 : i32
    %c0_i32_0 = arith.constant 0 : i32
    return %arg1, %c0_i32 : i32, i32
  }
  func.func @transform_1(%arg0: i32, %arg1: i32) -> (i32, i32) {
    %c0_i32 = arith.constant 0 : i32
    %c0_i32_0 = arith.constant 0 : i32
    return %arg1, %c0_i32 : i32, i32
  }
  func.func @transform_2(%arg0: i32, %arg1: i32) -> (i32, i32) {
    %c0_i32 = arith.constant 0 : i32
    %c0_i32_0 = arith.constant 0 : i32
    return %c0_i32, %arg0 : i32, i32
  }
  func.func @transform_3(%arg0: i32, %arg1: i32) -> (i32, i32) {
    %c0_i32 = arith.constant 0 : i32
    %c0_i32_0 = arith.constant 0 : i32
    return %c0_i32, %arg0 : i32, i32
  }
  func.func @transform_4(%arg0: i32, %arg1: i32) -> (i32, i32) {
    %mul3A = arith.constant 5 : i32
    %mul3A_0 = arith.muli %arg0, %mul3A : i32
    %add3A = arith.addi %mul3A_0, %arg1 : i32
    %c0_i32 = arith.constant 0 : i32
    %c0_i32_1 = arith.constant 0 : i32
    return %add3A, %c0_i32 : i32, i32
  }
}

module attributes {stable_mosaic.version = 14 : i64} {
  func.func @_post_body(%arg0: i32, %arg1: memref<2000x128xf32, #tpu.memory_space<vmem>>, %arg2: memref<2000x128xf32, #tpu.memory_space<vmem>>, %arg3: memref<2000x128xf32, #tpu.memory_space<vmem>>, %arg4: memref<2000x128xf32, #tpu.memory_space<vmem>>, %arg5: memref<256x256xf32, #tpu.memory_space<vmem>>, %arg6: memref<1x256xf32, #tpu.memory_space<vmem>>, %arg7: memref<2000x128xf32, #tpu.memory_space<vmem>>, %arg8: memref<2000x128xf32, #tpu.memory_space<vmem>>) attributes {dimension_semantics = [#tpu.dimension_semantics<arbitrary>], iteration_bounds = array<i64: 5>, scalar_prefetch = 0 : i64, scratch_operands = 0 : i64, tpu.core_type = #tpu.core_type<tc>, window_params = [{transform_indices = @transform_0, window_bounds = array<i64: 2000, 128>}, {transform_indices = @transform_1, window_bounds = array<i64: 2000, 128>}, {transform_indices = @transform_2, window_bounds = array<i64: 2000, 128>}, {transform_indices = @transform_3, window_bounds = array<i64: 2000, 128>}, {pipeline_mode = #tpu.pipeline_mode<synchronous>, transform_indices = @transform_4, window_bounds = array<i64: 256, 256>}, {pipeline_mode = #tpu.pipeline_mode<synchronous>, transform_indices = @transform_5, window_bounds = array<i64: 1, 256>}, {transform_indices = @transform_6, window_bounds = array<i64: 2000, 128>}, {transform_indices = @transform_7, window_bounds = array<i64: 2000, 128>}]} {
    %get3A = arith.constant 0 : index
    %get3A_0 = arith.constant 0 : index
    %get3A_1 = vector.load %arg1[%get3A, %get3A_0] : memref<2000x128xf32, #tpu.memory_space<vmem>>, vector<2000x128xf32>
    %get3A_2 = arith.constant 0 : index
    %get3A_3 = arith.constant 0 : index
    %get3A_4 = vector.load %arg2[%get3A_2, %get3A_3] : memref<2000x128xf32, #tpu.memory_space<vmem>>, vector<2000x128xf32>
    %get3A_5 = arith.constant 0 : index
    %get3A_6 = arith.constant 0 : index
    %get3A_7 = vector.load %arg5[%get3A_5, %get3A_6] : memref<256x256xf32, #tpu.memory_space<vmem>>, vector<128x128xf32>
    %dot_general3A = arith.constant dense<0.000000e+00> : vector<2000x128xf32>
    %dot_general3A_8 = tpu.matmul %get3A_1, %get3A_7, %dot_general3A {dimension_numbers = #tpu.dot_dimension_numbers<[1], [0], [0], [1], [0, 0, 1, 1], [], []>, transpose_lhs_hint = false} : vector<2000x128xf32>, vector<128x128xf32>, vector<2000x128xf32> -> vector<2000x128xf32>
    %get3A_9 = arith.constant 128 : index
    %get3A_10 = arith.constant 0 : index
    %get3A_11 = vector.load %arg5[%get3A_9, %get3A_10] : memref<256x256xf32, #tpu.memory_space<vmem>>, vector<128x128xf32>
    %dot_general3A_12 = arith.constant dense<0.000000e+00> : vector<2000x128xf32>
    %dot_general3A_13 = tpu.matmul %get3A_4, %get3A_11, %dot_general3A_12 {dimension_numbers = #tpu.dot_dimension_numbers<[1], [0], [0], [1], [0, 0, 1, 1], [], []>, transpose_lhs_hint = false} : vector<2000x128xf32>, vector<128x128xf32>, vector<2000x128xf32> -> vector<2000x128xf32>
    %add3A = arith.addf %dot_general3A_8, %dot_general3A_13 : vector<2000x128xf32>
    %get3A_14 = arith.constant 0 : index
    %get3A_15 = arith.constant 0 : index
    %get3A_16 = vector.load %arg3[%get3A_14, %get3A_15] : memref<2000x128xf32, #tpu.memory_space<vmem>>, vector<2000x128xf32>
    %add3A_17 = arith.addf %add3A, %get3A_16 : vector<2000x128xf32>
    %get3A_18 = arith.constant 0 : index
    %get3A_19 = arith.constant 0 : index
    %get3A_20 = vector.load %arg6[%get3A_18, %get3A_19] : memref<1x256xf32, #tpu.memory_space<vmem>>, vector<1x128xf32>
    %add3A_21 = vector.broadcast %get3A_20 : vector<1x128xf32> to vector<2000x128xf32>
    %add3A_22 = arith.addf %add3A_17, %add3A_21 : vector<2000x128xf32>
    %swap3A = arith.constant 0 : index
    %swap3A_23 = arith.constant 0 : index
    %swap3A_24 = vector.load %arg7[%swap3A, %swap3A_23] : memref<2000x128xf32, #tpu.memory_space<vmem>>, vector<2000x128xf32>
    tpu.vector_store %arg7[%swap3A, %swap3A_23], %add3A_22 {strides = array<i32>} : memref<2000x128xf32, #tpu.memory_space<vmem>>, vector<2000x128xf32>,
    %get3A_25 = arith.constant 0 : index
    %get3A_26 = arith.constant 128 : index
    %get3A_27 = vector.load %arg5[%get3A_25, %get3A_26] : memref<256x256xf32, #tpu.memory_space<vmem>>, vector<128x128xf32>
    %dot_general3A_28 = arith.constant dense<0.000000e+00> : vector<2000x128xf32>
    %dot_general3A_29 = tpu.matmul %get3A_1, %get3A_27, %dot_general3A_28 {dimension_numbers = #tpu.dot_dimension_numbers<[1], [0], [0], [1], [0, 0, 1, 1], [], []>, transpose_lhs_hint = false} : vector<2000x128xf32>, vector<128x128xf32>, vector<2000x128xf32> -> vector<2000x128xf32>
    %get3A_30 = arith.constant 128 : index
    %get3A_31 = arith.constant 128 : index
    %get3A_32 = vector.load %arg5[%get3A_30, %get3A_31] : memref<256x256xf32, #tpu.memory_space<vmem>>, vector<128x128xf32>
    %dot_general3A_33 = arith.constant dense<0.000000e+00> : vector<2000x128xf32>
    %dot_general3A_34 = tpu.matmul %get3A_4, %get3A_32, %dot_general3A_33 {dimension_numbers = #tpu.dot_dimension_numbers<[1], [0], [0], [1], [0, 0, 1, 1], [], []>, transpose_lhs_hint = false} : vector<2000x128xf32>, vector<128x128xf32>, vector<2000x128xf32> -> vector<2000x128xf32>
    %add3A_35 = arith.addf %dot_general3A_29, %dot_general3A_34 : vector<2000x128xf32>
    %get3A_36 = arith.constant 0 : index
    %get3A_37 = arith.constant 0 : index
    %get3A_38 = vector.load %arg4[%get3A_36, %get3A_37] : memref<2000x128xf32, #tpu.memory_space<vmem>>, vector<2000x128xf32>
    %add3A_39 = arith.addf %add3A_35, %get3A_38 : vector<2000x128xf32>
    %get3A_40 = arith.constant 0 : index
    %get3A_41 = arith.constant 128 : index
    %get3A_42 = vector.load %arg6[%get3A_40, %get3A_41] : memref<1x256xf32, #tpu.memory_space<vmem>>, vector<1x128xf32>
    %add3A_43 = vector.broadcast %get3A_42 : vector<1x128xf32> to vector<2000x128xf32>
    %add3A_44 = arith.addf %add3A_39, %add3A_43 : vector<2000x128xf32>
    %swap3A_45 = arith.constant 0 : index
    %swap3A_46 = arith.constant 0 : index
    %swap3A_47 = vector.load %arg8[%swap3A_45, %swap3A_46] : memref<2000x128xf32, #tpu.memory_space<vmem>>, vector<2000x128xf32>
    tpu.vector_store %arg8[%swap3A_45, %swap3A_46], %add3A_44 {strides = array<i32>} : memref<2000x128xf32, #tpu.memory_space<vmem>>, vector<2000x128xf32>,
    return
  }
  func.func @transform_0(%arg0: i32) -> (i32, i32) {
    %c0_i32 = arith.constant 0 : i32
    %c0_i32_0 = arith.constant 0 : i32
    return %arg0, %c0_i32 : i32, i32
  }
  func.func @transform_1(%arg0: i32) -> (i32, i32) {
    %c0_i32 = arith.constant 0 : i32
    %c0_i32_0 = arith.constant 0 : i32
    return %arg0, %c0_i32 : i32, i32
  }
  func.func @transform_2(%arg0: i32) -> (i32, i32) {
    %c0_i32 = arith.constant 0 : i32
    %c0_i32_0 = arith.constant 0 : i32
    return %arg0, %c0_i32 : i32, i32
  }
  func.func @transform_3(%arg0: i32) -> (i32, i32) {
    %c0_i32 = arith.constant 0 : i32
    %c0_i32_0 = arith.constant 0 : i32
    return %arg0, %c0_i32 : i32, i32
  }
  func.func @transform_4(%arg0: i32) -> (i32, i32) {
    %c0_i32 = arith.constant 0 : i32
    %c0_i32_0 = arith.constant 0 : i32
    %c0_i32_1 = arith.constant 0 : i32
    return %c0_i32, %c0_i32_0 : i32, i32
  }
  func.func @transform_5(%arg0: i32) -> (i32, i32) {
    %c0_i32 = arith.constant 0 : i32
    %c0_i32_0 = arith.constant 0 : i32
    %c0_i32_1 = arith.constant 0 : i32
    return %c0_i32, %c0_i32_0 : i32, i32
  }
  func.func @transform_6(%arg0: i32) -> (i32, i32) {
    %c0_i32 = arith.constant 0 : i32
    %c0_i32_0 = arith.constant 0 : i32
    return %arg0, %c0_i32 : i32, i32
  }
  func.func @transform_7(%arg0: i32) -> (i32, i32) {
    %c0_i32 = arith.constant 0 : i32
    %c0_i32_0 = arith.constant 0 : i32
    return %arg0, %c0_i32 : i32, i32
  }
}

</mosaic_0001>

<sc_bundles>
// kernel: kernel.5.cloned.1.call-start
scs
__scs_entry_jumppad:
0x0: {  	(pc) =	sbr.rel $0x88, $3  }
0x1: {  	(tag) =	ssettag $0x0;
	lr =	simm.s32 $0x1  }
0x2: {  	[smem:$0x3F8F] =	sst lr;
	_ =	strace $0xD0000000  }
0x3: {  	_ = 	snop  }
0x4: {  	_ = 	snop  }
0x5: {  	_ = 	snop  }
0x6: {  	_ = 	snop  }
0x7: {  	_ = 	snop  }
__scs_overlays_trampoline_lowered:
0x8: {  	[smem:$0x3F9E] =	sst s0  }
0x9: {  	[smem:$0x3F9F] =	sst s1  }
0xa: {  	[smem:$0x3FA0] =	sst s2  }
0xb: {  	[smem:$0x3FA1] =	sst s3  }
0xc: {  	[smem:$0x3FA2] =	sst s4  }
0xd: {  	[smem:$0x3FA3] =	sst s5  }
0xe: {  	[smem:$0x3FA4] =	sst s6  }
0xf: {  	[smem:$0x3FA5] =	sst s7  }
0x10: {  	[smem:$0x3FA6] =	sst s8  }
0x11: {  	[smem:$0x3FA7] =	sst s9;
	s0 =	simm.s32 @!p0 $0x0  }
0x12: {  	s1 =	sld [smem:$0x3F8D];
	s0 =	simm.s32 @p0 $0x1  }
0x13: {  	[smem:$0x3FA8] =	sst s0;
	s0 =	simm.s32 @!p1 $0x0  }
0x14: {  	s2 =	sld [smem:$0x3F8C];
	s0 =	simm.s32 @p1 $0x1  }
0x15: {  	[smem:$0x3FA9] =	sst s0;
	s0 =	simm.s32 @!p2 $0x0  }
0x16: {  	s3 =	sld [smem:$0x3FDB];
	s0 =	simm.s32 @p2 $0x1  }
0x17: {  	s4 =	simm.s32 $0x1BF5;
	[smem:$0x3FAB] =	sst s0  }
0x18: {  	s0 =	sld [smem:$0x3F8E];
	_ =	swait.ge [sflag:s4], $0x0  }
0x19: {  	s7 =	sld [smem:$0x3F8F]  }
0x1a: {  	s8 =	sadd.s32 $0xFFFFE003, lr  }
0x1b: {  	s9 =	sadd.s32 $0xFFFFFEF7, lr;
	s5 =	simm.s32 $0xFFFFFFFF;
	p2 =	slt.u32 s8, $0xFFFFF086  }
0x1c: {  	p1 =	slt.u32 s9, $0xF7A;
	s5 =	simm.s32 @!p2 $0x0  }
0x1d: {  	s5 =	simm.s32 @p1 $0x1;
	p0 =	seq.s32 s7, s2  }
0x1e: {  	s7 =	smul.u32 @!p0 $0xF7A, s2;
	p2 =	seq.s32 @!p0 s5, $0x0  }
0x1f: {  	s9 =	smul.u32 $0xF7A, s1;
	s8 =	simm.s32 @!p0 $0x1BF5;
	p2 =	por !p2, p0  }
0x20: {  	[sflag:s8] =	ssyncset.s32 @!p0 $0xFFFFF086;
	s6 =	sadd.s32 @!p0 s3, s7;
	s7 =	simm.s32 @!p0 $0x108  }
0x21: {  	s3 =	sadd.s32 s3, s9;
	s6 =	sadd.s32 @!p0 $0x88, s6;
	s7 =	simm.s32 @p2 $0x1082  }
0x22: {  	[simem:s7], [sflag:s8] =	dma.local @!p0 [hbm:s6], $0xF7A  }
0x23: {  	s9 =	sor.u32 $0xD0000000, s2;
	s6 =	simm.s32 $0x108;
	_ =	swait.ge @!p0 [sflag:s8], $0x0  }
0x24: {  	s3 =	sadd.s32 $0x88, s3;
	s6 =	simm.s32 @!p1 $0x1082;
	[sflag:s4] =	ssyncset.s32 $0xFFFFF086  }
0x25: {  	[simem:s6], [sflag:s4] =	dma.local [hbm:s3], $0xF7A  }
0x26: {  	[smem:$0x3F8F] =	sst s1;
	(tag) =	ssettag s2;
	_ =	strace s9  }
0x27: {  	s1 =	sld [smem:$0x3F9F]  }
0x28: {  	s2 =	sld [smem:$0x3FA0]  }
0x29: {  	s4 =	sld [smem:$0x3FA2]  }
0x2a: {  	p0 =	seq.s32 s5, $0x0;
	s5 =	sld [smem:$0x3FA3]  }
0x2b: {  	s6 =	sld [smem:$0x3FA4]  }
0x2c: {  	s7 =	sld [smem:$0x3FA5]  }
0x2d: {  	s3 =	simm.s32 $0x108;
	s8 =	sld [smem:$0x3FA6]  }
0x2e: {  	s3 =	simm.s32 @!p0 $0x1082;
	s9 =	sld [smem:$0x3FA7]  }
0x2f: {  	lr =	sadd.s32 s0, s3;
	s0 =	sld [smem:$0x3F9E]  }
0x30: {  	s3 =	sld [smem:$0x3FA1]  }
0x31: {  	[smem:$0x3FAA] =	sst s10  }
0x32: {  	s10 =	sld [smem:$0x3FA8];
	_ =	sdelay $0x3  }
0x33: {  	p0 =	seq.s32 s10, $0x1;
	s10 =	sld [smem:$0x3FAA];
	_ =	sdelay $0x3  }
0x34: {  	[smem:$0x3FAA] =	sst s10  }
0x35: {  	s10 =	sld [smem:$0x3FA9];
	_ =	sdelay $0x3  }
0x36: {  	p1 =	seq.s32 s10, $0x1;
	s10 =	sld [smem:$0x3FAA];
	_ =	sdelay $0x3  }
0x37: {  	[smem:$0x3FAA] =	sst s10  }
0x38: {  	s10 =	sld [smem:$0x3FAB]  }
0x39: {  	_ = 	snop;
	(pc) =	sbr.ind lr, $3  }
0x3a: {  	_ = 	snop  }
0x3b: {  	_ = 	snop  }
0x3c: {  	p2 =	seq.s32 s10, $0x1;
	s10 =	sld [smem:$0x3FAA]  }
0x3d: {  	_ =	shalt  }
0x3e: {  	_ =	shalt  }
0x3f: {  	_ =	shalt  }
0x40: {  	_ =	shalt  }
0x41: {  	_ =	shalt  }
0x42: {  	_ =	shalt  }
0x43: {  	_ =	shalt  }
0x44: {  	_ =	shalt  }
0x45: {  	_ =	shalt  }
0x46: {  	_ =	shalt  }
0x47: {  	_ =	shalt  }
0x48: {  	_ =	shalt  }
0x49: {  	_ =	shalt  }
0x4a: {  	_ =	shalt  }
0x4b: {  	_ =	shalt  }
0x4c: {  	_ =	shalt  }
0x4d: {  	_ =	shalt  }
0x4e: {  	_ =	shalt  }
0x4f: {  	_ =	shalt  }
0x50: {  	_ =	shalt  }
0x51: {  	_ =	shalt  }
0x52: {  	_ =	shalt  }
0x53: {  	_ =	shalt  }
0x54: {  	_ =	shalt  }
0x55: {  	_ =	shalt  }
0x56: {  	_ =	shalt  }
0x57: {  	_ =	shalt  }
0x58: {  	_ =	shalt  }
0x59: {  	_ =	shalt  }
0x5a: {  	_ =	shalt  }
0x5b: {  	_ =	shalt  }
0x5c: {  	_ =	shalt  }
0x5d: {  	_ =	shalt  }
0x5e: {  	_ =	shalt  }
0x5f: {  	_ =	shalt  }
0x60: {  	_ =	shalt  }
0x61: {  	_ =	shalt  }
0x62: {  	_ =	shalt  }
0x63: {  	_ =	shalt  }
0x64: {  	_ =	shalt  }
0x65: {  	_ =	shalt  }
0x66: {  	_ =	shalt  }
0x67: {  	_ =	shalt  }
0x68: {  	_ =	shalt  }
0x69: {  	_ =	shalt  }
0x6a: {  	_ =	shalt  }
0x6b: {  	_ =	shalt  }
0x6c: {  	_ =	shalt  }
0x6d: {  	_ =	shalt  }
0x6e: {  	_ =	shalt  }
0x6f: {  	_ =	shalt  }
0x70: {  	_ =	shalt  }
0x71: {  	_ =	shalt  }
0x72: {  	_ =	shalt  }
0x73: {  	_ =	shalt  }
0x74: {  	_ =	shalt  }
0x75: {  	_ =	shalt  }
0x76: {  	_ =	shalt  }
0x77: {  	_ =	shalt  }
0x78: {  	_ =	shalt  }
0x79: {  	_ =	shalt  }
0x7a: {  	_ =	shalt  }
0x7b: {  	_ =	shalt  }
0x7c: {  	_ =	shalt  }
0x7d: {  	_ =	shalt  }
0x7e: {  	_ =	shalt  }
0x7f: {  	_ =	shalt  }
0x80: {  	_ =	shalt  }
0x81: {  	_ =	shalt  }
0x82: {  	_ =	shalt  }
0x83: {  	_ =	shalt  }
0x84: {  	_ =	shalt  }
0x85: {  	_ =	shalt  }
0x86: {  	_ =	shalt  }
0x87: {  	_ =	shalt  }
.Lfunc_end0:
.L_simem_size_0:
called_computation_lowered:
.L_overlay_start_0:
0x88: {  	s2 =	sld [smem:$0x3FD9]  }
0x89: {  	s3 =	sld [smem:$0x3FFE];
	_ =	sdelay $0x1  }
0x8a: {  	s1 =	srdreg.scid  }
0x8b: {  	s0 =	sand.u32 $0x1, s1  }
0x8c: {  	s17 =	sshll.u32 s0, $0xA;
	s2 =	sadd.s32 s3, s2  }
0x8d: {  	s2 =	sadd.s32 s2, s17  }
0x8e: {  	[smem:$0x3FB6] =	sst s2  }
0x8f: {  	_ = 	snop  }
0x90: {  	s2 =	sld [smem:$0x3FC7];
	(tm) =	ssettm $0x1  }
0x91: {  	s18 =	sld [smem:$0x3FFB];
	_ =	sdelay $0x3  }
0x92: {  	_ =	strace s18  }
0x93: {  	s3 =	sld [smem:$0x3FFC];
	_ =	sdelay $0x3  }
0x94: {  	_ =	strace s3  }
0x95: {  	s3 =	sld [smem:$0x3FFD];
	_ =	sdelay $0x3  }
0x96: {  	_ =	strace s3  }
0x97: {  	_ =	strace $0x8FFFFFFF  }
0x98: {  	s19 =	sld [smem:$0x3FDB];
	_ =	sdelay $0x1  }
0x99: {  	s4 =	simm.s32 $_scs_section_size  }
0x9a: {  	s5 =	simm.s32 $_size__tile_overlayer_lowered;
	s6 =	simm.s32 $_tile_overlayer_lowered  }
0x9b: {  	s22 =	simm.s32 $0x1BFF;
	s21 =	sshll.u32 s6, $0x1;
	s3 =	sadd.s32 s4, s19  }
0x9c: {  	s7 =	simm.s32 $0x0;
	s20 =	sshll.u32 s5, $0x1;
	s5 =	sadd.s32 s21, s3  }
0x9d: {  	[timem:s7], [sflag:s22] =	dma.local [hbm:s5], s20  }
0x9e: {  	_ =	swait.ge [sflag:s22], s20  }
0x9f: {  	s4 =	ssub.s32 $0x0, s20;
	[sflag:s22] =	ssyncset.done $0x0  }
0xa0: {  	[sflag:s22] =	ssyncadd.s32 s4;
	_ =	sdelay $0x1  }
0xa1: {  	s23 =	simm.s32 $0x1B8B  }
0xa2: {  	_ =	swait.ge [sflag:s23], $0x1  }
0xa3: {  	[sflag:s23] =	ssyncset.done $0x0  }
0xa4: {  	s25 =	simm.s32 $0x1B8E;
	s24 =	sld [smem:$0x3FFE];
	[sflag:s23] =	ssyncadd.s32 $0xFFFFFFFF  }
0xa5: {  	s26 =	simm.s32 $execute0_lowered;
	[smem:$0x3FD2] =	sst s25  }
0xa6: {  	s5 =	sshll.u32 s26, $0x1;
	_ =	strace $0x80000046;
	[dreg:$0x1] =	wrdreg $0xFFFFFFFF  }
0xa7: {  	s28 =	simm.s32 $_size_execute0_lowered;
	s3 =	sadd.s32 s3, s5;
	[dreg:$0x0] =	wrdreg $0x0  }
0xa8: {  	s5 =	sshll.u32 s28, $0x1;
	[dreg:$0x2] =	wrdreg s3  }
0xa9: {  	[dreg:$0x3] =	wrdreg s5  }
0xaa: {  	[dreg:$0x4] =	wrdreg $0xC0  }
0xab: {  	_ =	task [dreg:s7], $0x5FFFF  }
0xac: {  	[dreg:$0x1] =	wrdreg $0xFFFFFFFF  }
0xad: {  	[dreg:$0x0] =	wrdreg $0x60  }
0xae: {  	[dreg:$0x2] =	wrdreg s24  }
0xaf: {  	[dreg:$0x3] =	wrdreg s2  }
0xb0: {  	[dreg:$0x4] =	wrdreg $0x85000  }
0xb1: {  	[dreg:$0x5] =	wrdreg $0x9  }
0xb2: {  	_ =	task.clear_ibuf [dreg:s7], $0x6FFFF;
	_ =	strace $0x90000046  }
0xb3: {  	s29 =	simm.s32 $0x9;
	_ =	strace $0x80000048  }
0xb4: {  	_ =	swait.ge [sflag:s29], $0x1  }
0xb5: {  	[sflag:s29] =	ssyncadd.s32 $0xFFFFFFFF  }
0xb6: {  	_ =	strace $0x90000048  }
0xb7: {  	_ =	sfence  }
0xb8: {  	s30 =	sld [smem:$0x0];
	_ =	sdelay $0x2  }
0xb9: {  	s31 =	sshll.u32 s1, $0xD;
	s1 =	sshrl.u32 s1, $0x2  }
0xba: {  	s3 =	sand.u32 $0x4000, s31;
	s1 =	sadd.s32 s1, s30  }
0xbb: {  	s0 =	sor.u32 s3, s0;
	s1 =	sshll.u32 s1, $0x11  }
0xbc: {  	s0 =	sor.u32 s1, s0  }
0xbd: {  	s0 =	sadd.s32 $0x8F2B, s0  }
0xbe: {  	[sflag:s0] =	ssyncadd.remote.s32 $0x1  }
0xbf: {  	_ =	sfence.sel $0xFFFF  }
0xc0: {  	[dreg:$0x0] =	wrdreg $0xFFFFFFFF;
	(pc) =	sbr.abs _section_cstart, $3  }
0xc1: {  	[dreg:$0x1] =	wrdreg $0xFFFFFFFF  }
0xc2: {  	_ =	task.clear_ibuf [dreg:s7], $0x2FFFF;
	_ =	strace $0x9FFFFFFF  }
0xc3: {  	(tm) =	ssettm $0x7FFFFFFF  }
tec
execute0_lowered:
.L_overlay_start_1:
0x0: {  	(tag) =	ssettag $0x1  }
0x1: {  	s2 =	rddreg [dreg:$0x0]  }
0x2: {  	s0 =	rddreg [dreg:$0x1]  }
0x3: {  	s3 =	rddreg [dreg:$0x2]  }
0x4: {  	s25 =	stileid.u32;
	s1 =	srdreg.scid;
	s4 =	simm.s32 $0x0  }
0x5: {  	s15 =	simm.s32 $0xA;
	s16 =	simm.s32 $0x100;
	s17 =	simm.s32 $0x200  }
0x6: {  	s18 =	simm.s32 $0x1;
	s28 =	simm.s32 $0x7;
	s5 =	smul.u32 $0x2800, s25  }
0x7: {  	s29 =	simm.s32 $0x180;
	s30 =	simm.s32 $0x9;
	s7 =	smul.u32 $0x50000, s25  }
0x8: {  	s31 =	simm.s32 $0x4;
	s1 =	sand.u32 $0x1, s1;
	s10 =	smul.u32 $0x1380, s25  }
0x9: {  	[smem:$0x7FF] =	sst s4;
	s11 =	smul.u32 $0x9C00, s25;
	s21 =	sshll.u32 s25, $0x6  }
0xa: {  	s26 =	sshll.u32 s25, $0x5;
	s8 =	smul.u32 $0x2710, s1;
	_ =	strace $0x80000047  }
0xb: {  	s6 =	ssub.s32 $0x2, s1;
	p0 =	seq.s32 s1, $0x1;
	s1 =	simm.s32 $0x9E200  }
0xc: {  	s5 =	sadd.s32 s5, s2;
	s9 =	sshrl.u32 s6, $0x1;
	s19 =	sshrl.u32 s7, $0x2  }
0xd: {  	s7 =	sadd.s32 s0, s10;
	s22 =	sshrl.u32 s11, $0x3;
	s1 =	simm.s32 @!p0 $0x76200  }
0xe: {  	p0 =	sgt.u32 s25, $0x3;
	s25 =	simm.s32 $0x8;
	s9 =	ssub.s32 s6, s9  }
0xf: {  	s14 =	sadd.s32 s19, s3;
	s20 =	sadd.s32 $0x4E200, s5;
	s6 =	sor.u32 $0x1C0A, s21  }
0x10: {  	s23 =	sadd.s32 $0x20, s7;
	s24 =	sadd.s32 $0x40, s7;
	s10 =	sadd.s32 s0, s22  }
0x11: {  	s0 =	sadd.s32 s26, s0;
	s13 =	sadd.s32 s1, s5;
	s19 =	simm.s32 $0x80  }
0x12: {  	s21 =	simm.s32 $0x300;
	s22 =	simm.s32 $0x2;
	[dreg:$0x4] =	wrdreg s20  }
0x13: {  	s26 =	simm.s32 $0x3;
	s1 =	simm.s32 $0x380;
	[dreg:$0x5] =	wrdreg s23  }
0x14: {  	s5 =	simm.s32 $0x0;
	[dreg:$0x6] =	wrdreg s24;
	s10 =	sadd.s32 $0x1360, s10  }
0x15: {  	s0 =	sadd.s32 $0x13800, s0;
	s12 =	smax.u32 s9, $0x1;
	s14 =	sshrl.u32 s14, $0x3  }
0x16: {  	s20 =	simm.s32 $0x500;
	s23 =	simm.s32 $0x4500;
	[dreg:$0x7] =	wrdreg s10  }
0x17: {  	v0 =	vmov s8;
	s24 =	simm.s32 $0x6;
	[dreg:$0x8] =	wrdreg s0;
	s0 =	simm.s32 $0x280  }
.LBB2_1:
0x18: {  	s8 =	rddreg [dreg:$0x4]  }
0x19: {  	[spmem:s14], [sflag:s6] =	dma.local [hbm:s8], $0x2800  }
0x1a: {  	_ =	swait.ge [sflag:s15], $0x2800  }
0x1b: {  	[sflag:s15] =	ssyncset.done $0x0  }
0x1c: {  	[sflag:s15] =	ssyncadd.s32 $0xFFFFD800  }
0x1d: {  	[bflag:$0x0] =	sbarrier.arrive $0xFFFF  }
0x1e: {  	[tilespmem:s4], [sflag:$0x1] =	stream.linear.gather [hbm4b:s7+s4], $0x100, $0x38;
	[tilespmem:$0x1C500] =	vst v63  }
0x1f: {  	s9 =	rddreg [dreg:$0x5]  }
0x20: {  	[tilespmem:s16], [sflag:$0x2] =	stream.linear.gather [hbm4b:s9+s4], $0x100, $0x38;
	[tilespmem:$0x1C500] =	vst v63  }
0x21: {  	s10 =	rddreg [dreg:$0x6]  }
0x22: {  	[tilespmem:s17], [sflag:$0x3] =	stream.linear.gather [hbm4b:s10+s4], $0x100, $0x38;
	[tilespmem:$0x1C500] =	vst v63  }
0x23: {  	_ =	swait.ge [sflag:s18], $0x100  }
0x24: {  	[sflag:s18] =	ssyncset.done $0x0  }
0x25: {  	[sflag:s18] =	ssyncadd.s32 $0xFFFFFF00  }
0x26: {  	v1 =	vld [tilespmem:$0x0]  }
0x27: {  	v2 =	vld [tilespmem:$0x10]  }
0x28: {  	v3 =	vld [tilespmem:$0x20]  }
0x29: {  	v4 =	vld [tilespmem:$0x30]  }
0x2a: {  	v5 =	vld [tilespmem:$0x40]  }
0x2b: {  	v6 =	vld [tilespmem:$0x50];
	v1 =	vadd.s32 v0, v1  }
0x2c: {  	[tilespmem:$0x0] =	vst v1;
	v1 =	vadd.s32 v0, v2;
	v2 =	vld [tilespmem:$0x60]  }
0x2d: {  	[tilespmem:$0x10] =	vst v1;
	v1 =	vadd.s32 v0, v3;
	v3 =	vld [tilespmem:$0x70]  }
0x2e: {  	[tilespmem:$0x20] =	vst v1;
	v1 =	vadd.s32 v0, v4  }
0x2f: {  	[tilespmem:$0x30] =	vst v1;
	v1 =	vadd.s32 v0, v5  }
0x30: {  	[tilespmem:$0x40] =	vst v1;
	v1 =	vadd.s32 v0, v6  }
0x31: {  	[tilespmem:$0x50] =	vst v1;
	v1 =	vadd.s32 v0, v2  }
0x32: {  	p1 =	por $0x1, $0x1;
	[tilespmem:$0x60] =	vst v1;
	v1 =	vadd.s32 v0, v3  }
0x33: {  	s9 =	simm.s32 @!p1 $0x9;
	[tilespmem:$0x70] =	vst v1  }
0x34: {  	[tilespmem:s20], [sflag:$0x6] =	stream.indirect.gather [hbm4b:s2+s19], $0x80, s4, s19, $0xb8;
	[tilespmem:$0x1C500] =	vst v63  }
0x35: {  	_ =	swait.ge @!p1 [sflag:s9], $0x4000  }
0x36: {  	s8 =	sadd.s32 $0x0, s7;
	[sflag:s9] =	ssyncset.done @!p1 $0x0  }
0x37: {  	s11 =	sadd.s32 $0x60, s8;
	[sflag:s9] =	ssyncadd.s32 @!p1 $0xFFFFC000  }
0x38: {  	[tilespmem:s21], [sflag:$0x4] =	stream.linear.gather [hbm4b:s11+s4], $0x100, $0x38;
	[tilespmem:$0x1C500] =	vst v63  }
0x39: {  	_ =	swait.ge [sflag:s22], $0x100  }
0x3a: {  	[sflag:s22] =	ssyncset.done $0x0  }
0x3b: {  	[sflag:s22] =	ssyncadd.s32 $0xFFFFFF00  }
0x3c: {  	v1 =	vld [tilespmem:$0x130]  }
0x3d: {  	v2 =	vld [tilespmem:$0x120]  }
0x3e: {  	v3 =	vld [tilespmem:$0x160]  }
0x3f: {  	v4 =	vld [tilespmem:$0x110]  }
0x40: {  	v6 =	vld [tilespmem:$0x150]  }
0x41: {  	v5 =	vld [tilespmem:$0x170];
	v1 =	vadd.s32 v0, v1  }
0x42: {  	v7 =	vld [tilespmem:$0x100];
	v2 =	vadd.s32 v0, v2;
	[tilespmem:$0x130] =	vst v1  }
0x43: {  	v3 =	vadd.s32 v0, v3;
	v1 =	vld [tilespmem:$0x140];
	[tilespmem:$0x120] =	vst v2  }
0x44: {  	v2 =	vadd.s32 v0, v4;
	[tilespmem:$0x160] =	vst v3  }
0x45: {  	v3 =	vadd.s32 v0, v6;
	[tilespmem:$0x110] =	vst v2  }
0x46: {  	v2 =	vadd.s32 v0, v5;
	[tilespmem:$0x150] =	vst v3  }
0x47: {  	[tilespmem:$0x170] =	vst v2;
	v2 =	vadd.s32 v0, v7  }
0x48: {  	[tilespmem:$0x100] =	vst v2;
	v1 =	vadd.s32 v0, v1  }
0x49: {  	[tilespmem:$0x140] =	vst v1  }
0x4a: {  	[tilespmem:s23], [sflag:$0x7] =	stream.indirect.gather [hbm4b:s2+s19], $0x80, s16, s19, $0xb8;
	[tilespmem:$0x1C500] =	vst v63  }
0x4b: {  	_ =	swait.ge [sflag:s24], $0x4000  }
0x4c: {  	[sflag:s24] =	ssyncset.done $0x0  }
0x4d: {  	[sflag:s24] =	ssyncadd.s32 $0xFFFFC000  }
0x4e: {  	[spmem:s3] =	stream.indirect.scatter.add.f32 [tilespmem:s20], [sflag:$0x8], $0x80, s19, s19, $0xb8;
	[tilespmem:$0x1C500] =	vst v63  }
0x4f: {  	_ =	swait.ge [sflag:s25], $0x4000  }
0x50: {  	[sflag:s25] =	ssyncset.done $0x0  }
0x51: {  	s10 =	sadd.s32 $0x80, s8;
	[sflag:s25] =	ssyncadd.s32 $0xFFFFC000  }
0x52: {  	[tilespmem:s4], [sflag:$0x1] =	stream.linear.gather [hbm4b:s10+s4], $0x100, $0x38;
	[tilespmem:$0x1C500] =	vst v63  }
0x53: {  	_ =	swait.ge [sflag:s26], $0x100  }
0x54: {  	[sflag:s26] =	ssyncset.done $0x0  }
0x55: {  	[sflag:s26] =	ssyncadd.s32 $0xFFFFFF00  }
0x56: {  	v1 =	vld [tilespmem:$0x200]  }
0x57: {  	v2 =	vld [tilespmem:$0x210]  }
0x58: {  	v3 =	vld [tilespmem:$0x220]  }
0x59: {  	v4 =	vld [tilespmem:$0x250]  }
0x5a: {  	v5 =	vld [tilespmem:$0x240]  }
0x5b: {  	v6 =	vld [tilespmem:$0x260];
	v1 =	vadd.s32 v0, v1  }
0x5c: {  	[tilespmem:$0x200] =	vst v1;
	v1 =	vadd.s32 v0, v2;
	v2 =	vld [tilespmem:$0x270]  }
0x5d: {  	[tilespmem:$0x210] =	vst v1;
	v1 =	vadd.s32 v0, v3;
	v3 =	vld [tilespmem:$0x230]  }
0x5e: {  	[tilespmem:$0x220] =	vst v1;
	v1 =	vadd.s32 v0, v4  }
0x5f: {  	v4 =	vadd.s32 v0, v5;
	[tilespmem:$0x250] =	vst v1  }
0x60: {  	[tilespmem:$0x240] =	vst v4;
	v1 =	vadd.s32 v0, v6  }
0x61: {  	[tilespmem:$0x260] =	vst v1;
	v1 =	vadd.s32 v0, v2  }
0x62: {  	[tilespmem:$0x270] =	vst v1;
	v1 =	vadd.s32 v0, v3  }
0x63: {  	[tilespmem:$0x230] =	vst v1  }
0x64: {  	[tilespmem:s20], [sflag:$0x6] =	stream.indirect.gather [hbm4b:s2+s19], $0x80, s17, s19, $0xb8;
	[tilespmem:$0x1C500] =	vst v63  }
0x65: {  	_ =	swait.ge [sflag:s28], $0x4000  }
0x66: {  	[sflag:s28] =	ssyncset.done $0x0  }
0x67: {  	[sflag:s28] =	ssyncadd.s32 $0xFFFFC000  }
0x68: {  	[spmem:s3] =	stream.indirect.scatter.add.f32 [tilespmem:s23], [sflag:$0x9], $0x80, s29, s19, $0xb8;
	[tilespmem:$0x1C500] =	vst v63  }
0x69: {  	_ =	swait.ge [sflag:s30], $0x4000  }
0x6a: {  	[sflag:s30] =	ssyncset.done $0x0  }
0x6b: {  	s11 =	sadd.s32 $0xA0, s8;
	[sflag:s30] =	ssyncadd.s32 $0xFFFFC000  }
0x6c: {  	[tilespmem:s16], [sflag:$0x2] =	stream.linear.gather [hbm4b:s11+s4], $0x100, $0x38;
	[tilespmem:$0x1C500] =	vst v63  }
0x6d: {  	_ =	swait.ge [sflag:s31], $0x100  }
0x6e: {  	[sflag:s31] =	ssyncset.done $0x0  }
0x6f: {  	[sflag:s31] =	ssyncadd.s32 $0xFFFFFF00  }
0x70: {  	v1 =	vld [tilespmem:$0x350]  }
0x71: {  	v4 =	vld [tilespmem:$0x370]  }
0x72: {  	v3 =	vld [tilespmem:$0x340]  }
0x73: {  	s9 =	simm.s32 $0x80;
	v2 =	vld [tilespmem:$0x320]  }
.LBB2_2:
0x74: {  	v5 =	vld [tilespmem:$0x360];
	s10 =	smov.u32 s9;
	s9 =	sadd.s32 $0x80, s9  }
0x75: {  	p1 =	sne.s32 s9, $0x1300;
	v6 =	vld [tilespmem:$0x310]  }
0x76: {  	v1 =	vadd.s32 v0, v1;
	v7 =	vld [tilespmem:$0x300];
	v4 =	vadd.s32 v0, v4  }
0x77: {  	v8 =	vld [tilespmem:$0x330];
	v3 =	vadd.s32 v0, v3;
	[tilespmem:$0x370] =	vst v4  }
0x78: {  	v2 =	vadd.s32 v0, v2;
	[tilespmem:$0x340] =	vst v3  }
0x79: {  	[tilespmem:$0x320] =	vst v2;
	v2 =	vadd.s32 v0, v5  }
0x7a: {  	v3 =	vadd.s32 v0, v6;
	[tilespmem:$0x360] =	vst v2  }
0x7b: {  	v2 =	vadd.s32 v0, v7;
	[tilespmem:$0x310] =	vst v3  }
0x7c: {  	v3 =	vadd.s32 v0, v8;
	[tilespmem:$0x350] =	vst v1  }
0x7d: {  	[tilespmem:$0x330] =	vst v3  }
0x7e: {  	[tilespmem:$0x300] =	vst v2  }
0x7f: {  	[tilespmem:s23], [sflag:$0x7] =	stream.indirect.gather [hbm4b:s2+s19], $0x80, s21, s19, $0xb8;
	[tilespmem:$0x1C500] =	vst v63  }
0x80: {  	_ =	swait.ge [sflag:s24], $0x4000  }
0x81: {  	[sflag:s24] =	ssyncset.done $0x0  }
0x82: {  	[sflag:s24] =	ssyncadd.s32 $0xFFFFC000  }
0x83: {  	[spmem:s3] =	stream.indirect.scatter.add.f32 [tilespmem:s20], [sflag:$0x8], $0x80, s0, s19, $0xb8;
	[tilespmem:$0x1C500] =	vst v63  }
0x84: {  	_ =	swait.ge [sflag:s25], $0x4000  }
0x85: {  	[sflag:s25] =	ssyncset.done $0x0  }
0x86: {  	s8 =	sadd.s32 $0xC0, s8;
	[sflag:s25] =	ssyncadd.s32 $0xFFFFC000  }
0x87: {  	[tilespmem:s17], [sflag:$0x3] =	stream.linear.gather [hbm4b:s8+s4], $0x100, $0x38;
	[tilespmem:$0x1C500] =	vst v63  }
0x88: {  	_ =	swait.ge [sflag:s18], $0x100  }
0x89: {  	[sflag:s18] =	ssyncset.done $0x0  }
0x8a: {  	[sflag:s18] =	ssyncadd.s32 $0xFFFFFF00  }
0x8b: {  	v1 =	vld [tilespmem:$0x0]  }
0x8c: {  	v2 =	vld [tilespmem:$0x10]  }
0x8d: {  	v3 =	vld [tilespmem:$0x20]  }
0x8e: {  	v4 =	vld [tilespmem:$0x40]  }
0x8f: {  	v5 =	vld [tilespmem:$0x50]  }
0x90: {  	v1 =	vadd.s32 v0, v1;
	v6 =	vld [tilespmem:$0x60]  }
0x91: {  	[tilespmem:$0x0] =	vst v1;
	v1 =	vadd.s32 v0, v2;
	v2 =	vld [tilespmem:$0x70]  }
0x92: {  	[tilespmem:$0x10] =	vst v1;
	v1 =	vadd.s32 v0, v3  }
0x93: {  	[tilespmem:$0x20] =	vst v1;
	v1 =	vld [tilespmem:$0x30];
	v3 =	vadd.s32 v0, v4  }
0x94: {  	[tilespmem:$0x40] =	vst v3;
	v3 =	vadd.s32 v0, v5  }
0x95: {  	p2 =	seq.s32 s10, $0x0;
	[tilespmem:$0x50] =	vst v3;
	v3 =	vadd.s32 v0, v6  }
0x96: {  	s11 =	simm.s32 @!p2 $0x9;
	[tilespmem:$0x60] =	vst v3;
	v2 =	vadd.s32 v0, v2  }
0x97: {  	[tilespmem:$0x70] =	vst v2  }
0x98: {  	v1 =	vadd.s32 v0, v1  }
0x99: {  	[tilespmem:$0x30] =	vst v1  }
0x9a: {  	[tilespmem:s20], [sflag:$0x6] =	stream.indirect.gather [hbm4b:s2+s19], $0x80, s4, s19, $0xb8;
	[tilespmem:$0x1C500] =	vst v63  }
0x9b: {  	_ =	swait.ge [sflag:s28], $0x4000  }
0x9c: {  	[sflag:s28] =	ssyncset.done $0x0  }
0x9d: {  	[sflag:s28] =	ssyncadd.s32 $0xFFFFC000  }
0x9e: {  	[spmem:s3] =	stream.indirect.scatter.add.f32 [tilespmem:s23], [sflag:$0x9], $0x80, s1, s19, $0xb8;
	[tilespmem:$0x1C500] =	vst v63  }
0x9f: {  	_ = 	snop  }
0xa0: {  	_ =	swait.ge @!p2 [sflag:s11], $0x4000  }
0xa1: {  	s8 =	sadd.s32 s10, s7;
	[sflag:s11] =	ssyncset.done @!p2 $0x0  }
0xa2: {  	s10 =	sadd.s32 $0x60, s8;
	[sflag:s11] =	ssyncadd.s32 @!p2 $0xFFFFC000  }
0xa3: {  	[tilespmem:s21], [sflag:$0x4] =	stream.linear.gather [hbm4b:s10+s4], $0x100, $0x38;
	[tilespmem:$0x1C500] =	vst v63  }
0xa4: {  	_ =	swait.ge [sflag:s22], $0x100  }
0xa5: {  	[sflag:s22] =	ssyncset.done $0x0  }
0xa6: {  	[sflag:s22] =	ssyncadd.s32 $0xFFFFFF00  }
0xa7: {  	v1 =	vld [tilespmem:$0x140]  }
0xa8: {  	v2 =	vld [tilespmem:$0x160]  }
0xa9: {  	v3 =	vld [tilespmem:$0x130]  }
0xaa: {  	v4 =	vld [tilespmem:$0x120]  }
0xab: {  	v5 =	vld [tilespmem:$0x100]  }
0xac: {  	v6 =	vld [tilespmem:$0x110]  }
0xad: {  	v2 =	vadd.s32 v0, v2;
	v7 =	vld [tilespmem:$0x170]  }
0xae: {  	v3 =	vadd.s32 v0, v3;
	v8 =	vld [tilespmem:$0x150]  }
0xaf: {  	v4 =	vadd.s32 v0, v4;
	[tilespmem:$0x130] =	vst v3  }
0xb0: {  	v1 =	vadd.s32 v0, v1;
	v3 =	vadd.s32 v0, v5;
	[tilespmem:$0x120] =	vst v4  }
0xb1: {  	v4 =	vadd.s32 v0, v6;
	[tilespmem:$0x160] =	vst v2  }
0xb2: {  	[tilespmem:$0x110] =	vst v4;
	v2 =	vadd.s32 v0, v7  }
0xb3: {  	v4 =	vadd.s32 v0, v8;
	[tilespmem:$0x170] =	vst v2  }
0xb4: {  	[tilespmem:$0x150] =	vst v4  }
0xb5: {  	[tilespmem:$0x100] =	vst v3  }
0xb6: {  	[tilespmem:$0x140] =	vst v1  }
0xb7: {  	[tilespmem:s23], [sflag:$0x7] =	stream.indirect.gather [hbm4b:s2+s19], $0x80, s16, s19, $0xb8;
	[tilespmem:$0x1C500] =	vst v63  }
0xb8: {  	_ =	swait.ge [sflag:s24], $0x4000  }
0xb9: {  	[sflag:s24] =	ssyncset.done $0x0  }
0xba: {  	[sflag:s24] =	ssyncadd.s32 $0xFFFFC000  }
0xbb: {  	[spmem:s3] =	stream.indirect.scatter.add.f32 [tilespmem:s20], [sflag:$0x8], $0x80, s19, s19, $0xb8;
	[tilespmem:$0x1C500] =	vst v63  }
0xbc: {  	_ =	swait.ge [sflag:s25], $0x4000  }
0xbd: {  	[sflag:s25] =	ssyncset.done $0x0  }
0xbe: {  	s10 =	sadd.s32 $0x80, s8;
	[sflag:s25] =	ssyncadd.s32 $0xFFFFC000  }
0xbf: {  	[tilespmem:s4], [sflag:$0x1] =	stream.linear.gather [hbm4b:s10+s4], $0x100, $0x38;
	[tilespmem:$0x1C500] =	vst v63  }
0xc0: {  	_ =	swait.ge [sflag:s26], $0x100  }
0xc1: {  	[sflag:s26] =	ssyncset.done $0x0  }
0xc2: {  	[sflag:s26] =	ssyncadd.s32 $0xFFFFFF00  }
0xc3: {  	v1 =	vld [tilespmem:$0x200]  }
0xc4: {  	v2 =	vld [tilespmem:$0x210]  }
0xc5: {  	v3 =	vld [tilespmem:$0x220]  }
0xc6: {  	v4 =	vld [tilespmem:$0x250]  }
0xc7: {  	v5 =	vld [tilespmem:$0x240]  }
0xc8: {  	v1 =	vadd.s32 v0, v1;
	v6 =	vld [tilespmem:$0x260]  }
0xc9: {  	[tilespmem:$0x200] =	vst v1;
	v1 =	vadd.s32 v0, v2;
	v2 =	vld [tilespmem:$0x270]  }
0xca: {  	[tilespmem:$0x210] =	vst v1;
	v1 =	vadd.s32 v0, v3  }
0xcb: {  	[tilespmem:$0x220] =	vst v1;
	v1 =	vld [tilespmem:$0x230];
	v3 =	vadd.s32 v0, v4  }
0xcc: {  	v4 =	vadd.s32 v0, v5;
	[tilespmem:$0x250] =	vst v3  }
0xcd: {  	[tilespmem:$0x240] =	vst v4;
	v3 =	vadd.s32 v0, v6  }
0xce: {  	[tilespmem:$0x260] =	vst v3;
	v2 =	vadd.s32 v0, v2  }
0xcf: {  	[tilespmem:$0x270] =	vst v2  }
0xd0: {  	v1 =	vadd.s32 v0, v1  }
0xd1: {  	[tilespmem:$0x230] =	vst v1  }
0xd2: {  	[tilespmem:s20], [sflag:$0x6] =	stream.indirect.gather [hbm4b:s2+s19], $0x80, s17, s19, $0xb8;
	[tilespmem:$0x1C500] =	vst v63  }
0xd3: {  	_ =	swait.ge [sflag:s28], $0x4000  }
0xd4: {  	[sflag:s28] =	ssyncset.done $0x0  }
0xd5: {  	[sflag:s28] =	ssyncadd.s32 $0xFFFFC000  }
0xd6: {  	[spmem:s3] =	stream.indirect.scatter.add.f32 [tilespmem:s23], [sflag:$0x9], $0x80, s29, s19, $0xb8;
	[tilespmem:$0x1C500] =	vst v63  }
0xd7: {  	_ =	swait.ge [sflag:s30], $0x4000  }
0xd8: {  	[sflag:s30] =	ssyncset.done $0x0  }
0xd9: {  	s10 =	sadd.s32 $0xA0, s8;
	[sflag:s30] =	ssyncadd.s32 $0xFFFFC000  }
0xda: {  	[tilespmem:s16], [sflag:$0x2] =	stream.linear.gather [hbm4b:s10+s4], $0x100, $0x38;
	[tilespmem:$0x1C500] =	vst v63  }
0xdb: {  	_ =	swait.ge [sflag:s31], $0x100  }
0xdc: {  	[sflag:s31] =	ssyncset.done $0x0  }
.Ltmp0:
0xdd: {  	[sflag:s31] =	ssyncadd.s32 $0xFFFFFF00;
	(pc) =	sbr.rel @p1 .LBB2_2-.Ltmp0, $4  }
0xde: {  	v1 =	vld [tilespmem:$0x350]  }
0xdf: {  	v4 =	vld [tilespmem:$0x370]  }
0xe0: {  	v3 =	vld [tilespmem:$0x340]  }
0xe1: {  	v2 =	vld [tilespmem:$0x320]  }
0xe2: {  	v5 =	vld [tilespmem:$0x360]  }
0xe3: {  	v6 =	vld [tilespmem:$0x310];
	v1 =	vadd.s32 v0, v1  }
0xe4: {  	v51 =	vld [tilespmem:$0x300];
	v4 =	vadd.s32 v0, v4;
	[tilespmem:$0x350] =	vst v1  }
0xe5: {  	v7 =	vld [tilespmem:$0x330];
	v3 =	vadd.s32 v0, v3;
	[tilespmem:$0x370] =	vst v4  }
0xe6: {  	v2 =	vadd.s32 v0, v2;
	[tilespmem:$0x340] =	vst v3  }
0xe7: {  	[tilespmem:$0x320] =	vst v2;
	v2 =	vadd.s32 v0, v5  }
0xe8: {  	v3 =	vadd.s32 v0, v6;
	[tilespmem:$0x360] =	vst v2  }
0xe9: {  	v1 =	vadd.s32 v0, v51;
	[tilespmem:$0x310] =	vst v3  }
0xea: {  	v2 =	vadd.s32 v0, v7;
	[tilespmem:$0x300] =	vst v1  }
0xeb: {  	[tilespmem:$0x330] =	vst v2  }
0xec: {  	[tilespmem:s23], [sflag:$0x7] =	stream.indirect.gather [hbm4b:s2+s19], $0x80, s21, s19, $0xb8;
	[tilespmem:$0x1C500] =	vst v63  }
0xed: {  	_ =	swait.ge [sflag:s24], $0x4000  }
0xee: {  	[sflag:s24] =	ssyncset.done $0x0  }
0xef: {  	[sflag:s24] =	ssyncadd.s32 $0xFFFFC000  }
0xf0: {  	[spmem:s3] =	stream.indirect.scatter.add.f32 [tilespmem:s20], [sflag:$0x8], $0x80, s0, s19, $0xb8;
	[tilespmem:$0x1C500] =	vst v63  }
0xf1: {  	_ =	swait.ge [sflag:s25], $0x4000  }
0xf2: {  	[sflag:s25] =	ssyncset.done $0x0  }
0xf3: {  	s8 =	sadd.s32 $0xC0, s8;
	[sflag:s25] =	ssyncadd.s32 $0xFFFFC000  }
0xf4: {  	[tilespmem:s17], [sflag:$0x3] =	stream.linear.gather [hbm4b:s8+s4], $0x100, $0x38;
	[tilespmem:$0x1C500] =	vst v63  }
0xf5: {  	_ =	swait.ge [sflag:s18], $0x100  }
0xf6: {  	[sflag:s18] =	ssyncset.done $0x0  }
0xf7: {  	[sflag:s18] =	ssyncadd.s32 $0xFFFFFF00  }
0xf8: {  	v1 =	vld [tilespmem:$0x0]  }
0xf9: {  	v2 =	vld [tilespmem:$0x10]  }
0xfa: {  	v3 =	vld [tilespmem:$0x20]  }
0xfb: {  	v52 =	vld [tilespmem:$0x40]  }
0xfc: {  	v53 =	vld [tilespmem:$0x50]  }
0xfd: {  	v54 =	vld [tilespmem:$0x60];
	v1 =	vadd.s32 v0, v1  }
0xfe: {  	[tilespmem:$0x0] =	vst v1;
	v1 =	vadd.s32 v0, v2;
	v2 =	vld [tilespmem:$0x70]  }
0xff: {  	[tilespmem:$0x10] =	vst v1;
	v1 =	vadd.s32 v0, v3;
	v3 =	vld [tilespmem:$0x30]  }
0x100: {  	[tilespmem:$0x20] =	vst v1;
	v1 =	vadd.s32 v0, v52  }
0x101: {  	[tilespmem:$0x40] =	vst v1;
	v1 =	vadd.s32 v0, v53  }
0x102: {  	[tilespmem:$0x50] =	vst v1;
	v1 =	vadd.s32 v0, v54  }
0x103: {  	[tilespmem:$0x60] =	vst v1;
	v1 =	vadd.s32 v0, v2  }
0x104: {  	[tilespmem:$0x70] =	vst v1;
	v1 =	vadd.s32 v0, v3  }
0x105: {  	[tilespmem:$0x30] =	vst v1  }
0x106: {  	[tilespmem:s20], [sflag:$0x6] =	stream.indirect.gather [hbm4b:s2+s19], $0x80, s4, s19, $0xb8;
	[tilespmem:$0x1C500] =	vst v63  }
0x107: {  	_ =	swait.ge [sflag:s28], $0x4000  }
0x108: {  	[sflag:s28] =	ssyncset.done $0x0  }
0x109: {  	[sflag:s28] =	ssyncadd.s32 $0xFFFFC000  }
0x10a: {  	[spmem:s3] =	stream.indirect.scatter.add.f32 [tilespmem:s23], [sflag:$0x9], $0x80, s1, s19, $0xb8;
	[tilespmem:$0x1C500] =	vst v63  }
0x10b: {  	_ =	swait.ge [sflag:s30], $0x4000  }
0x10c: {  	[sflag:s30] =	ssyncset.done $0x0  }
0x10d: {  	s11 =	rddreg [dreg:$0x7];
	[sflag:s30] =	ssyncadd.s32 $0xFFFFC000  }
0x10e: {  	[tilespmem:s21], [sflag:$0x4] =	stream.linear.gather [hbm4b:s11+s4], $0x100, $0x38;
	[tilespmem:$0x1C500] =	vst v63  }
0x10f: {  	_ =	swait.ge [sflag:s22], $0x100  }
0x110: {  	[sflag:s22] =	ssyncset.done $0x0  }
0x111: {  	[sflag:s22] =	ssyncadd.s32 $0xFFFFFF00  }
0x112: {  	v1 =	vld [tilespmem:$0x100]  }
0x113: {  	v2 =	vld [tilespmem:$0x110]  }
0x114: {  	v3 =	vld [tilespmem:$0x120]  }
0x115: {  	v55 =	vld [tilespmem:$0x130]  }
0x116: {  	v56 =	vld [tilespmem:$0x140]  }
0x117: {  	v57 =	vld [tilespmem:$0x150];
	v1 =	vadd.s32 v0, v1  }
0x118: {  	[tilespmem:$0x100] =	vst v1;
	v1 =	vadd.s32 v0, v2;
	v2 =	vld [tilespmem:$0x160]  }
0x119: {  	[tilespmem:$0x110] =	vst v1;
	v1 =	vadd.s32 v0, v3;
	v3 =	vld [tilespmem:$0x170]  }
0x11a: {  	[tilespmem:$0x120] =	vst v1;
	v1 =	vadd.s32 v0, v55  }
0x11b: {  	[tilespmem:$0x130] =	vst v1;
	v1 =	vadd.s32 v0, v56  }
0x11c: {  	[tilespmem:$0x140] =	vst v1;
	v1 =	vadd.s32 v0, v57  }
0x11d: {  	[tilespmem:$0x150] =	vst v1;
	v1 =	vadd.s32 v0, v2  }
0x11e: {  	[tilespmem:$0x160] =	vst v1;
	v1 =	vadd.s32 v0, v3  }
0x11f: {  	[tilespmem:$0x170] =	vst v1  }
0x120: {  	[tilespmem:s23], [sflag:$0x7] =	stream.indirect.gather [hbm4b:s2+s19], $0x80, s16, s19, $0xb8;
	[tilespmem:$0x1C500] =	vst v63  }
0x121: {  	_ =	swait.ge [sflag:s24], $0x4000  }
0x122: {  	[sflag:s24] =	ssyncset.done $0x0  }
0x123: {  	[sflag:s24] =	ssyncadd.s32 $0xFFFFC000  }
0x124: {  	[spmem:s3] =	stream.indirect.scatter.add.f32 [tilespmem:s20], [sflag:$0x8], $0x80, s19, s19, $0xb8;
	[tilespmem:$0x1C500] =	vst v63  }
0x125: {  	_ =	swait.ge [sflag:s25], $0x4000  }
0x126: {  	s9 =	simm.s32 @!p0 $0x0;
	[sflag:s25] =	ssyncset.done $0x0  }
0x127: {  	s8 =	simm.s32 @!p0 $0x400;
	s10 =	rddreg [dreg:$0x8];
	[sflag:s25] =	ssyncadd.s32 $0xFFFFC000  }
0x128: {  	[tilespmem:s8], [sflag:$0x5] =	stream.linear.gather @!p0 [hbm4b:s10+s9], $0x100, $0x38;
	[tilespmem:$0x1C500] =	vst v63  }
0x129: {  	_ =	swait.ge [sflag:s26], $0x100  }
0x12a: {  	[sflag:s26] =	ssyncset.done $0x0  }
0x12b: {  	[sflag:s26] =	ssyncadd.s32 $0xFFFFFF00  }
0x12c: {  	v1 =	vld [tilespmem:$0x200]  }
0x12d: {  	v2 =	vld [tilespmem:$0x210]  }
0x12e: {  	v3 =	vld [tilespmem:$0x220]  }
0x12f: {  	v58 =	vld [tilespmem:$0x230]  }
0x130: {  	v59 =	vld [tilespmem:$0x240]  }
0x131: {  	v60 =	vld [tilespmem:$0x250];
	v1 =	vadd.s32 v0, v1  }
0x132: {  	[tilespmem:$0x200] =	vst v1;
	v1 =	vadd.s32 v0, v2;
	v2 =	vld [tilespmem:$0x260]  }
0x133: {  	[tilespmem:$0x210] =	vst v1;
	v1 =	vadd.s32 v0, v3;
	v3 =	vld [tilespmem:$0x270]  }
0x134: {  	[tilespmem:$0x220] =	vst v1;
	v1 =	vadd.s32 v0, v58  }
0x135: {  	[tilespmem:$0x230] =	vst v1;
	v1 =	vadd.s32 v0, v59  }
0x136: {  	[tilespmem:$0x240] =	vst v1;
	v1 =	vadd.s32 v0, v60  }
0x137: {  	[tilespmem:$0x250] =	vst v1;
	v1 =	vadd.s32 v0, v2  }
0x138: {  	[tilespmem:$0x260] =	vst v1;
	v1 =	vadd.s32 v0, v3  }
0x139: {  	[tilespmem:$0x270] =	vst v1  }
0x13a: {  	[tilespmem:s20], [sflag:$0x6] =	stream.indirect.gather [hbm4b:s2+s19], $0x80, s17, s19, $0xb8;
	[tilespmem:$0x1C500] =	vst v63  }
0x13b: {  	_ =	swait.ge [sflag:s28], $0x4000  }
0x13c: {  	[sflag:s28] =	ssyncset.done $0x0  }
0x13d: {  	[sflag:s28] =	ssyncadd.s32 $0xFFFFC000  }
0x13e: {  	[spmem:s3] =	stream.indirect.scatter.add.f32 [tilespmem:s23], [sflag:$0x9], $0x80, s29, s19, $0xb8;
	[tilespmem:$0x1C500] =	vst v63  }
0x13f: {  	_ =	swait.ge [sflag:s30], $0x4000  }
0x140: {  	[sflag:s30] =	ssyncset.done $0x0  }
0x141: {  	[sflag:s30] =	ssyncadd.s32 $0xFFFFC000  }
0x142: {  	_ =	swait.ge [sflag:s31], $0x100  }
0x143: {  	[sflag:s31] =	ssyncset.done $0x0  }
0x144: {  	[sflag:s31] =	ssyncadd.s32 $0xFFFFFF00  }
0x145: {  	v1 =	vld [tilespmem:$0x300]  }
0x146: {  	v2 =	vld [tilespmem:$0x310]  }
0x147: {  	v3 =	vld [tilespmem:$0x320]  }
0x148: {  	v61 =	vld [tilespmem:$0x330]  }
0x149: {  	v62 =	vld [tilespmem:$0x340]  }
0x14a: {  	v63 =	vld [tilespmem:$0x350];
	v1 =	vadd.s32 v0, v1  }
0x14b: {  	[tilespmem:$0x300] =	vst v1;
	v1 =	vadd.s32 v0, v2;
	v2 =	vld [tilespmem:$0x360]  }
0x14c: {  	[tilespmem:$0x310] =	vst v1;
	v1 =	vadd.s32 v0, v3;
	v3 =	vld [tilespmem:$0x370]  }
0x14d: {  	[tilespmem:$0x320] =	vst v1;
	v1 =	vadd.s32 v0, v61  }
0x14e: {  	[tilespmem:$0x330] =	vst v1;
	v1 =	vadd.s32 v0, v62  }
0x14f: {  	[tilespmem:$0x340] =	vst v1;
	v1 =	vadd.s32 v0, v63  }
0x150: {  	[tilespmem:$0x350] =	vst v1;
	v1 =	vadd.s32 v0, v2  }
0x151: {  	[tilespmem:$0x360] =	vst v1;
	v1 =	vadd.s32 v0, v3  }
0x152: {  	[tilespmem:$0x370] =	vst v1  }
0x153: {  	[tilespmem:s23], [sflag:$0x7] =	stream.indirect.gather [hbm4b:s2+s19], $0x80, s21, s19, $0xb8;
	[tilespmem:$0x1C500] =	vst v63  }
0x154: {  	_ =	swait.ge [sflag:s24], $0x4000  }
0x155: {  	[sflag:s24] =	ssyncset.done $0x0  }
0x156: {  	[sflag:s24] =	ssyncadd.s32 $0xFFFFC000  }
0x157: {  	[spmem:s3] =	stream.indirect.scatter.add.f32 [tilespmem:s20], [sflag:$0x8], $0x80, s0, s19, $0xb8;
	[tilespmem:$0x1C500] =	vst v63  }
0x158: {  	_ =	swait.ge [sflag:s25], $0x4000  }
0x159: {  	[sflag:s25] =	ssyncset.done $0x0  }
0x15a: {  	s9 =	simm.s32 @p0 $0x7;
	[sflag:s25] =	ssyncadd.s32 $0xFFFFC000  }
0x15b: {  	_ =	swait.ge @p0 [sflag:s9], $0x4000  }
0x15c: {  	s11 =	simm.s32 @p0 $0x4500;
	[sflag:s9] =	ssyncset.done @p0 $0x0  }
0x15d: {  	s10 =	simm.s32 @p0 $0x380;
	[sflag:s9] =	ssyncadd.s32 @p0 $0xFFFFC000;
	s9 =	simm.s32 @p0 $0x80  }
0x15e: {  	[spmem:s3] =	stream.indirect.scatter.add.f32 @p0 [tilespmem:s11], [sflag:$0x9], $0x80, s10, s9, $0xb8;
	[tilespmem:$0x1C500] =	vst v63  }
0x15f: {  	s9 =	simm.s32 @!p0 $0x5  }
0x160: {  	_ =	swait.ge @!p0 [sflag:s9], $0x100  }
0x161: {  	[sflag:s9] =	ssyncset.done @!p0 $0x0  }
0x162: {  	[sflag:s9] =	ssyncadd.s32 @!p0 $0xFFFFFF00  }
0x163: {  	v1 =	vld @!p0 [tilespmem:$0x400]  }
0x164: {  	v2 =	vld @!p0 [tilespmem:$0x410]  }
0x165: {  	v3 =	vld @!p0 [tilespmem:$0x420]  }
0x166: {  	v4 =	vld @!p0 [tilespmem:$0x430]  }
0x167: {  	v5 =	vld @!p0 [tilespmem:$0x440]  }
0x168: {  	v6 =	vld @!p0 [tilespmem:$0x450];
	v1 =	vadd.s32 @!p0 v0, v1  }
0x169: {  	[tilespmem:$0x400] =	vst @!p0 v1;
	v1 =	vadd.s32 @!p0 v0, v2;
	v2 =	vld @!p0 [tilespmem:$0x460]  }
0x16a: {  	[tilespmem:$0x410] =	vst @!p0 v1;
	v1 =	vadd.s32 @!p0 v0, v3;
	v3 =	vld @!p0 [tilespmem:$0x470]  }
0x16b: {  	[tilespmem:$0x420] =	vst @!p0 v1;
	v1 =	vadd.s32 @!p0 v0, v4  }
0x16c: {  	[tilespmem:$0x430] =	vst @!p0 v1;
	v1 =	vadd.s32 @!p0 v0, v5  }
0x16d: {  	[tilespmem:$0x440] =	vst @!p0 v1;
	v1 =	vadd.s32 @!p0 v0, v6  }
0x16e: {  	[tilespmem:$0x450] =	vst @!p0 v1;
	v1 =	vadd.s32 @!p0 v0, v2  }
0x16f: {  	[tilespmem:$0x460] =	vst @!p0 v1;
	v1 =	vadd.s32 @!p0 v0, v3  }
0x170: {  	s10 =	simm.s32 @!p0 $0x500;
	s9 =	simm.s32 @!p0 $0x80;
	[tilespmem:$0x470] =	vst @!p0 v1  }
0x171: {  	[tilespmem:s10], [sflag:$0x6] =	stream.indirect.gather @!p0 [hbm4b:s2+s9], $0x80, s8, s9, $0xb8;
	[tilespmem:$0x1C500] =	vst v63  }
0x172: {  	s8 =	simm.s32 @!p0 $0x7  }
0x173: {  	_ =	swait.ge @!p0 [sflag:s8], $0x4000  }
0x174: {  	[sflag:s8] =	ssyncset.done @!p0 $0x0  }
0x175: {  	s11 =	simm.s32 @!p0 $0x4500;
	[sflag:s8] =	ssyncadd.s32 @!p0 $0xFFFFC000;
	s8 =	simm.s32 @!p0 $0x380  }
0x176: {  	[spmem:s3] =	stream.indirect.scatter.add.f32 @!p0 [tilespmem:s11], [sflag:$0x9], $0x80, s8, s9, $0xb8;
	[tilespmem:$0x1C500] =	vst v63  }
0x177: {  	s8 =	simm.s32 @!p0 $0x9  }
0x178: {  	_ =	swait.ge @!p0 [sflag:s8], $0x4000  }
0x179: {  	[sflag:s8] =	ssyncset.done @!p0 $0x0  }
0x17a: {  	[sflag:s8] =	ssyncadd.s32 @!p0 $0xFFFFC000;
	s8 =	simm.s32 @!p0 $0x6  }
0x17b: {  	_ =	swait.ge @!p0 [sflag:s8], $0x4000  }
0x17c: {  	[sflag:s8] =	ssyncset.done @!p0 $0x0  }
0x17d: {  	[sflag:s8] =	ssyncadd.s32 @!p0 $0xFFFFC000;
	s8 =	simm.s32 @!p0 $0x480  }
0x17e: {  	[spmem:s3] =	stream.indirect.scatter.add.f32 @!p0 [tilespmem:s10], [sflag:$0xA], $0x80, s8, s9, $0xb8;
	[tilespmem:$0x1C500] =	vst v63  }
0x17f: {  	s8 =	simm.s32 @!p0 $0xA  }
0x180: {  	s8 =	simm.s32 @p0 $0x9  }
0x181: {  	_ =	swait.ge [sflag:s8], $0x4000  }
0x182: {  	s5 =	sadd.s32 $0x1, s5;
	[sflag:s8] =	ssyncset.done $0x0  }
0x183: {  	p1 =	sne.s32 s5, s12;
	[sflag:s8] =	ssyncadd.s32 $0xFFFFC000  }
.Ltmp1:
0x184: {  	[bflag:$0x0] =	sbarrier.arrive $0xFFFF;
	(pc) =	sbr.rel @p1 .LBB2_1-.Ltmp1, $4  }
0x185: {  	[hbm:s13], [sflag:s6] =	dma.local [spmem:s14], $0x2800  }
0x186: {  	_ =	swait.ge [sflag:s15], $0x2800  }
0x187: {  	[sflag:s15] =	ssyncset.done $0x0  }
0x188: {  	[sflag:s15] =	ssyncadd.s32 $0xFFFFD800  }
0x189: {  	_ =	sfence.sel $0x180000  }
0x18a: {  	[bflag:$0x0] =	sbarrier.arrive $0xFFFF  }
0x18b: {  	_ =	strace $0x90000047  }
0x18c: {  	s0 =	stileid.u32;
	[bflag:$0x2] =	sbarrier.arrive $0xFFFF  }
0x18d: {  	p0 =	sne.s32 s0, $0x0;
	s0 =	rddreg [dreg:$0x3]  }
0x18e: {  	s0 =	sadd.s32 @!p0 $0x100000, s0  }
0x18f: {  	[sflag:s0] =	ssyncadd.tile.s32 @!p0 $0x1;
	_ =	shalt  }
.Lfunc_end2:
_tile_overlayer_lowered:
.L_overlay_start_2:
0x190: {  	(tag) =	ssettag $0x2  }
0x191: {  	s0 =	rddreg [dreg:$0x0];
	s2 =	stileid.u32  }
0x192: {  	s1 =	rddreg [dreg:$0x1];
	p0 =	sne.s32 s2, $0x0  }
0x193: {  	s3 =	rddreg [dreg:$0x2];
	[bflag:$0x3] =	sbarrier.arrive $0xFFFF;
	s2 =	simm.s32 @!p0 $0x1C0A  }
0x194: {  	[timem:s3], [sflag:s2] =	dma.local @!p0 [hbm:s0], s1  }
0x195: {  	s0 =	simm.s32 @!p0 $0xA  }
0x196: {  	_ =	swait.ge @!p0 [sflag:s0], s1  }
0x197: {  	s1 =	ssub.s32 @!p0 $0x0, s1;
	[sflag:s0] =	ssyncset.done @!p0 $0x0  }
0x198: {  	[sflag:s0] =	ssyncadd.s32 @!p0 s1  }
0x199: {  	[bflag:$0x3] =	sbarrier.arrive $0xFFFF  }
0x19a: {  	_ =	shalt  }

</sc_bundles>
